<compile_context>
chip_gen: v7x
topology: tpu7x:2x2x1
jax: 0.10.2.dev20260603
libtpu: 0.0.44.dev20260713+nightly
codegen_flags: <defaults>
</compile_context>

<pallas_src>
import functools

import jax
import jax.numpy as jnp
from jax import lax
from jax.experimental import pallas as pl
from jax.experimental.pallas import tpu as pltpu
from jax.experimental.pallas import tpu_sc as plsc

_SLAB = 32
_L = 16


def _build(B, At, Nbr, F, NC, NW):
    C = Nbr * F
    n_slabs = C // _SLAB
    NCH = -(-At // _L)
    At_pad = NCH * _L
    mesh = plsc.VectorSubcoreMesh(core_axis_name="c", subcore_axis_name="s")

    @functools.partial(
        pl.kernel,
        mesh=mesh,
        out_type=jax.ShapeDtypeStruct((B, Nbr, C, At), jnp.float32),
        compiler_params=pltpu.CompilerParams(needs_layout_passes=False),
        scratch_types=[
            pltpu.VMEM((_SLAB, At), jnp.float32),
            [pltpu.VMEM((At_pad,), jnp.int32) for _ in range(2)],
            [pltpu.VMEM((_SLAB, At), jnp.float32) for _ in range(2)],
            [pltpu.SemaphoreType.DMA for _ in range(2)],
            [pltpu.SemaphoreType.DMA for _ in range(2)],
        ],
    )
    def k(table_hbm, idx_hbm, out_hbm, slab, ivs, obufs, isems, osems):
        wid = lax.axis_index("s") * NC + lax.axis_index("c")
        b = wid // n_slabs
        c0 = (wid - b * n_slabs) * _SLAB
        pltpu.sync_copy(table_hbm.at[b, pl.ds(c0, _SLAB)], slab)

        def idx_start(t, bf):
            pltpu.async_copy(idx_hbm.at[b, t], ivs[bf], isems[bf])

        def idx_wait(t, bf):
            pltpu.make_async_copy(
                idx_hbm.at[b, t], ivs[bf], isems[bf]).wait()

        def out_start(t, bf):
            pltpu.async_copy(
                obufs[bf], out_hbm.at[b, t, pl.ds(c0, _SLAB)], osems[bf])

        def out_wait(t, bf):
            pltpu.make_async_copy(
                obufs[bf], out_hbm.at[b, t, pl.ds(c0, _SLAB)],
                osems[bf]).wait()

        def compute(bf):
            @pl.loop(0, NCH)
            def _chunks(j):
                a0 = lax.min(j * _L, At - _L)
                iv = ivs[bf][pl.ds(a0, _L)]
                for half in range(_SLAB // _L):
                    vals = []
                    for rr in range(_L):
                        r = half * _L + rr
                        row = jnp.full((_L,), r, jnp.int32)
                        vals.append(plsc.load_gather(slab, [row, iv]))
                    for rr in range(_L):
                        obufs[bf][half * _L + rr, pl.ds(a0, _L)] = vals[rr]

        def visit(t, bf, fire_idx=True, wait_out=True):
            idx_wait(t, bf)
            if fire_idx:
                idx_start(t + 1, 1 - bf)
            if wait_out:
                out_wait(t - 2, bf)
            compute(bf)
            out_start(t, bf)

        idx_start(0, 0)
        visit(0, 0, wait_out=False)
        visit(1, 1, wait_out=False)

        @pl.loop(0, (Nbr - 4) // 2)
        def _body(i):
            t = 2 + 2 * i
            visit(t, 0)
            visit(t + 1, 1)

        visit(Nbr - 2, 0)
        visit(Nbr - 1, 1, fire_idx=False)
        out_wait(Nbr - 2, 0)
        out_wait(Nbr - 1, 1)

    return k


def kernel(edge_embedding, nbr_idx):
    B, At, Nbr, F = edge_embedding.shape
    C = Nbr * F

    info = plsc.get_sparse_core_info()
    NC, NS = info.num_cores, info.num_subcores
    NW = NC * NS

    table = edge_embedding.reshape(B, At, C).transpose(0, 2, 1)
    idxT = nbr_idx.astype(jnp.int32).transpose(0, 2, 1)
    pad = (-At) % _L
    idxT = jnp.pad(idxT, ((0, 0), (0, 0), (0, pad)))

    x3 = _build(B, At, Nbr, F, NC, NW)(table, idxT)
    return x3.reshape(B, Nbr, Nbr, F, At).transpose(0, 4, 1, 2, 3)

# --- scband reference (transcript-rebuilt; emitter-appended) ---
"""Pipeline reference for scband-get-edge-jk-7335804141781 (READ-ONLY COPY).

The authoritative reference and input builder live on the scoring server;
editing this copy changes nothing except your own understanding.
"""

import jax, jax.numpy as jnp
import numpy as np


def setup_inputs(seed: int = 0) -> dict:
    key = jax.random.key(seed)
    k1, k2 = jax.random.split(key)
    B, At, Nbr, F = 2, 1000, 32, 16
    edge_embedding = jax.random.normal(k1, (B, At, Nbr, F), dtype=jnp.float32)
    nbr_idx = jax.random.randint(k2, (B, At, Nbr), 0, At, dtype=jnp.int64)
    return {"edge_embedding": edge_embedding, "nbr_idx": nbr_idx}


def reference(edge_embedding, nbr_idx):
    # out[b, a, n1, n2, f] = edge_embedding[b, nbr_idx[b, a, n1], n2, f]
    B, At, Nbr, F = edge_embedding.shape
    edge_view = edge_embedding.reshape(B, At, Nbr * F)
    idx = nbr_idx.reshape(B, At * Nbr, 1)
    gathered = jnp.take_along_axis(edge_view, idx, axis=1)  # [B, At*Nbr, Nbr*F]
    edge_jk = gathered.reshape(B, At, Nbr, Nbr, F)
    return edge_jk

if __name__ == "__main__":
    import jax
    _d = setup_inputs()
    print(jax.jit(kernel)(*tuple(_d.values())))

</pallas_src>

<mosaic_0001>
#map = affine_map<(d0, d1) -> (0, 0, 0)>
#map1 = affine_map<(d0, d1) -> (0, 0, 0, 0)>
module attributes {stable_mosaic.version = 14 : i64} {
  func.func @k(%arg0: i32, %arg1: i32, %arg2: memref<2x512x1000xf32, #tpu.memory_space<hbm>>, %arg3: memref<2x32x1008xi32, #tpu.memory_space<hbm>>, %arg4: memref<2x32x512x1000xf32, #tpu.memory_space<hbm>>, %arg5: memref<32x1000xf32, #tpu.memory_space<vmem>>, %arg6: memref<1008xi32, #tpu.memory_space<vmem>>, %arg7: memref<1008xi32, #tpu.memory_space<vmem>>, %arg8: memref<32x1000xf32, #tpu.memory_space<vmem>>, %arg9: memref<32x1000xf32, #tpu.memory_space<vmem>>, %arg10: memref<!tpu.dma_semaphore, #tpu.memory_space<semaphore_mem>>, %arg11: memref<!tpu.dma_semaphore, #tpu.memory_space<semaphore_mem>>, %arg12: memref<!tpu.dma_semaphore, #tpu.memory_space<semaphore_mem>>, %arg13: memref<!tpu.dma_semaphore, #tpu.memory_space<semaphore_mem>>) attributes {dimension_semantics = [#tpu.dimension_semantics<core_parallel>, #tpu.dimension_semantics<subcore_parallel>], iteration_bounds = array<i64: 2, 16>, scalar_prefetch = 0 : i64, scratch_operands = 9 : i64, tpu.core_type = #tpu.core_type<sc_vector_subcore>, window_params = [{transform_indices = #map}, {transform_indices = #map}, {transform_indices = #map1}]} {
    %mul3A = arith.constant 2 : i32
    %mul3A_0 = arith.muli %arg1, %mul3A : i32
    %add3A = arith.addi %mul3A_0, %arg0 : i32
    %jit3A = arith.constant 16 : i32
    %div3A = arith.divsi %add3A, %jit3A : i32
    %sign3A = arith.constant 0 : i32
    %sign3A_1 = arith.cmpi sgt, %add3A, %sign3A : i32
    %sign3A_2 = arith.extui %sign3A_1 : i1 to i32
    %sign3A_3 = arith.constant 0 : i32
    %sign3A_4 = arith.cmpi slt, %add3A, %sign3A_3 : i32
    %sign3A_5 = arith.extui %sign3A_4 : i1 to i32
    %sign3A_6 = arith.subi %sign3A_2, %sign3A_5 : i32
    %sign3A_7 = arith.constant 0 : i32
    %sign3A_8 = arith.cmpi sgt, %jit3A, %sign3A_7 : i32
    %sign3A_9 = arith.extui %sign3A_8 : i1 to i32
    %sign3A_10 = arith.constant 0 : i32
    %sign3A_11 = arith.cmpi slt, %jit3A, %sign3A_10 : i32
    %sign3A_12 = arith.extui %sign3A_11 : i1 to i32
    %sign3A_13 = arith.subi %sign3A_9, %sign3A_12 : i32
    %ne3A = arith.cmpi ne, %sign3A_6, %sign3A_13 : i32
    %rem3A = arith.remsi %add3A, %jit3A : i32
    %ne3A_14 = arith.constant 0 : i32
    %ne3A_15 = arith.cmpi ne, %rem3A, %ne3A_14 : i32
    %and3A = arith.andi %ne3A, %ne3A_15 : i1
    %sub3A = arith.constant 1 : i32
    %sub3A_16 = arith.subi %div3A, %sub3A : i32
    %select_n3A = arith.select %and3A, %sub3A_16, %div3A : i32
    %mul3A_17 = arith.constant 16 : i32
    %mul3A_18 = arith.muli %select_n3A, %mul3A_17 : i32
    %sub3A_19 = arith.subi %add3A, %mul3A_18 : i32
    %mul3A_20 = arith.constant 32 : i32
    %mul3A_21 = arith.muli %sub3A_19, %mul3A_20 : i32
    "tpu.region"() ({
      %run_scoped3A = tpu.sem_alloc : memref<!tpu.dma_semaphore, #tpu.memory_space<semaphore_mem>>
      %dma_start3A_156 = arith.constant 0 : i32
      %dma_start3A_157 = tpu.memref_slice %arg2[%select_n3A, %mul3A_21, %dma_start3A_156] : memref<2x512x1000xf32, #tpu.memory_space<hbm>> -> memref<1x32x1000xf32, #tpu.memory_space<hbm>>
      %dma_start3A_158 = tpu.memref_squeeze %dma_start3A_157 : memref<1x32x1000xf32, #tpu.memory_space<hbm>> -> memref<32x1000xf32, #tpu.memory_space<hbm>>
      %dma_start3A_159 = arith.constant 0 : i32
      %dma_start3A_160 = tpu.memref_slice %arg2[%select_n3A, %mul3A_21, %dma_start3A_159] : memref<2x512x1000xf32, #tpu.memory_space<hbm>> -> memref<1x32x1000xf32, #tpu.memory_space<hbm>>
      %dma_start3A_161 = tpu.memref_squeeze %dma_start3A_160 : memref<1x32x1000xf32, #tpu.memory_space<hbm>> -> memref<32x1000xf32, #tpu.memory_space<hbm>>
      tpu.enqueue_dma source(%dma_start3A_161 : memref<32x1000xf32, #tpu.memory_space<hbm>>) target(%arg5 : memref<32x1000xf32, #tpu.memory_space<vmem>>) target_semaphore(%run_scoped3A : memref<!tpu.dma_semaphore, #tpu.memory_space<semaphore_mem>>)
      %dma_wait3A_162 = arith.constant 0 : i32
      %dma_wait3A_163 = tpu.memref_slice %arg2[%select_n3A, %mul3A_21, %dma_wait3A_162] : memref<2x512x1000xf32, #tpu.memory_space<hbm>> -> memref<1x32x1000xf32, #tpu.memory_space<hbm>>
      %dma_wait3A_164 = tpu.memref_squeeze %dma_wait3A_163 : memref<1x32x1000xf32, #tpu.memory_space<hbm>> -> memref<32x1000xf32, #tpu.memory_space<hbm>>
      %dma_wait3A_165 = arith.constant 0 : i32
      %dma_wait3A_166 = tpu.memref_slice %arg2[%select_n3A, %mul3A_21, %dma_wait3A_165] : memref<2x512x1000xf32, #tpu.memory_space<hbm>> -> memref<1x32x1000xf32, #tpu.memory_space<hbm>>
      %dma_wait3A_167 = tpu.memref_squeeze %dma_wait3A_166 : memref<1x32x1000xf32, #tpu.memory_space<hbm>> -> memref<32x1000xf32, #tpu.memory_space<hbm>>
      tpu.wait_dma2 semaphore(%run_scoped3A : memref<!tpu.dma_semaphore, #tpu.memory_space<semaphore_mem>>) src(%dma_wait3A_167 : memref<32x1000xf32, #tpu.memory_space<hbm>>) dst(%arg5 : memref<32x1000xf32, #tpu.memory_space<vmem>>)
      tpu.yield
    }) : () -> ()
    %dma_start3A = arith.constant 0 : i32
    %dma_start3A_22 = arith.constant 0 : i32
    %dma_start3A_23 = tpu.memref_slice %arg3[%select_n3A, %dma_start3A, %dma_start3A_22] : memref<2x32x1008xi32, #tpu.memory_space<hbm>> -> memref<1x1x1008xi32, #tpu.memory_space<hbm>>
    %dma_start3A_24 = tpu.memref_squeeze %dma_start3A_23 : memref<1x1x1008xi32, #tpu.memory_space<hbm>> -> memref<1008xi32, #tpu.memory_space<hbm>>
    %dma_start3A_25 = arith.constant 0 : i32
    %dma_start3A_26 = tpu.memref_slice %arg3[%select_n3A, %dma_start3A, %dma_start3A_25] : memref<2x32x1008xi32, #tpu.memory_space<hbm>> -> memref<1x1x1008xi32, #tpu.memory_space<hbm>>
    %dma_start3A_27 = tpu.memref_squeeze %dma_start3A_26 : memref<1x1x1008xi32, #tpu.memory_space<hbm>> -> memref<1008xi32, #tpu.memory_space<hbm>>
    tpu.enqueue_dma source(%dma_start3A_27 : memref<1008xi32, #tpu.memory_space<hbm>>) target(%arg6 : memref<1008xi32, #tpu.memory_space<vmem>>) target_semaphore(%arg10 : memref<!tpu.dma_semaphore, #tpu.memory_space<semaphore_mem>>)
    %dma_wait3A = arith.constant 0 : i32
    %dma_wait3A_28 = arith.constant 0 : i32
    %dma_wait3A_29 = tpu.memref_slice %arg3[%select_n3A, %dma_wait3A, %dma_wait3A_28] : memref<2x32x1008xi32, #tpu.memory_space<hbm>> -> memref<1x1x1008xi32, #tpu.memory_space<hbm>>
    %dma_wait3A_30 = tpu.memref_squeeze %dma_wait3A_29 : memref<1x1x1008xi32, #tpu.memory_space<hbm>> -> memref<1008xi32, #tpu.memory_space<hbm>>
    %dma_wait3A_31 = arith.constant 0 : i32
    %dma_wait3A_32 = tpu.memref_slice %arg3[%select_n3A, %dma_wait3A, %dma_wait3A_31] : memref<2x32x1008xi32, #tpu.memory_space<hbm>> -> memref<1x1x1008xi32, #tpu.memory_space<hbm>>
    %dma_wait3A_33 = tpu.memref_squeeze %dma_wait3A_32 : memref<1x1x1008xi32, #tpu.memory_space<hbm>> -> memref<1008xi32, #tpu.memory_space<hbm>>
    tpu.wait_dma2 semaphore(%arg10 : memref<!tpu.dma_semaphore, #tpu.memory_space<semaphore_mem>>) src(%dma_wait3A_33 : memref<1008xi32, #tpu.memory_space<hbm>>) dst(%arg6 : memref<1008xi32, #tpu.memory_space<vmem>>)
    %dma_start3A_34 = arith.constant 1 : i32
    %dma_start3A_35 = arith.constant 0 : i32
    %dma_start3A_36 = tpu.memref_slice %arg3[%select_n3A, %dma_start3A_34, %dma_start3A_35] : memref<2x32x1008xi32, #tpu.memory_space<hbm>> -> memref<1x1x1008xi32, #tpu.memory_space<hbm>>
    %dma_start3A_37 = tpu.memref_squeeze %dma_start3A_36 : memref<1x1x1008xi32, #tpu.memory_space<hbm>> -> memref<1008xi32, #tpu.memory_space<hbm>>
    %dma_start3A_38 = arith.constant 0 : i32
    %dma_start3A_39 = tpu.memref_slice %arg3[%select_n3A, %dma_start3A_34, %dma_start3A_38] : memref<2x32x1008xi32, #tpu.memory_space<hbm>> -> memref<1x1x1008xi32, #tpu.memory_space<hbm>>
    %dma_start3A_40 = tpu.memref_squeeze %dma_start3A_39 : memref<1x1x1008xi32, #tpu.memory_space<hbm>> -> memref<1008xi32, #tpu.memory_space<hbm>>
    tpu.enqueue_dma source(%dma_start3A_40 : memref<1008xi32, #tpu.memory_space<hbm>>) target(%arg7 : memref<1008xi32, #tpu.memory_space<vmem>>) target_semaphore(%arg11 : memref<!tpu.dma_semaphore, #tpu.memory_space<semaphore_mem>>)
    %scan3A = arith.constant 0 : i32
    %scan3A_41 = arith.constant 63 : i32
    %scan3A_42 = arith.addi %scan3A, %scan3A_41 : i32
    %scan3A_43 = arith.constant 1 : i32
    scf.for %scan3A_156 = %scan3A to %scan3A_42 step %scan3A_43  : i32 {
      %mul3A_157 = arith.constant 1 : i32
      %mul3A_158 = arith.muli %scan3A_156, %mul3A_157 : i32
      %add3A_159 = arith.constant 0 : i32
      %add3A_160 = arith.addi %add3A_159, %mul3A_158 : i32
      %mul3A_161 = arith.constant 16 : i32
      %mul3A_162 = arith.muli %add3A_160, %mul3A_161 : i32
      %min3A = arith.constant 984 : i32
      %min3A_163 = arith.minsi %mul3A_162, %min3A : i32
      %get3A = arith.index_cast %min3A_163 : i32 to index
      %get3A_164 = tpu.vector_load %arg6[%get3A] {strides = array<i32>} : memref<1008xi32, #tpu.memory_space<vmem>>, vector<16xi32>,
      %broadcast_in_dim3A = arith.constant 0 : i32
      %broadcast_in_dim3A_165 = vector.broadcast %broadcast_in_dim3A : i32 to vector<16xi32>
      %gather3A = tpu.vector_load_idx %arg5[%broadcast_in_dim3A_165, %get3A_164] : memref<32x1000xf32, #tpu.memory_space<vmem>>[vector<16xi32>, vector<16xi32>], vector<16xf32>,
      %broadcast_in_dim3A_166 = arith.constant 1 : i32
      %broadcast_in_dim3A_167 = vector.broadcast %broadcast_in_dim3A_166 : i32 to vector<16xi32>
      %gather3A_168 = tpu.vector_load_idx %arg5[%broadcast_in_dim3A_167, %get3A_164] : memref<32x1000xf32, #tpu.memory_space<vmem>>[vector<16xi32>, vector<16xi32>], vector<16xf32>,
      %broadcast_in_dim3A_169 = arith.constant 2 : i32
      %broadcast_in_dim3A_170 = vector.broadcast %broadcast_in_dim3A_169 : i32 to vector<16xi32>
      %gather3A_171 = tpu.vector_load_idx %arg5[%broadcast_in_dim3A_170, %get3A_164] : memref<32x1000xf32, #tpu.memory_space<vmem>>[vector<16xi32>, vector<16xi32>], vector<16xf32>,
      %broadcast_in_dim3A_172 = arith.constant 3 : i32
      %broadcast_in_dim3A_173 = vector.broadcast %broadcast_in_dim3A_172 : i32 to vector<16xi32>
      %gather3A_174 = tpu.vector_load_idx %arg5[%broadcast_in_dim3A_173, %get3A_164] : memref<32x1000xf32, #tpu.memory_space<vmem>>[vector<16xi32>, vector<16xi32>], vector<16xf32>,
      %broadcast_in_dim3A_175 = arith.constant 4 : i32
      %broadcast_in_dim3A_176 = vector.broadcast %broadcast_in_dim3A_175 : i32 to vector<16xi32>
      %gather3A_177 = tpu.vector_load_idx %arg5[%broadcast_in_dim3A_176, %get3A_164] : memref<32x1000xf32, #tpu.memory_space<vmem>>[vector<16xi32>, vector<16xi32>], vector<16xf32>,
      %broadcast_in_dim3A_178 = arith.constant 5 : i32
      %broadcast_in_dim3A_179 = vector.broadcast %broadcast_in_dim3A_178 : i32 to vector<16xi32>
      %gather3A_180 = tpu.vector_load_idx %arg5[%broadcast_in_dim3A_179, %get3A_164] : memref<32x1000xf32, #tpu.memory_space<vmem>>[vector<16xi32>, vector<16xi32>], vector<16xf32>,
      %broadcast_in_dim3A_181 = arith.constant 6 : i32
      %broadcast_in_dim3A_182 = vector.broadcast %broadcast_in_dim3A_181 : i32 to vector<16xi32>
      %gather3A_183 = tpu.vector_load_idx %arg5[%broadcast_in_dim3A_182, %get3A_164] : memref<32x1000xf32, #tpu.memory_space<vmem>>[vector<16xi32>, vector<16xi32>], vector<16xf32>,
      %broadcast_in_dim3A_184 = arith.constant 7 : i32
      %broadcast_in_dim3A_185 = vector.broadcast %broadcast_in_dim3A_184 : i32 to vector<16xi32>
      %gather3A_186 = tpu.vector_load_idx %arg5[%broadcast_in_dim3A_185, %get3A_164] : memref<32x1000xf32, #tpu.memory_space<vmem>>[vector<16xi32>, vector<16xi32>], vector<16xf32>,
      %broadcast_in_dim3A_187 = arith.constant 8 : i32
      %broadcast_in_dim3A_188 = vector.broadcast %broadcast_in_dim3A_187 : i32 to vector<16xi32>
      %gather3A_189 = tpu.vector_load_idx %arg5[%broadcast_in_dim3A_188, %get3A_164] : memref<32x1000xf32, #tpu.memory_space<vmem>>[vector<16xi32>, vector<16xi32>], vector<16xf32>,
      %broadcast_in_dim3A_190 = arith.constant 9 : i32
      %broadcast_in_dim3A_191 = vector.broadcast %broadcast_in_dim3A_190 : i32 to vector<16xi32>
      %gather3A_192 = tpu.vector_load_idx %arg5[%broadcast_in_dim3A_191, %get3A_164] : memref<32x1000xf32, #tpu.memory_space<vmem>>[vector<16xi32>, vector<16xi32>], vector<16xf32>,
      %broadcast_in_dim3A_193 = arith.constant 10 : i32
      %broadcast_in_dim3A_194 = vector.broadcast %broadcast_in_dim3A_193 : i32 to vector<16xi32>
      %gather3A_195 = tpu.vector_load_idx %arg5[%broadcast_in_dim3A_194, %get3A_164] : memref<32x1000xf32, #tpu.memory_space<vmem>>[vector<16xi32>, vector<16xi32>], vector<16xf32>,
      %broadcast_in_dim3A_196 = arith.constant 11 : i32
      %broadcast_in_dim3A_197 = vector.broadcast %broadcast_in_dim3A_196 : i32 to vector<16xi32>
      %gather3A_198 = tpu.vector_load_idx %arg5[%broadcast_in_dim3A_197, %get3A_164] : memref<32x1000xf32, #tpu.memory_space<vmem>>[vector<16xi32>, vector<16xi32>], vector<16xf32>,
      %broadcast_in_dim3A_199 = arith.constant 12 : i32
      %broadcast_in_dim3A_200 = vector.broadcast %broadcast_in_dim3A_199 : i32 to vector<16xi32>
      %gather3A_201 = tpu.vector_load_idx %arg5[%broadcast_in_dim3A_200, %get3A_164] : memref<32x1000xf32, #tpu.memory_space<vmem>>[vector<16xi32>, vector<16xi32>], vector<16xf32>,
      %broadcast_in_dim3A_202 = arith.constant 13 : i32
      %broadcast_in_dim3A_203 = vector.broadcast %broadcast_in_dim3A_202 : i32 to vector<16xi32>
      %gather3A_204 = tpu.vector_load_idx %arg5[%broadcast_in_dim3A_203, %get3A_164] : memref<32x1000xf32, #tpu.memory_space<vmem>>[vector<16xi32>, vector<16xi32>], vector<16xf32>,
      %broadcast_in_dim3A_205 = arith.constant 14 : i32
      %broadcast_in_dim3A_206 = vector.broadcast %broadcast_in_dim3A_205 : i32 to vector<16xi32>
      %gather3A_207 = tpu.vector_load_idx %arg5[%broadcast_in_dim3A_206, %get3A_164] : memref<32x1000xf32, #tpu.memory_space<vmem>>[vector<16xi32>, vector<16xi32>], vector<16xf32>,
      %broadcast_in_dim3A_208 = arith.constant 15 : i32
      %broadcast_in_dim3A_209 = vector.broadcast %broadcast_in_dim3A_208 : i32 to vector<16xi32>
      %gather3A_210 = tpu.vector_load_idx %arg5[%broadcast_in_dim3A_209, %get3A_164] : memref<32x1000xf32, #tpu.memory_space<vmem>>[vector<16xi32>, vector<16xi32>], vector<16xf32>,
      %swap3A = arith.constant 0 : i32
      %swap3A_211 = arith.index_cast %swap3A : i32 to index
      %swap3A_212 = arith.index_cast %min3A_163 : i32 to index
      %swap3A_213 = tpu.vector_load %arg8[%swap3A_211, %swap3A_212] {strides = array<i32>} : memref<32x1000xf32, #tpu.memory_space<vmem>>, vector<16xf32>,
      tpu.vector_store %arg8[%swap3A_211, %swap3A_212], %gather3A {strides = array<i32>} : memref<32x1000xf32, #tpu.memory_space<vmem>>, vector<16xf32>,
      %swap3A_214 = arith.constant 1 : i32
      %swap3A_215 = arith.index_cast %swap3A_214 : i32 to index
      %swap3A_216 = arith.index_cast %min3A_163 : i32 to index
      %swap3A_217 = tpu.vector_load %arg8[%swap3A_215, %swap3A_216] {strides = array<i32>} : memref<32x1000xf32, #tpu.memory_space<vmem>>, vector<16xf32>,
      tpu.vector_store %arg8[%swap3A_215, %swap3A_216], %gather3A_168 {strides = array<i32>} : memref<32x1000xf32, #tpu.memory_space<vmem>>, vector<16xf32>,
      %swap3A_218 = arith.constant 2 : i32
      %swap3A_219 = arith.index_cast %swap3A_218 : i32 to index
      %swap3A_220 = arith.index_cast %min3A_163 : i32 to index
      %swap3A_221 = tpu.vector_load %arg8[%swap3A_219, %swap3A_220] {strides = array<i32>} : memref<32x1000xf32, #tpu.memory_space<vmem>>, vector<16xf32>,
      tpu.vector_store %arg8[%swap3A_219, %swap3A_220], %gather3A_171 {strides = array<i32>} : memref<32x1000xf32, #tpu.memory_space<vmem>>, vector<16xf32>,
      %swap3A_222 = arith.constant 3 : i32
      %swap3A_223 = arith.index_cast %swap3A_222 : i32 to index
      %swap3A_224 = arith.index_cast %min3A_163 : i32 to index
      %swap3A_225 = tpu.vector_load %arg8[%swap3A_223, %swap3A_224] {strides = array<i32>} : memref<32x1000xf32, #tpu.memory_space<vmem>>, vector<16xf32>,
      tpu.vector_store %arg8[%swap3A_223, %swap3A_224], %gather3A_174 {strides = array<i32>} : memref<32x1000xf32, #tpu.memory_space<vmem>>, vector<16xf32>,
      %swap3A_226 = arith.constant 4 : i32
      %swap3A_227 = arith.index_cast %swap3A_226 : i32 to index
      %swap3A_228 = arith.index_cast %min3A_163 : i32 to index
      %swap3A_229 = tpu.vector_load %arg8[%swap3A_227, %swap3A_228] {strides = array<i32>} : memref<32x1000xf32, #tpu.memory_space<vmem>>, vector<16xf32>,
      tpu.vector_store %arg8[%swap3A_227, %swap3A_228], %gather3A_177 {strides = array<i32>} : memref<32x1000xf32, #tpu.memory_space<vmem>>, vector<16xf32>,
      %swap3A_230 = arith.constant 5 : i32
      %swap3A_231 = arith.index_cast %swap3A_230 : i32 to index
      %swap3A_232 = arith.index_cast %min3A_163 : i32 to index
      %swap3A_233 = tpu.vector_load %arg8[%swap3A_231, %swap3A_232] {strides = array<i32>} : memref<32x1000xf32, #tpu.memory_space<vmem>>, vector<16xf32>,
      tpu.vector_store %arg8[%swap3A_231, %swap3A_232], %gather3A_180 {strides = array<i32>} : memref<32x1000xf32, #tpu.memory_space<vmem>>, vector<16xf32>,
      %swap3A_234 = arith.constant 6 : i32
      %swap3A_235 = arith.index_cast %swap3A_234 : i32 to index
      %swap3A_236 = arith.index_cast %min3A_163 : i32 to index
      %swap3A_237 = tpu.vector_load %arg8[%swap3A_235, %swap3A_236] {strides = array<i32>} : memref<32x1000xf32, #tpu.memory_space<vmem>>, vector<16xf32>,
      tpu.vector_store %arg8[%swap3A_235, %swap3A_236], %gather3A_183 {strides = array<i32>} : memref<32x1000xf32, #tpu.memory_space<vmem>>, vector<16xf32>,
      %swap3A_238 = arith.constant 7 : i32
      %swap3A_239 = arith.index_cast %swap3A_238 : i32 to index
      %swap3A_240 = arith.index_cast %min3A_163 : i32 to index
      %swap3A_241 = tpu.vector_load %arg8[%swap3A_239, %swap3A_240] {strides = array<i32>} : memref<32x1000xf32, #tpu.memory_space<vmem>>, vector<16xf32>,
      tpu.vector_store %arg8[%swap3A_239, %swap3A_240], %gather3A_186 {strides = array<i32>} : memref<32x1000xf32, #tpu.memory_space<vmem>>, vector<16xf32>,
      %swap3A_242 = arith.constant 8 : i32
      %swap3A_243 = arith.index_cast %swap3A_242 : i32 to index
      %swap3A_244 = arith.index_cast %min3A_163 : i32 to index
      %swap3A_245 = tpu.vector_load %arg8[%swap3A_243, %swap3A_244] {strides = array<i32>} : memref<32x1000xf32, #tpu.memory_space<vmem>>, vector<16xf32>,
      tpu.vector_store %arg8[%swap3A_243, %swap3A_244], %gather3A_189 {strides = array<i32>} : memref<32x1000xf32, #tpu.memory_space<vmem>>, vector<16xf32>,
      %swap3A_246 = arith.constant 9 : i32
      %swap3A_247 = arith.index_cast %swap3A_246 : i32 to index
      %swap3A_248 = arith.index_cast %min3A_163 : i32 to index
      %swap3A_249 = tpu.vector_load %arg8[%swap3A_247, %swap3A_248] {strides = array<i32>} : memref<32x1000xf32, #tpu.memory_space<vmem>>, vector<16xf32>,
      tpu.vector_store %arg8[%swap3A_247, %swap3A_248], %gather3A_192 {strides = array<i32>} : memref<32x1000xf32, #tpu.memory_space<vmem>>, vector<16xf32>,
      %swap3A_250 = arith.constant 10 : i32
      %swap3A_251 = arith.index_cast %swap3A_250 : i32 to index
      %swap3A_252 = arith.index_cast %min3A_163 : i32 to index
      %swap3A_253 = tpu.vector_load %arg8[%swap3A_251, %swap3A_252] {strides = array<i32>} : memref<32x1000xf32, #tpu.memory_space<vmem>>, vector<16xf32>,
      tpu.vector_store %arg8[%swap3A_251, %swap3A_252], %gather3A_195 {strides = array<i32>} : memref<32x1000xf32, #tpu.memory_space<vmem>>, vector<16xf32>,
      %swap3A_254 = arith.constant 11 : i32
      %swap3A_255 = arith.index_cast %swap3A_254 : i32 to index
      %swap3A_256 = arith.index_cast %min3A_163 : i32 to index
      %swap3A_257 = tpu.vector_load %arg8[%swap3A_255, %swap3A_256] {strides = array<i32>} : memref<32x1000xf32, #tpu.memory_space<vmem>>, vector<16xf32>,
      tpu.vector_store %arg8[%swap3A_255, %swap3A_256], %gather3A_198 {strides = array<i32>} : memref<32x1000xf32, #tpu.memory_space<vmem>>, vector<16xf32>,
      %swap3A_258 = arith.constant 12 : i32
      %swap3A_259 = arith.index_cast %swap3A_258 : i32 to index
      %swap3A_260 = arith.index_cast %min3A_163 : i32 to index
      %swap3A_261 = tpu.vector_load %arg8[%swap3A_259, %swap3A_260] {strides = array<i32>} : memref<32x1000xf32, #tpu.memory_space<vmem>>, vector<16xf32>,
      tpu.vector_store %arg8[%swap3A_259, %swap3A_260], %gather3A_201 {strides = array<i32>} : memref<32x1000xf32, #tpu.memory_space<vmem>>, vector<16xf32>,
      %swap3A_262 = arith.constant 13 : i32
      %swap3A_263 = arith.index_cast %swap3A_262 : i32 to index
      %swap3A_264 = arith.index_cast %min3A_163 : i32 to index
      %swap3A_265 = tpu.vector_load %arg8[%swap3A_263, %swap3A_264] {strides = array<i32>} : memref<32x1000xf32, #tpu.memory_space<vmem>>, vector<16xf32>,
      tpu.vector_store %arg8[%swap3A_263, %swap3A_264], %gather3A_204 {strides = array<i32>} : memref<32x1000xf32, #tpu.memory_space<vmem>>, vector<16xf32>,
      %swap3A_266 = arith.constant 14 : i32
      %swap3A_267 = arith.index_cast %swap3A_266 : i32 to index
      %swap3A_268 = arith.index_cast %min3A_163 : i32 to index
      %swap3A_269 = tpu.vector_load %arg8[%swap3A_267, %swap3A_268] {strides = array<i32>} : memref<32x1000xf32, #tpu.memory_space<vmem>>, vector<16xf32>,
      tpu.vector_store %arg8[%swap3A_267, %swap3A_268], %gather3A_207 {strides = array<i32>} : memref<32x1000xf32, #tpu.memory_space<vmem>>, vector<16xf32>,
      %swap3A_270 = arith.constant 15 : i32
      %swap3A_271 = arith.index_cast %swap3A_270 : i32 to index
      %swap3A_272 = arith.index_cast %min3A_163 : i32 to index
      %swap3A_273 = tpu.vector_load %arg8[%swap3A_271, %swap3A_272] {strides = array<i32>} : memref<32x1000xf32, #tpu.memory_space<vmem>>, vector<16xf32>,
      tpu.vector_store %arg8[%swap3A_271, %swap3A_272], %gather3A_210 {strides = array<i32>} : memref<32x1000xf32, #tpu.memory_space<vmem>>, vector<16xf32>,
      %broadcast_in_dim3A_274 = arith.constant 16 : i32
      %broadcast_in_dim3A_275 = vector.broadcast %broadcast_in_dim3A_274 : i32 to vector<16xi32>
      %gather3A_276 = tpu.vector_load_idx %arg5[%broadcast_in_dim3A_275, %get3A_164] : memref<32x1000xf32, #tpu.memory_space<vmem>>[vector<16xi32>, vector<16xi32>], vector<16xf32>,
      %broadcast_in_dim3A_277 = arith.constant 17 : i32
      %broadcast_in_dim3A_278 = vector.broadcast %broadcast_in_dim3A_277 : i32 to vector<16xi32>
      %gather3A_279 = tpu.vector_load_idx %arg5[%broadcast_in_dim3A_278, %get3A_164] : memref<32x1000xf32, #tpu.memory_space<vmem>>[vector<16xi32>, vector<16xi32>], vector<16xf32>,
      %broadcast_in_dim3A_280 = arith.constant 18 : i32
      %broadcast_in_dim3A_281 = vector.broadcast %broadcast_in_dim3A_280 : i32 to vector<16xi32>
      %gather3A_282 = tpu.vector_load_idx %arg5[%broadcast_in_dim3A_281, %get3A_164] : memref<32x1000xf32, #tpu.memory_space<vmem>>[vector<16xi32>, vector<16xi32>], vector<16xf32>,
      %broadcast_in_dim3A_283 = arith.constant 19 : i32
      %broadcast_in_dim3A_284 = vector.broadcast %broadcast_in_dim3A_283 : i32 to vector<16xi32>
      %gather3A_285 = tpu.vector_load_idx %arg5[%broadcast_in_dim3A_284, %get3A_164] : memref<32x1000xf32, #tpu.memory_space<vmem>>[vector<16xi32>, vector<16xi32>], vector<16xf32>,
      %broadcast_in_dim3A_286 = arith.constant 20 : i32
      %broadcast_in_dim3A_287 = vector.broadcast %broadcast_in_dim3A_286 : i32 to vector<16xi32>
      %gather3A_288 = tpu.vector_load_idx %arg5[%broadcast_in_dim3A_287, %get3A_164] : memref<32x1000xf32, #tpu.memory_space<vmem>>[vector<16xi32>, vector<16xi32>], vector<16xf32>,
      %broadcast_in_dim3A_289 = arith.constant 21 : i32
      %broadcast_in_dim3A_290 = vector.broadcast %broadcast_in_dim3A_289 : i32 to vector<16xi32>
      %gather3A_291 = tpu.vector_load_idx %arg5[%broadcast_in_dim3A_290, %get3A_164] : memref<32x1000xf32, #tpu.memory_space<vmem>>[vector<16xi32>, vector<16xi32>], vector<16xf32>,
      %broadcast_in_dim3A_292 = arith.constant 22 : i32
      %broadcast_in_dim3A_293 = vector.broadcast %broadcast_in_dim3A_292 : i32 to vector<16xi32>
      %gather3A_294 = tpu.vector_load_idx %arg5[%broadcast_in_dim3A_293, %get3A_164] : memref<32x1000xf32, #tpu.memory_space<vmem>>[vector<16xi32>, vector<16xi32>], vector<16xf32>,
      %broadcast_in_dim3A_295 = arith.constant 23 : i32
      %broadcast_in_dim3A_296 = vector.broadcast %broadcast_in_dim3A_295 : i32 to vector<16xi32>
      %gather3A_297 = tpu.vector_load_idx %arg5[%broadcast_in_dim3A_296, %get3A_164] : memref<32x1000xf32, #tpu.memory_space<vmem>>[vector<16xi32>, vector<16xi32>], vector<16xf32>,
      %broadcast_in_dim3A_298 = arith.constant 24 : i32
      %broadcast_in_dim3A_299 = vector.broadcast %broadcast_in_dim3A_298 : i32 to vector<16xi32>
      %gather3A_300 = tpu.vector_load_idx %arg5[%broadcast_in_dim3A_299, %get3A_164] : memref<32x1000xf32, #tpu.memory_space<vmem>>[vector<16xi32>, vector<16xi32>], vector<16xf32>,
      %broadcast_in_dim3A_301 = arith.constant 25 : i32
      %broadcast_in_dim3A_302 = vector.broadcast %broadcast_in_dim3A_301 : i32 to vector<16xi32>
      %gather3A_303 = tpu.vector_load_idx %arg5[%broadcast_in_dim3A_302, %get3A_164] : memref<32x1000xf32, #tpu.memory_space<vmem>>[vector<16xi32>, vector<16xi32>], vector<16xf32>,
      %broadcast_in_dim3A_304 = arith.constant 26 : i32
      %broadcast_in_dim3A_305 = vector.broadcast %broadcast_in_dim3A_304 : i32 to vector<16xi32>
      %gather3A_306 = tpu.vector_load_idx %arg5[%broadcast_in_dim3A_305, %get3A_164] : memref<32x1000xf32, #tpu.memory_space<vmem>>[vector<16xi32>, vector<16xi32>], vector<16xf32>,
      %broadcast_in_dim3A_307 = arith.constant 27 : i32
      %broadcast_in_dim3A_308 = vector.broadcast %broadcast_in_dim3A_307 : i32 to vector<16xi32>
      %gather3A_309 = tpu.vector_load_idx %arg5[%broadcast_in_dim3A_308, %get3A_164] : memref<32x1000xf32, #tpu.memory_space<vmem>>[vector<16xi32>, vector<16xi32>], vector<16xf32>,
      %broadcast_in_dim3A_310 = arith.constant 28 : i32
      %broadcast_in_dim3A_311 = vector.broadcast %broadcast_in_dim3A_310 : i32 to vector<16xi32>
      %gather3A_312 = tpu.vector_load_idx %arg5[%broadcast_in_dim3A_311, %get3A_164] : memref<32x1000xf32, #tpu.memory_space<vmem>>[vector<16xi32>, vector<16xi32>], vector<16xf32>,
      %broadcast_in_dim3A_313 = arith.constant 29 : i32
      %broadcast_in_dim3A_314 = vector.broadcast %broadcast_in_dim3A_313 : i32 to vector<16xi32>
      %gather3A_315 = tpu.vector_load_idx %arg5[%broadcast_in_dim3A_314, %get3A_164] : memref<32x1000xf32, #tpu.memory_space<vmem>>[vector<16xi32>, vector<16xi32>], vector<16xf32>,
      %broadcast_in_dim3A_316 = arith.constant 30 : i32
      %broadcast_in_dim3A_317 = vector.broadcast %broadcast_in_dim3A_316 : i32 to vector<16xi32>
      %gather3A_318 = tpu.vector_load_idx %arg5[%broadcast_in_dim3A_317, %get3A_164] : memref<32x1000xf32, #tpu.memory_space<vmem>>[vector<16xi32>, vector<16xi32>], vector<16xf32>,
      %broadcast_in_dim3A_319 = arith.constant 31 : i32
      %broadcast_in_dim3A_320 = vector.broadcast %broadcast_in_dim3A_319 : i32 to vector<16xi32>
      %gather3A_321 = tpu.vector_load_idx %arg5[%broadcast_in_dim3A_320, %get3A_164] : memref<32x1000xf32, #tpu.memory_space<vmem>>[vector<16xi32>, vector<16xi32>], vector<16xf32>,
      %swap3A_322 = arith.constant 16 : i32
      %swap3A_323 = arith.index_cast %swap3A_322 : i32 to index
      %swap3A_324 = arith.index_cast %min3A_163 : i32 to index
      %swap3A_325 = tpu.vector_load %arg8[%swap3A_323, %swap3A_324] {strides = array<i32>} : memref<32x1000xf32, #tpu.memory_space<vmem>>, vector<16xf32>,
      tpu.vector_store %arg8[%swap3A_323, %swap3A_324], %gather3A_276 {strides = array<i32>} : memref<32x1000xf32, #tpu.memory_space<vmem>>, vector<16xf32>,
      %swap3A_326 = arith.constant 17 : i32
      %swap3A_327 = arith.index_cast %swap3A_326 : i32 to index
      %swap3A_328 = arith.index_cast %min3A_163 : i32 to index
      %swap3A_329 = tpu.vector_load %arg8[%swap3A_327, %swap3A_328] {strides = array<i32>} : memref<32x1000xf32, #tpu.memory_space<vmem>>, vector<16xf32>,
      tpu.vector_store %arg8[%swap3A_327, %swap3A_328], %gather3A_279 {strides = array<i32>} : memref<32x1000xf32, #tpu.memory_space<vmem>>, vector<16xf32>,
      %swap3A_330 = arith.constant 18 : i32
      %swap3A_331 = arith.index_cast %swap3A_330 : i32 to index
      %swap3A_332 = arith.index_cast %min3A_163 : i32 to index
      %swap3A_333 = tpu.vector_load %arg8[%swap3A_331, %swap3A_332] {strides = array<i32>} : memref<32x1000xf32, #tpu.memory_space<vmem>>, vector<16xf32>,
      tpu.vector_store %arg8[%swap3A_331, %swap3A_332], %gather3A_282 {strides = array<i32>} : memref<32x1000xf32, #tpu.memory_space<vmem>>, vector<16xf32>,
      %swap3A_334 = arith.constant 19 : i32
      %swap3A_335 = arith.index_cast %swap3A_334 : i32 to index
      %swap3A_336 = arith.index_cast %min3A_163 : i32 to index
      %swap3A_337 = tpu.vector_load %arg8[%swap3A_335, %swap3A_336] {strides = array<i32>} : memref<32x1000xf32, #tpu.memory_space<vmem>>, vector<16xf32>,
      tpu.vector_store %arg8[%swap3A_335, %swap3A_336], %gather3A_285 {strides = array<i32>} : memref<32x1000xf32, #tpu.memory_space<vmem>>, vector<16xf32>,
      %swap3A_338 = arith.constant 20 : i32
      %swap3A_339 = arith.index_cast %swap3A_338 : i32 to index
      %swap3A_340 = arith.index_cast %min3A_163 : i32 to index
      %swap3A_341 = tpu.vector_load %arg8[%swap3A_339, %swap3A_340] {strides = array<i32>} : memref<32x1000xf32, #tpu.memory_space<vmem>>, vector<16xf32>,
      tpu.vector_store %arg8[%swap3A_339, %swap3A_340], %gather3A_288 {strides = array<i32>} : memref<32x1000xf32, #tpu.memory_space<vmem>>, vector<16xf32>,
      %swap3A_342 = arith.constant 21 : i32
      %swap3A_343 = arith.index_cast %swap3A_342 : i32 to index
      %swap3A_344 = arith.index_cast %min3A_163 : i32 to index
      %swap3A_345 = tpu.vector_load %arg8[%swap3A_343, %swap3A_344] {strides = array<i32>} : memref<32x1000xf32, #tpu.memory_space<vmem>>, vector<16xf32>,
      tpu.vector_store %arg8[%swap3A_343, %swap3A_344], %gather3A_291 {strides = array<i32>} : memref<32x1000xf32, #tpu.memory_space<vmem>>, vector<16xf32>,
      %swap3A_346 = arith.constant 22 : i32
      %swap3A_347 = arith.index_cast %swap3A_346 : i32 to index
      %swap3A_348 = arith.index_cast %min3A_163 : i32 to index
      %swap3A_349 = tpu.vector_load %arg8[%swap3A_347, %swap3A_348] {strides = array<i32>} : memref<32x1000xf32, #tpu.memory_space<vmem>>, vector<16xf32>,
      tpu.vector_store %arg8[%swap3A_347, %swap3A_348], %gather3A_294 {strides = array<i32>} : memref<32x1000xf32, #tpu.memory_space<vmem>>, vector<16xf32>,
      %swap3A_350 = arith.constant 23 : i32
      %swap3A_351 = arith.index_cast %swap3A_350 : i32 to index
      %swap3A_352 = arith.index_cast %min3A_163 : i32 to index
      %swap3A_353 = tpu.vector_load %arg8[%swap3A_351, %swap3A_352] {strides = array<i32>} : memref<32x1000xf32, #tpu.memory_space<vmem>>, vector<16xf32>,
      tpu.vector_store %arg8[%swap3A_351, %swap3A_352], %gather3A_297 {strides = array<i32>} : memref<32x1000xf32, #tpu.memory_space<vmem>>, vector<16xf32>,
      %swap3A_354 = arith.constant 24 : i32
      %swap3A_355 = arith.index_cast %swap3A_354 : i32 to index
      %swap3A_356 = arith.index_cast %min3A_163 : i32 to index
      %swap3A_357 = tpu.vector_load %arg8[%swap3A_355, %swap3A_356] {strides = array<i32>} : memref<32x1000xf32, #tpu.memory_space<vmem>>, vector<16xf32>,
      tpu.vector_store %arg8[%swap3A_355, %swap3A_356], %gather3A_300 {strides = array<i32>} : memref<32x1000xf32, #tpu.memory_space<vmem>>, vector<16xf32>,
      %swap3A_358 = arith.constant 25 : i32
      %swap3A_359 = arith.index_cast %swap3A_358 : i32 to index
      %swap3A_360 = arith.index_cast %min3A_163 : i32 to index
      %swap3A_361 = tpu.vector_load %arg8[%swap3A_359, %swap3A_360] {strides = array<i32>} : memref<32x1000xf32, #tpu.memory_space<vmem>>, vector<16xf32>,
      tpu.vector_store %arg8[%swap3A_359, %swap3A_360], %gather3A_303 {strides = array<i32>} : memref<32x1000xf32, #tpu.memory_space<vmem>>, vector<16xf32>,
      %swap3A_362 = arith.constant 26 : i32
      %swap3A_363 = arith.index_cast %swap3A_362 : i32 to index
      %swap3A_364 = arith.index_cast %min3A_163 : i32 to index
      %swap3A_365 = tpu.vector_load %arg8[%swap3A_363, %swap3A_364] {strides = array<i32>} : memref<32x1000xf32, #tpu.memory_space<vmem>>, vector<16xf32>,
      tpu.vector_store %arg8[%swap3A_363, %swap3A_364], %gather3A_306 {strides = array<i32>} : memref<32x1000xf32, #tpu.memory_space<vmem>>, vector<16xf32>,
      %swap3A_366 = arith.constant 27 : i32
      %swap3A_367 = arith.index_cast %swap3A_366 : i32 to index
      %swap3A_368 = arith.index_cast %min3A_163 : i32 to index
      %swap3A_369 = tpu.vector_load %arg8[%swap3A_367, %swap3A_368] {strides = array<i32>} : memref<32x1000xf32, #tpu.memory_space<vmem>>, vector<16xf32>,
      tpu.vector_store %arg8[%swap3A_367, %swap3A_368], %gather3A_309 {strides = array<i32>} : memref<32x1000xf32, #tpu.memory_space<vmem>>, vector<16xf32>,
      %swap3A_370 = arith.constant 28 : i32
      %swap3A_371 = arith.index_cast %swap3A_370 : i32 to index
      %swap3A_372 = arith.index_cast %min3A_163 : i32 to index
      %swap3A_373 = tpu.vector_load %arg8[%swap3A_371, %swap3A_372] {strides = array<i32>} : memref<32x1000xf32, #tpu.memory_space<vmem>>, vector<16xf32>,
      tpu.vector_store %arg8[%swap3A_371, %swap3A_372], %gather3A_312 {strides = array<i32>} : memref<32x1000xf32, #tpu.memory_space<vmem>>, vector<16xf32>,
      %swap3A_374 = arith.constant 29 : i32
      %swap3A_375 = arith.index_cast %swap3A_374 : i32 to index
      %swap3A_376 = arith.index_cast %min3A_163 : i32 to index
      %swap3A_377 = tpu.vector_load %arg8[%swap3A_375, %swap3A_376] {strides = array<i32>} : memref<32x1000xf32, #tpu.memory_space<vmem>>, vector<16xf32>,
      tpu.vector_store %arg8[%swap3A_375, %swap3A_376], %gather3A_315 {strides = array<i32>} : memref<32x1000xf32, #tpu.memory_space<vmem>>, vector<16xf32>,
      %swap3A_378 = arith.constant 30 : i32
      %swap3A_379 = arith.index_cast %swap3A_378 : i32 to index
      %swap3A_380 = arith.index_cast %min3A_163 : i32 to index
      %swap3A_381 = tpu.vector_load %arg8[%swap3A_379, %swap3A_380] {strides = array<i32>} : memref<32x1000xf32, #tpu.memory_space<vmem>>, vector<16xf32>,
      tpu.vector_store %arg8[%swap3A_379, %swap3A_380], %gather3A_318 {strides = array<i32>} : memref<32x1000xf32, #tpu.memory_space<vmem>>, vector<16xf32>,
      %swap3A_382 = arith.constant 31 : i32
      %swap3A_383 = arith.index_cast %swap3A_382 : i32 to index
      %swap3A_384 = arith.index_cast %min3A_163 : i32 to index
      %swap3A_385 = tpu.vector_load %arg8[%swap3A_383, %swap3A_384] {strides = array<i32>} : memref<32x1000xf32, #tpu.memory_space<vmem>>, vector<16xf32>,
      tpu.vector_store %arg8[%swap3A_383, %swap3A_384], %gather3A_321 {strides = array<i32>} : memref<32x1000xf32, #tpu.memory_space<vmem>>, vector<16xf32>,
    }
    %scan3A_44 = arith.constant 63 : i32
    %dma_start3A_45 = arith.constant 0 : i32
    %dma_start3A_46 = arith.constant 0 : i32
    %dma_start3A_47 = tpu.memref_slice %arg4[%select_n3A, %dma_start3A_45, %mul3A_21, %dma_start3A_46] : memref<2x32x512x1000xf32, #tpu.memory_space<hbm>> -> memref<1x1x32x1000xf32, #tpu.memory_space<hbm>>
    %dma_start3A_48 = tpu.memref_squeeze %dma_start3A_47 : memref<1x1x32x1000xf32, #tpu.memory_space<hbm>> -> memref<32x1000xf32, #tpu.memory_space<hbm>>
    %dma_start3A_49 = arith.constant 0 : i32
    %dma_start3A_50 = tpu.memref_slice %arg4[%select_n3A, %dma_start3A_45, %mul3A_21, %dma_start3A_49] : memref<2x32x512x1000xf32, #tpu.memory_space<hbm>> -> memref<1x1x32x1000xf32, #tpu.memory_space<hbm>>
    %dma_start3A_51 = tpu.memref_squeeze %dma_start3A_50 : memref<1x1x32x1000xf32, #tpu.memory_space<hbm>> -> memref<32x1000xf32, #tpu.memory_space<hbm>>
    tpu.enqueue_dma source(%arg8 : memref<32x1000xf32, #tpu.memory_space<vmem>>) target(%dma_start3A_51 : memref<32x1000xf32, #tpu.memory_space<hbm>>) target_semaphore(%arg12 : memref<!tpu.dma_semaphore, #tpu.memory_space<semaphore_mem>>)
    %dma_wait3A_52 = arith.constant 1 : i32
    %dma_wait3A_53 = arith.constant 0 : i32
    %dma_wait3A_54 = tpu.memref_slice %arg3[%select_n3A, %dma_wait3A_52, %dma_wait3A_53] : memref<2x32x1008xi32, #tpu.memory_space<hbm>> -> memref<1x1x1008xi32, #tpu.memory_space<hbm>>
    %dma_wait3A_55 = tpu.memref_squeeze %dma_wait3A_54 : memref<1x1x1008xi32, #tpu.memory_space<hbm>> -> memref<1008xi32, #tpu.memory_space<hbm>>
    %dma_wait3A_56 = arith.constant 0 : i32
    %dma_wait3A_57 = tpu.memref_slice %arg3[%select_n3A, %dma_wait3A_52, %dma_wait3A_56] : memref<2x32x1008xi32, #tpu.memory_space<hbm>> -> memref<1x1x1008xi32, #tpu.memory_space<hbm>>
    %dma_wait3A_58 = tpu.memref_squeeze %dma_wait3A_57 : memref<1x1x1008xi32, #tpu.memory_space<hbm>> -> memref<1008xi32, #tpu.memory_space<hbm>>
    tpu.wait_dma2 semaphore(%arg11 : memref<!tpu.dma_semaphore, #tpu.memory_space<semaphore_mem>>) src(%dma_wait3A_58 : memref<1008xi32, #tpu.memory_space<hbm>>) dst(%arg7 : memref<1008xi32, #tpu.memory_space<vmem>>)
    %dma_start3A_59 = arith.constant 2 : i32
    %dma_start3A_60 = arith.constant 0 : i32
    %dma_start3A_61 = tpu.memref_slice %arg3[%select_n3A, %dma_start3A_59, %dma_start3A_60] : memref<2x32x1008xi32, #tpu.memory_space<hbm>> -> memref<1x1x1008xi32, #tpu.memory_space<hbm>>
    %dma_start3A_62 = tpu.memref_squeeze %dma_start3A_61 : memref<1x1x1008xi32, #tpu.memory_space<hbm>> -> memref<1008xi32, #tpu.memory_space<hbm>>
    %dma_start3A_63 = arith.constant 0 : i32
    %dma_start3A_64 = tpu.memref_slice %arg3[%select_n3A, %dma_start3A_59, %dma_start3A_63] : memref<2x32x1008xi32, #tpu.memory_space<hbm>> -> memref<1x1x1008xi32, #tpu.memory_space<hbm>>
    %dma_start3A_65 = tpu.memref_squeeze %dma_start3A_64 : memref<1x1x1008xi32, #tpu.memory_space<hbm>> -> memref<1008xi32, #tpu.memory_space<hbm>>
    tpu.enqueue_dma source(%dma_start3A_65 : memref<1008xi32, #tpu.memory_space<hbm>>) target(%arg6 : memref<1008xi32, #tpu.memory_space<vmem>>) target_semaphore(%arg10 : memref<!tpu.dma_semaphore, #tpu.memory_space<semaphore_mem>>)
    %scan3A_66 = arith.constant 0 : i32
    %scan3A_67 = arith.constant 63 : i32
    %scan3A_68 = arith.addi %scan3A_66, %scan3A_67 : i32
    %scan3A_69 = arith.constant 1 : i32
    scf.for %scan3A_156 = %scan3A_66 to %scan3A_68 step %scan3A_69  : i32 {
      %mul3A_157 = arith.constant 1 : i32
      %mul3A_158 = arith.muli %scan3A_156, %mul3A_157 : i32
      %add3A_159 = arith.constant 0 : i32
      %add3A_160 = arith.addi %add3A_159, %mul3A_158 : i32
      %mul3A_161 = arith.constant 16 : i32
      %mul3A_162 = arith.muli %add3A_160, %mul3A_161 : i32
      %min3A = arith.constant 984 : i32
      %min3A_163 = arith.minsi %mul3A_162, %min3A : i32
      %get3A = arith.index_cast %min3A_163 : i32 to index
      %get3A_164 = tpu.vector_load %arg7[%get3A] {strides = array<i32>} : memref<1008xi32, #tpu.memory_space<vmem>>, vector<16xi32>,
      %broadcast_in_dim3A = arith.constant 0 : i32
      %broadcast_in_dim3A_165 = vector.broadcast %broadcast_in_dim3A : i32 to vector<16xi32>
      %gather3A = tpu.vector_load_idx %arg5[%broadcast_in_dim3A_165, %get3A_164] : memref<32x1000xf32, #tpu.memory_space<vmem>>[vector<16xi32>, vector<16xi32>], vector<16xf32>,
      %broadcast_in_dim3A_166 = arith.constant 1 : i32
      %broadcast_in_dim3A_167 = vector.broadcast %broadcast_in_dim3A_166 : i32 to vector<16xi32>
      %gather3A_168 = tpu.vector_load_idx %arg5[%broadcast_in_dim3A_167, %get3A_164] : memref<32x1000xf32, #tpu.memory_space<vmem>>[vector<16xi32>, vector<16xi32>], vector<16xf32>,
      %broadcast_in_dim3A_169 = arith.constant 2 : i32
      %broadcast_in_dim3A_170 = vector.broadcast %broadcast_in_dim3A_169 : i32 to vector<16xi32>
      %gather3A_171 = tpu.vector_load_idx %arg5[%broadcast_in_dim3A_170, %get3A_164] : memref<32x1000xf32, #tpu.memory_space<vmem>>[vector<16xi32>, vector<16xi32>], vector<16xf32>,
      %broadcast_in_dim3A_172 = arith.constant 3 : i32
      %broadcast_in_dim3A_173 = vector.broadcast %broadcast_in_dim3A_172 : i32 to vector<16xi32>
      %gather3A_174 = tpu.vector_load_idx %arg5[%broadcast_in_dim3A_173, %get3A_164] : memref<32x1000xf32, #tpu.memory_space<vmem>>[vector<16xi32>, vector<16xi32>], vector<16xf32>,
      %broadcast_in_dim3A_175 = arith.constant 4 : i32
      %broadcast_in_dim3A_176 = vector.broadcast %broadcast_in_dim3A_175 : i32 to vector<16xi32>
      %gather3A_177 = tpu.vector_load_idx %arg5[%broadcast_in_dim3A_176, %get3A_164] : memref<32x1000xf32, #tpu.memory_space<vmem>>[vector<16xi32>, vector<16xi32>], vector<16xf32>,
      %broadcast_in_dim3A_178 = arith.constant 5 : i32
      %broadcast_in_dim3A_179 = vector.broadcast %broadcast_in_dim3A_178 : i32 to vector<16xi32>
      %gather3A_180 = tpu.vector_load_idx %arg5[%broadcast_in_dim3A_179, %get3A_164] : memref<32x1000xf32, #tpu.memory_space<vmem>>[vector<16xi32>, vector<16xi32>], vector<16xf32>,
      %broadcast_in_dim3A_181 = arith.constant 6 : i32
      %broadcast_in_dim3A_182 = vector.broadcast %broadcast_in_dim3A_181 : i32 to vector<16xi32>
      %gather3A_183 = tpu.vector_load_idx %arg5[%broadcast_in_dim3A_182, %get3A_164] : memref<32x1000xf32, #tpu.memory_space<vmem>>[vector<16xi32>, vector<16xi32>], vector<16xf32>,
      %broadcast_in_dim3A_184 = arith.constant 7 : i32
      %broadcast_in_dim3A_185 = vector.broadcast %broadcast_in_dim3A_184 : i32 to vector<16xi32>
      %gather3A_186 = tpu.vector_load_idx %arg5[%broadcast_in_dim3A_185, %get3A_164] : memref<32x1000xf32, #tpu.memory_space<vmem>>[vector<16xi32>, vector<16xi32>], vector<16xf32>,
      %broadcast_in_dim3A_187 = arith.constant 8 : i32
      %broadcast_in_dim3A_188 = vector.broadcast %broadcast_in_dim3A_187 : i32 to vector<16xi32>
      %gather3A_189 = tpu.vector_load_idx %arg5[%broadcast_in_dim3A_188, %get3A_164] : memref<32x1000xf32, #tpu.memory_space<vmem>>[vector<16xi32>, vector<16xi32>], vector<16xf32>,
      %broadcast_in_dim3A_190 = arith.constant 9 : i32
      %broadcast_in_dim3A_191 = vector.broadcast %broadcast_in_dim3A_190 : i32 to vector<16xi32>
      %gather3A_192 = tpu.vector_load_idx %arg5[%broadcast_in_dim3A_191, %get3A_164] : memref<32x1000xf32, #tpu.memory_space<vmem>>[vector<16xi32>, vector<16xi32>], vector<16xf32>,
      %broadcast_in_dim3A_193 = arith.constant 10 : i32
      %broadcast_in_dim3A_194 = vector.broadcast %broadcast_in_dim3A_193 : i32 to vector<16xi32>
      %gather3A_195 = tpu.vector_load_idx %arg5[%broadcast_in_dim3A_194, %get3A_164] : memref<32x1000xf32, #tpu.memory_space<vmem>>[vector<16xi32>, vector<16xi32>], vector<16xf32>,
      %broadcast_in_dim3A_196 = arith.constant 11 : i32
      %broadcast_in_dim3A_197 = vector.broadcast %broadcast_in_dim3A_196 : i32 to vector<16xi32>
      %gather3A_198 = tpu.vector_load_idx %arg5[%broadcast_in_dim3A_197, %get3A_164] : memref<32x1000xf32, #tpu.memory_space<vmem>>[vector<16xi32>, vector<16xi32>], vector<16xf32>,
      %broadcast_in_dim3A_199 = arith.constant 12 : i32
      %broadcast_in_dim3A_200 = vector.broadcast %broadcast_in_dim3A_199 : i32 to vector<16xi32>
      %gather3A_201 = tpu.vector_load_idx %arg5[%broadcast_in_dim3A_200, %get3A_164] : memref<32x1000xf32, #tpu.memory_space<vmem>>[vector<16xi32>, vector<16xi32>], vector<16xf32>,
      %broadcast_in_dim3A_202 = arith.constant 13 : i32
      %broadcast_in_dim3A_203 = vector.broadcast %broadcast_in_dim3A_202 : i32 to vector<16xi32>
      %gather3A_204 = tpu.vector_load_idx %arg5[%broadcast_in_dim3A_203, %get3A_164] : memref<32x1000xf32, #tpu.memory_space<vmem>>[vector<16xi32>, vector<16xi32>], vector<16xf32>,
      %broadcast_in_dim3A_205 = arith.constant 14 : i32
      %broadcast_in_dim3A_206 = vector.broadcast %broadcast_in_dim3A_205 : i32 to vector<16xi32>
      %gather3A_207 = tpu.vector_load_idx %arg5[%broadcast_in_dim3A_206, %get3A_164] : memref<32x1000xf32, #tpu.memory_space<vmem>>[vector<16xi32>, vector<16xi32>], vector<16xf32>,
      %broadcast_in_dim3A_208 = arith.constant 15 : i32
      %broadcast_in_dim3A_209 = vector.broadcast %broadcast_in_dim3A_208 : i32 to vector<16xi32>
      %gather3A_210 = tpu.vector_load_idx %arg5[%broadcast_in_dim3A_209, %get3A_164] : memref<32x1000xf32, #tpu.memory_space<vmem>>[vector<16xi32>, vector<16xi32>], vector<16xf32>,
      %swap3A = arith.constant 0 : i32
      %swap3A_211 = arith.index_cast %swap3A : i32 to index
      %swap3A_212 = arith.index_cast %min3A_163 : i32 to index
      %swap3A_213 = tpu.vector_load %arg9[%swap3A_211, %swap3A_212] {strides = array<i32>} : memref<32x1000xf32, #tpu.memory_space<vmem>>, vector<16xf32>,
      tpu.vector_store %arg9[%swap3A_211, %swap3A_212], %gather3A {strides = array<i32>} : memref<32x1000xf32, #tpu.memory_space<vmem>>, vector<16xf32>,
      %swap3A_214 = arith.constant 1 : i32
      %swap3A_215 = arith.index_cast %swap3A_214 : i32 to index
      %swap3A_216 = arith.index_cast %min3A_163 : i32 to index
      %swap3A_217 = tpu.vector_load %arg9[%swap3A_215, %swap3A_216] {strides = array<i32>} : memref<32x1000xf32, #tpu.memory_space<vmem>>, vector<16xf32>,
      tpu.vector_store %arg9[%swap3A_215, %swap3A_216], %gather3A_168 {strides = array<i32>} : memref<32x1000xf32, #tpu.memory_space<vmem>>, vector<16xf32>,
      %swap3A_218 = arith.constant 2 : i32
      %swap3A_219 = arith.index_cast %swap3A_218 : i32 to index
      %swap3A_220 = arith.index_cast %min3A_163 : i32 to index
      %swap3A_221 = tpu.vector_load %arg9[%swap3A_219, %swap3A_220] {strides = array<i32>} : memref<32x1000xf32, #tpu.memory_space<vmem>>, vector<16xf32>,
      tpu.vector_store %arg9[%swap3A_219, %swap3A_220], %gather3A_171 {strides = array<i32>} : memref<32x1000xf32, #tpu.memory_space<vmem>>, vector<16xf32>,
      %swap3A_222 = arith.constant 3 : i32
      %swap3A_223 = arith.index_cast %swap3A_222 : i32 to index
      %swap3A_224 = arith.index_cast %min3A_163 : i32 to index
      %swap3A_225 = tpu.vector_load %arg9[%swap3A_223, %swap3A_224] {strides = array<i32>} : memref<32x1000xf32, #tpu.memory_space<vmem>>, vector<16xf32>,
      tpu.vector_store %arg9[%swap3A_223, %swap3A_224], %gather3A_174 {strides = array<i32>} : memref<32x1000xf32, #tpu.memory_space<vmem>>, vector<16xf32>,
      %swap3A_226 = arith.constant 4 : i32
      %swap3A_227 = arith.index_cast %swap3A_226 : i32 to index
      %swap3A_228 = arith.index_cast %min3A_163 : i32 to index
      %swap3A_229 = tpu.vector_load %arg9[%swap3A_227, %swap3A_228] {strides = array<i32>} : memref<32x1000xf32, #tpu.memory_space<vmem>>, vector<16xf32>,
      tpu.vector_store %arg9[%swap3A_227, %swap3A_228], %gather3A_177 {strides = array<i32>} : memref<32x1000xf32, #tpu.memory_space<vmem>>, vector<16xf32>,
      %swap3A_230 = arith.constant 5 : i32
      %swap3A_231 = arith.index_cast %swap3A_230 : i32 to index
      %swap3A_232 = arith.index_cast %min3A_163 : i32 to index
      %swap3A_233 = tpu.vector_load %arg9[%swap3A_231, %swap3A_232] {strides = array<i32>} : memref<32x1000xf32, #tpu.memory_space<vmem>>, vector<16xf32>,
      tpu.vector_store %arg9[%swap3A_231, %swap3A_232], %gather3A_180 {strides = array<i32>} : memref<32x1000xf32, #tpu.memory_space<vmem>>, vector<16xf32>,
      %swap3A_234 = arith.constant 6 : i32
      %swap3A_235 = arith.index_cast %swap3A_234 : i32 to index
      %swap3A_236 = arith.index_cast %min3A_163 : i32 to index
      %swap3A_237 = tpu.vector_load %arg9[%swap3A_235, %swap3A_236] {strides = array<i32>} : memref<32x1000xf32, #tpu.memory_space<vmem>>, vector<16xf32>,
      tpu.vector_store %arg9[%swap3A_235, %swap3A_236], %gather3A_183 {strides = array<i32>} : memref<32x1000xf32, #tpu.memory_space<vmem>>, vector<16xf32>,
      %swap3A_238 = arith.constant 7 : i32
      %swap3A_239 = arith.index_cast %swap3A_238 : i32 to index
      %swap3A_240 = arith.index_cast %min3A_163 : i32 to index
      %swap3A_241 = tpu.vector_load %arg9[%swap3A_239, %swap3A_240] {strides = array<i32>} : memref<32x1000xf32, #tpu.memory_space<vmem>>, vector<16xf32>,
      tpu.vector_store %arg9[%swap3A_239, %swap3A_240], %gather3A_186 {strides = array<i32>} : memref<32x1000xf32, #tpu.memory_space<vmem>>, vector<16xf32>,
      %swap3A_242 = arith.constant 8 : i32
      %swap3A_243 = arith.index_cast %swap3A_242 : i32 to index
      %swap3A_244 = arith.index_cast %min3A_163 : i32 to index
      %swap3A_245 = tpu.vector_load %arg9[%swap3A_243, %swap3A_244] {strides = array<i32>} : memref<32x1000xf32, #tpu.memory_space<vmem>>, vector<16xf32>,
      tpu.vector_store %arg9[%swap3A_243, %swap3A_244], %gather3A_189 {strides = array<i32>} : memref<32x1000xf32, #tpu.memory_space<vmem>>, vector<16xf32>,
      %swap3A_246 = arith.constant 9 : i32
      %swap3A_247 = arith.index_cast %swap3A_246 : i32 to index
      %swap3A_248 = arith.index_cast %min3A_163 : i32 to index
      %swap3A_249 = tpu.vector_load %arg9[%swap3A_247, %swap3A_248] {strides = array<i32>} : memref<32x1000xf32, #tpu.memory_space<vmem>>, vector<16xf32>,
      tpu.vector_store %arg9[%swap3A_247, %swap3A_248], %gather3A_192 {strides = array<i32>} : memref<32x1000xf32, #tpu.memory_space<vmem>>, vector<16xf32>,
      %swap3A_250 = arith.constant 10 : i32
      %swap3A_251 = arith.index_cast %swap3A_250 : i32 to index
      %swap3A_252 = arith.index_cast %min3A_163 : i32 to index
      %swap3A_253 = tpu.vector_load %arg9[%swap3A_251, %swap3A_252] {strides = array<i32>} : memref<32x1000xf32, #tpu.memory_space<vmem>>, vector<16xf32>,
      tpu.vector_store %arg9[%swap3A_251, %swap3A_252], %gather3A_195 {strides = array<i32>} : memref<32x1000xf32, #tpu.memory_space<vmem>>, vector<16xf32>,
      %swap3A_254 = arith.constant 11 : i32
      %swap3A_255 = arith.index_cast %swap3A_254 : i32 to index
      %swap3A_256 = arith.index_cast %min3A_163 : i32 to index
      %swap3A_257 = tpu.vector_load %arg9[%swap3A_255, %swap3A_256] {strides = array<i32>} : memref<32x1000xf32, #tpu.memory_space<vmem>>, vector<16xf32>,
      tpu.vector_store %arg9[%swap3A_255, %swap3A_256], %gather3A_198 {strides = array<i32>} : memref<32x1000xf32, #tpu.memory_space<vmem>>, vector<16xf32>,
      %swap3A_258 = arith.constant 12 : i32
      %swap3A_259 = arith.index_cast %swap3A_258 : i32 to index
      %swap3A_260 = arith.index_cast %min3A_163 : i32 to index
      %swap3A_261 = tpu.vector_load %arg9[%swap3A_259, %swap3A_260] {strides = array<i32>} : memref<32x1000xf32, #tpu.memory_space<vmem>>, vector<16xf32>,
      tpu.vector_store %arg9[%swap3A_259, %swap3A_260], %gather3A_201 {strides = array<i32>} : memref<32x1000xf32, #tpu.memory_space<vmem>>, vector<16xf32>,
      %swap3A_262 = arith.constant 13 : i32
      %swap3A_263 = arith.index_cast %swap3A_262 : i32 to index
      %swap3A_264 = arith.index_cast %min3A_163 : i32 to index
      %swap3A_265 = tpu.vector_load %arg9[%swap3A_263, %swap3A_264] {strides = array<i32>} : memref<32x1000xf32, #tpu.memory_space<vmem>>, vector<16xf32>,
      tpu.vector_store %arg9[%swap3A_263, %swap3A_264], %gather3A_204 {strides = array<i32>} : memref<32x1000xf32, #tpu.memory_space<vmem>>, vector<16xf32>,
      %swap3A_266 = arith.constant 14 : i32
      %swap3A_267 = arith.index_cast %swap3A_266 : i32 to index
      %swap3A_268 = arith.index_cast %min3A_163 : i32 to index
      %swap3A_269 = tpu.vector_load %arg9[%swap3A_267, %swap3A_268] {strides = array<i32>} : memref<32x1000xf32, #tpu.memory_space<vmem>>, vector<16xf32>,
      tpu.vector_store %arg9[%swap3A_267, %swap3A_268], %gather3A_207 {strides = array<i32>} : memref<32x1000xf32, #tpu.memory_space<vmem>>, vector<16xf32>,
      %swap3A_270 = arith.constant 15 : i32
      %swap3A_271 = arith.index_cast %swap3A_270 : i32 to index
      %swap3A_272 = arith.index_cast %min3A_163 : i32 to index
      %swap3A_273 = tpu.vector_load %arg9[%swap3A_271, %swap3A_272] {strides = array<i32>} : memref<32x1000xf32, #tpu.memory_space<vmem>>, vector<16xf32>,
      tpu.vector_store %arg9[%swap3A_271, %swap3A_272], %gather3A_210 {strides = array<i32>} : memref<32x1000xf32, #tpu.memory_space<vmem>>, vector<16xf32>,
      %broadcast_in_dim3A_274 = arith.constant 16 : i32
      %broadcast_in_dim3A_275 = vector.broadcast %broadcast_in_dim3A_274 : i32 to vector<16xi32>
      %gather3A_276 = tpu.vector_load_idx %arg5[%broadcast_in_dim3A_275, %get3A_164] : memref<32x1000xf32, #tpu.memory_space<vmem>>[vector<16xi32>, vector<16xi32>], vector<16xf32>,
      %broadcast_in_dim3A_277 = arith.constant 17 : i32
      %broadcast_in_dim3A_278 = vector.broadcast %broadcast_in_dim3A_277 : i32 to vector<16xi32>
      %gather3A_279 = tpu.vector_load_idx %arg5[%broadcast_in_dim3A_278, %get3A_164] : memref<32x1000xf32, #tpu.memory_space<vmem>>[vector<16xi32>, vector<16xi32>], vector<16xf32>,
      %broadcast_in_dim3A_280 = arith.constant 18 : i32
      %broadcast_in_dim3A_281 = vector.broadcast %broadcast_in_dim3A_280 : i32 to vector<16xi32>
      %gather3A_282 = tpu.vector_load_idx %arg5[%broadcast_in_dim3A_281, %get3A_164] : memref<32x1000xf32, #tpu.memory_space<vmem>>[vector<16xi32>, vector<16xi32>], vector<16xf32>,
      %broadcast_in_dim3A_283 = arith.constant 19 : i32
      %broadcast_in_dim3A_284 = vector.broadcast %broadcast_in_dim3A_283 : i32 to vector<16xi32>
      %gather3A_285 = tpu.vector_load_idx %arg5[%broadcast_in_dim3A_284, %get3A_164] : memref<32x1000xf32, #tpu.memory_space<vmem>>[vector<16xi32>, vector<16xi32>], vector<16xf32>,
      %broadcast_in_dim3A_286 = arith.constant 20 : i32
      %broadcast_in_dim3A_287 = vector.broadcast %broadcast_in_dim3A_286 : i32 to vector<16xi32>
      %gather3A_288 = tpu.vector_load_idx %arg5[%broadcast_in_dim3A_287, %get3A_164] : memref<32x1000xf32, #tpu.memory_space<vmem>>[vector<16xi32>, vector<16xi32>], vector<16xf32>,
      %broadcast_in_dim3A_289 = arith.constant 21 : i32
      %broadcast_in_dim3A_290 = vector.broadcast %broadcast_in_dim3A_289 : i32 to vector<16xi32>
      %gather3A_291 = tpu.vector_load_idx %arg5[%broadcast_in_dim3A_290, %get3A_164] : memref<32x1000xf32, #tpu.memory_space<vmem>>[vector<16xi32>, vector<16xi32>], vector<16xf32>,
      %broadcast_in_dim3A_292 = arith.constant 22 : i32
      %broadcast_in_dim3A_293 = vector.broadcast %broadcast_in_dim3A_292 : i32 to vector<16xi32>
      %gather3A_294 = tpu.vector_load_idx %arg5[%broadcast_in_dim3A_293, %get3A_164] : memref<32x1000xf32, #tpu.memory_space<vmem>>[vector<16xi32>, vector<16xi32>], vector<16xf32>,
      %broadcast_in_dim3A_295 = arith.constant 23 : i32
      %broadcast_in_dim3A_296 = vector.broadcast %broadcast_in_dim3A_295 : i32 to vector<16xi32>
      %gather3A_297 = tpu.vector_load_idx %arg5[%broadcast_in_dim3A_296, %get3A_164] : memref<32x1000xf32, #tpu.memory_space<vmem>>[vector<16xi32>, vector<16xi32>], vector<16xf32>,
      %broadcast_in_dim3A_298 = arith.constant 24 : i32
      %broadcast_in_dim3A_299 = vector.broadcast %broadcast_in_dim3A_298 : i32 to vector<16xi32>
      %gather3A_300 = tpu.vector_load_idx %arg5[%broadcast_in_dim3A_299, %get3A_164] : memref<32x1000xf32, #tpu.memory_space<vmem>>[vector<16xi32>, vector<16xi32>], vector<16xf32>,
      %broadcast_in_dim3A_301 = arith.constant 25 : i32
      %broadcast_in_dim3A_302 = vector.broadcast %broadcast_in_dim3A_301 : i32 to vector<16xi32>
      %gather3A_303 = tpu.vector_load_idx %arg5[%broadcast_in_dim3A_302, %get3A_164] : memref<32x1000xf32, #tpu.memory_space<vmem>>[vector<16xi32>, vector<16xi32>], vector<16xf32>,
      %broadcast_in_dim3A_304 = arith.constant 26 : i32
      %broadcast_in_dim3A_305 = vector.broadcast %broadcast_in_dim3A_304 : i32 to vector<16xi32>
      %gather3A_306 = tpu.vector_load_idx %arg5[%broadcast_in_dim3A_305, %get3A_164] : memref<32x1000xf32, #tpu.memory_space<vmem>>[vector<16xi32>, vector<16xi32>], vector<16xf32>,
      %broadcast_in_dim3A_307 = arith.constant 27 : i32
      %broadcast_in_dim3A_308 = vector.broadcast %broadcast_in_dim3A_307 : i32 to vector<16xi32>
      %gather3A_309 = tpu.vector_load_idx %arg5[%broadcast_in_dim3A_308, %get3A_164] : memref<32x1000xf32, #tpu.memory_space<vmem>>[vector<16xi32>, vector<16xi32>], vector<16xf32>,
      %broadcast_in_dim3A_310 = arith.constant 28 : i32
      %broadcast_in_dim3A_311 = vector.broadcast %broadcast_in_dim3A_310 : i32 to vector<16xi32>
      %gather3A_312 = tpu.vector_load_idx %arg5[%broadcast_in_dim3A_311, %get3A_164] : memref<32x1000xf32, #tpu.memory_space<vmem>>[vector<16xi32>, vector<16xi32>], vector<16xf32>,
      %broadcast_in_dim3A_313 = arith.constant 29 : i32
      %broadcast_in_dim3A_314 = vector.broadcast %broadcast_in_dim3A_313 : i32 to vector<16xi32>
      %gather3A_315 = tpu.vector_load_idx %arg5[%broadcast_in_dim3A_314, %get3A_164] : memref<32x1000xf32, #tpu.memory_space<vmem>>[vector<16xi32>, vector<16xi32>], vector<16xf32>,
      %broadcast_in_dim3A_316 = arith.constant 30 : i32
      %broadcast_in_dim3A_317 = vector.broadcast %broadcast_in_dim3A_316 : i32 to vector<16xi32>
      %gather3A_318 = tpu.vector_load_idx %arg5[%broadcast_in_dim3A_317, %get3A_164] : memref<32x1000xf32, #tpu.memory_space<vmem>>[vector<16xi32>, vector<16xi32>], vector<16xf32>,
      %broadcast_in_dim3A_319 = arith.constant 31 : i32
      %broadcast_in_dim3A_320 = vector.broadcast %broadcast_in_dim3A_319 : i32 to vector<16xi32>
      %gather3A_321 = tpu.vector_load_idx %arg5[%broadcast_in_dim3A_320, %get3A_164] : memref<32x1000xf32, #tpu.memory_space<vmem>>[vector<16xi32>, vector<16xi32>], vector<16xf32>,
      %swap3A_322 = arith.constant 16 : i32
      %swap3A_323 = arith.index_cast %swap3A_322 : i32 to index
      %swap3A_324 = arith.index_cast %min3A_163 : i32 to index
      %swap3A_325 = tpu.vector_load %arg9[%swap3A_323, %swap3A_324] {strides = array<i32>} : memref<32x1000xf32, #tpu.memory_space<vmem>>, vector<16xf32>,
      tpu.vector_store %arg9[%swap3A_323, %swap3A_324], %gather3A_276 {strides = array<i32>} : memref<32x1000xf32, #tpu.memory_space<vmem>>, vector<16xf32>,
      %swap3A_326 = arith.constant 17 : i32
      %swap3A_327 = arith.index_cast %swap3A_326 : i32 to index
      %swap3A_328 = arith.index_cast %min3A_163 : i32 to index
      %swap3A_329 = tpu.vector_load %arg9[%swap3A_327, %swap3A_328] {strides = array<i32>} : memref<32x1000xf32, #tpu.memory_space<vmem>>, vector<16xf32>,
      tpu.vector_store %arg9[%swap3A_327, %swap3A_328], %gather3A_279 {strides = array<i32>} : memref<32x1000xf32, #tpu.memory_space<vmem>>, vector<16xf32>,
      %swap3A_330 = arith.constant 18 : i32
      %swap3A_331 = arith.index_cast %swap3A_330 : i32 to index
      %swap3A_332 = arith.index_cast %min3A_163 : i32 to index
      %swap3A_333 = tpu.vector_load %arg9[%swap3A_331, %swap3A_332] {strides = array<i32>} : memref<32x1000xf32, #tpu.memory_space<vmem>>, vector<16xf32>,
      tpu.vector_store %arg9[%swap3A_331, %swap3A_332], %gather3A_282 {strides = array<i32>} : memref<32x1000xf32, #tpu.memory_space<vmem>>, vector<16xf32>,
      %swap3A_334 = arith.constant 19 : i32
      %swap3A_335 = arith.index_cast %swap3A_334 : i32 to index
      %swap3A_336 = arith.index_cast %min3A_163 : i32 to index
      %swap3A_337 = tpu.vector_load %arg9[%swap3A_335, %swap3A_336] {strides = array<i32>} : memref<32x1000xf32, #tpu.memory_space<vmem>>, vector<16xf32>,
      tpu.vector_store %arg9[%swap3A_335, %swap3A_336], %gather3A_285 {strides = array<i32>} : memref<32x1000xf32, #tpu.memory_space<vmem>>, vector<16xf32>,
      %swap3A_338 = arith.constant 20 : i32
      %swap3A_339 = arith.index_cast %swap3A_338 : i32 to index
      %swap3A_340 = arith.index_cast %min3A_163 : i32 to index
      %swap3A_341 = tpu.vector_load %arg9[%swap3A_339, %swap3A_340] {strides = array<i32>} : memref<32x1000xf32, #tpu.memory_space<vmem>>, vector<16xf32>,
      tpu.vector_store %arg9[%swap3A_339, %swap3A_340], %gather3A_288 {strides = array<i32>} : memref<32x1000xf32, #tpu.memory_space<vmem>>, vector<16xf32>,
      %swap3A_342 = arith.constant 21 : i32
      %swap3A_343 = arith.index_cast %swap3A_342 : i32 to index
      %swap3A_344 = arith.index_cast %min3A_163 : i32 to index
      %swap3A_345 = tpu.vector_load %arg9[%swap3A_343, %swap3A_344] {strides = array<i32>} : memref<32x1000xf32, #tpu.memory_space<vmem>>, vector<16xf32>,
      tpu.vector_store %arg9[%swap3A_343, %swap3A_344], %gather3A_291 {strides = array<i32>} : memref<32x1000xf32, #tpu.memory_space<vmem>>, vector<16xf32>,
      %swap3A_346 = arith.constant 22 : i32
      %swap3A_347 = arith.index_cast %swap3A_346 : i32 to index
      %swap3A_348 = arith.index_cast %min3A_163 : i32 to index
      %swap3A_349 = tpu.vector_load %arg9[%swap3A_347, %swap3A_348] {strides = array<i32>} : memref<32x1000xf32, #tpu.memory_space<vmem>>, vector<16xf32>,
      tpu.vector_store %arg9[%swap3A_347, %swap3A_348], %gather3A_294 {strides = array<i32>} : memref<32x1000xf32, #tpu.memory_space<vmem>>, vector<16xf32>,
      %swap3A_350 = arith.constant 23 : i32
      %swap3A_351 = arith.index_cast %swap3A_350 : i32 to index
      %swap3A_352 = arith.index_cast %min3A_163 : i32 to index
      %swap3A_353 = tpu.vector_load %arg9[%swap3A_351, %swap3A_352] {strides = array<i32>} : memref<32x1000xf32, #tpu.memory_space<vmem>>, vector<16xf32>,
      tpu.vector_store %arg9[%swap3A_351, %swap3A_352], %gather3A_297 {strides = array<i32>} : memref<32x1000xf32, #tpu.memory_space<vmem>>, vector<16xf32>,
      %swap3A_354 = arith.constant 24 : i32
      %swap3A_355 = arith.index_cast %swap3A_354 : i32 to index
      %swap3A_356 = arith.index_cast %min3A_163 : i32 to index
      %swap3A_357 = tpu.vector_load %arg9[%swap3A_355, %swap3A_356] {strides = array<i32>} : memref<32x1000xf32, #tpu.memory_space<vmem>>, vector<16xf32>,
      tpu.vector_store %arg9[%swap3A_355, %swap3A_356], %gather3A_300 {strides = array<i32>} : memref<32x1000xf32, #tpu.memory_space<vmem>>, vector<16xf32>,
      %swap3A_358 = arith.constant 25 : i32
      %swap3A_359 = arith.index_cast %swap3A_358 : i32 to index
      %swap3A_360 = arith.index_cast %min3A_163 : i32 to index
      %swap3A_361 = tpu.vector_load %arg9[%swap3A_359, %swap3A_360] {strides = array<i32>} : memref<32x1000xf32, #tpu.memory_space<vmem>>, vector<16xf32>,
      tpu.vector_store %arg9[%swap3A_359, %swap3A_360], %gather3A_303 {strides = array<i32>} : memref<32x1000xf32, #tpu.memory_space<vmem>>, vector<16xf32>,
      %swap3A_362 = arith.constant 26 : i32
      %swap3A_363 = arith.index_cast %swap3A_362 : i32 to index
      %swap3A_364 = arith.index_cast %min3A_163 : i32 to index
      %swap3A_365 = tpu.vector_load %arg9[%swap3A_363, %swap3A_364] {strides = array<i32>} : memref<32x1000xf32, #tpu.memory_space<vmem>>, vector<16xf32>,
      tpu.vector_store %arg9[%swap3A_363, %swap3A_364], %gather3A_306 {strides = array<i32>} : memref<32x1000xf32, #tpu.memory_space<vmem>>, vector<16xf32>,
      %swap3A_366 = arith.constant 27 : i32
      %swap3A_367 = arith.index_cast %swap3A_366 : i32 to index
      %swap3A_368 = arith.index_cast %min3A_163 : i32 to index
      %swap3A_369 = tpu.vector_load %arg9[%swap3A_367, %swap3A_368] {strides = array<i32>} : memref<32x1000xf32, #tpu.memory_space<vmem>>, vector<16xf32>,
      tpu.vector_store %arg9[%swap3A_367, %swap3A_368], %gather3A_309 {strides = array<i32>} : memref<32x1000xf32, #tpu.memory_space<vmem>>, vector<16xf32>,
      %swap3A_370 = arith.constant 28 : i32
      %swap3A_371 = arith.index_cast %swap3A_370 : i32 to index
      %swap3A_372 = arith.index_cast %min3A_163 : i32 to index
      %swap3A_373 = tpu.vector_load %arg9[%swap3A_371, %swap3A_372] {strides = array<i32>} : memref<32x1000xf32, #tpu.memory_space<vmem>>, vector<16xf32>,
      tpu.vector_store %arg9[%swap3A_371, %swap3A_372], %gather3A_312 {strides = array<i32>} : memref<32x1000xf32, #tpu.memory_space<vmem>>, vector<16xf32>,
      %swap3A_374 = arith.constant 29 : i32
      %swap3A_375 = arith.index_cast %swap3A_374 : i32 to index
      %swap3A_376 = arith.index_cast %min3A_163 : i32 to index
      %swap3A_377 = tpu.vector_load %arg9[%swap3A_375, %swap3A_376] {strides = array<i32>} : memref<32x1000xf32, #tpu.memory_space<vmem>>, vector<16xf32>,
      tpu.vector_store %arg9[%swap3A_375, %swap3A_376], %gather3A_315 {strides = array<i32>} : memref<32x1000xf32, #tpu.memory_space<vmem>>, vector<16xf32>,
      %swap3A_378 = arith.constant 30 : i32
      %swap3A_379 = arith.index_cast %swap3A_378 : i32 to index
      %swap3A_380 = arith.index_cast %min3A_163 : i32 to index
      %swap3A_381 = tpu.vector_load %arg9[%swap3A_379, %swap3A_380] {strides = array<i32>} : memref<32x1000xf32, #tpu.memory_space<vmem>>, vector<16xf32>,
      tpu.vector_store %arg9[%swap3A_379, %swap3A_380], %gather3A_318 {strides = array<i32>} : memref<32x1000xf32, #tpu.memory_space<vmem>>, vector<16xf32>,
      %swap3A_382 = arith.constant 31 : i32
      %swap3A_383 = arith.index_cast %swap3A_382 : i32 to index
      %swap3A_384 = arith.index_cast %min3A_163 : i32 to index
      %swap3A_385 = tpu.vector_load %arg9[%swap3A_383, %swap3A_384] {strides = array<i32>} : memref<32x1000xf32, #tpu.memory_space<vmem>>, vector<16xf32>,
      tpu.vector_store %arg9[%swap3A_383, %swap3A_384], %gather3A_321 {strides = array<i32>} : memref<32x1000xf32, #tpu.memory_space<vmem>>, vector<16xf32>,
    }
    %scan3A_70 = arith.constant 63 : i32
    %dma_start3A_71 = arith.constant 1 : i32
    %dma_start3A_72 = arith.constant 0 : i32
    %dma_start3A_73 = tpu.memref_slice %arg4[%select_n3A, %dma_start3A_71, %mul3A_21, %dma_start3A_72] : memref<2x32x512x1000xf32, #tpu.memory_space<hbm>> -> memref<1x1x32x1000xf32, #tpu.memory_space<hbm>>
    %dma_start3A_74 = tpu.memref_squeeze %dma_start3A_73 : memref<1x1x32x1000xf32, #tpu.memory_space<hbm>> -> memref<32x1000xf32, #tpu.memory_space<hbm>>
    %dma_start3A_75 = arith.constant 0 : i32
    %dma_start3A_76 = tpu.memref_slice %arg4[%select_n3A, %dma_start3A_71, %mul3A_21, %dma_start3A_75] : memref<2x32x512x1000xf32, #tpu.memory_space<hbm>> -> memref<1x1x32x1000xf32, #tpu.memory_space<hbm>>
    %dma_start3A_77 = tpu.memref_squeeze %dma_start3A_76 : memref<1x1x32x1000xf32, #tpu.memory_space<hbm>> -> memref<32x1000xf32, #tpu.memory_space<hbm>>
    tpu.enqueue_dma source(%arg9 : memref<32x1000xf32, #tpu.memory_space<vmem>>) target(%dma_start3A_77 : memref<32x1000xf32, #tpu.memory_space<hbm>>) target_semaphore(%arg13 : memref<!tpu.dma_semaphore, #tpu.memory_space<semaphore_mem>>)
    %scan3A_78 = arith.constant 0 : i32
    %scan3A_79 = arith.constant 14 : i32
    %scan3A_80 = arith.addi %scan3A_78, %scan3A_79 : i32
    %scan3A_81 = arith.constant 1 : i32
    scf.for %scan3A_156 = %scan3A_78 to %scan3A_80 step %scan3A_81  : i32 {
      %mul3A_157 = arith.constant 1 : i32
      %mul3A_158 = arith.muli %scan3A_156, %mul3A_157 : i32
      %add3A_159 = arith.constant 0 : i32
      %add3A_160 = arith.addi %add3A_159, %mul3A_158 : i32
      %mul3A_161 = arith.constant 2 : i32
      %mul3A_162 = arith.muli %mul3A_161, %add3A_160 : i32
      %add3A_163 = arith.constant 2 : i32
      %add3A_164 = arith.addi %add3A_163, %mul3A_162 : i32
      %dma_wait3A_165 = arith.constant 0 : i32
      %dma_wait3A_166 = tpu.memref_slice %arg3[%select_n3A, %add3A_164, %dma_wait3A_165] : memref<2x32x1008xi32, #tpu.memory_space<hbm>> -> memref<1x1x1008xi32, #tpu.memory_space<hbm>>
      %dma_wait3A_167 = tpu.memref_squeeze %dma_wait3A_166 : memref<1x1x1008xi32, #tpu.memory_space<hbm>> -> memref<1008xi32, #tpu.memory_space<hbm>>
      %dma_wait3A_168 = arith.constant 0 : i32
      %dma_wait3A_169 = tpu.memref_slice %arg3[%select_n3A, %add3A_164, %dma_wait3A_168] : memref<2x32x1008xi32, #tpu.memory_space<hbm>> -> memref<1x1x1008xi32, #tpu.memory_space<hbm>>
      %dma_wait3A_170 = tpu.memref_squeeze %dma_wait3A_169 : memref<1x1x1008xi32, #tpu.memory_space<hbm>> -> memref<1008xi32, #tpu.memory_space<hbm>>
      tpu.wait_dma2 semaphore(%arg10 : memref<!tpu.dma_semaphore, #tpu.memory_space<semaphore_mem>>) src(%dma_wait3A_170 : memref<1008xi32, #tpu.memory_space<hbm>>) dst(%arg6 : memref<1008xi32, #tpu.memory_space<vmem>>)
      %add3A_171 = arith.constant 1 : i32
      %add3A_172 = arith.addi %add3A_164, %add3A_171 : i32
      %dma_start3A_173 = arith.constant 0 : i32
      %dma_start3A_174 = tpu.memref_slice %arg3[%select_n3A, %add3A_172, %dma_start3A_173] : memref<2x32x1008xi32, #tpu.memory_space<hbm>> -> memref<1x1x1008xi32, #tpu.memory_space<hbm>>
      %dma_start3A_175 = tpu.memref_squeeze %dma_start3A_174 : memref<1x1x1008xi32, #tpu.memory_space<hbm>> -> memref<1008xi32, #tpu.memory_space<hbm>>
      %dma_start3A_176 = arith.constant 0 : i32
      %dma_start3A_177 = tpu.memref_slice %arg3[%select_n3A, %add3A_172, %dma_start3A_176] : memref<2x32x1008xi32, #tpu.memory_space<hbm>> -> memref<1x1x1008xi32, #tpu.memory_space<hbm>>
      %dma_start3A_178 = tpu.memref_squeeze %dma_start3A_177 : memref<1x1x1008xi32, #tpu.memory_space<hbm>> -> memref<1008xi32, #tpu.memory_space<hbm>>
      tpu.enqueue_dma source(%dma_start3A_178 : memref<1008xi32, #tpu.memory_space<hbm>>) target(%arg7 : memref<1008xi32, #tpu.memory_space<vmem>>) target_semaphore(%arg11 : memref<!tpu.dma_semaphore, #tpu.memory_space<semaphore_mem>>)
      %sub3A_179 = arith.constant 2 : i32
      %sub3A_180 = arith.subi %add3A_164, %sub3A_179 : i32
      %dma_wait3A_181 = arith.constant 0 : i32
      %dma_wait3A_182 = tpu.memref_slice %arg4[%select_n3A, %sub3A_180, %mul3A_21, %dma_wait3A_181] : memref<2x32x512x1000xf32, #tpu.memory_space<hbm>> -> memref<1x1x32x1000xf32, #tpu.memory_space<hbm>>
      %dma_wait3A_183 = tpu.memref_squeeze %dma_wait3A_182 : memref<1x1x32x1000xf32, #tpu.memory_space<hbm>> -> memref<32x1000xf32, #tpu.memory_space<hbm>>
      %dma_wait3A_184 = arith.constant 0 : i32
      %dma_wait3A_185 = tpu.memref_slice %arg4[%select_n3A, %sub3A_180, %mul3A_21, %dma_wait3A_184] : memref<2x32x512x1000xf32, #tpu.memory_space<hbm>> -> memref<1x1x32x1000xf32, #tpu.memory_space<hbm>>
      %dma_wait3A_186 = tpu.memref_squeeze %dma_wait3A_185 : memref<1x1x32x1000xf32, #tpu.memory_space<hbm>> -> memref<32x1000xf32, #tpu.memory_space<hbm>>
      tpu.wait_dma2 semaphore(%arg12 : memref<!tpu.dma_semaphore, #tpu.memory_space<semaphore_mem>>) src(%arg8 : memref<32x1000xf32, #tpu.memory_space<vmem>>) dst(%dma_wait3A_186 : memref<32x1000xf32, #tpu.memory_space<hbm>>)
      %scan3A_187 = arith.constant 0 : i32
      %scan3A_188 = arith.constant 63 : i32
      %scan3A_189 = arith.addi %scan3A_187, %scan3A_188 : i32
      %scan3A_190 = arith.constant 1 : i32
      scf.for %scan3A_233 = %scan3A_187 to %scan3A_189 step %scan3A_190  : i32 {
        %mul3A_234 = arith.constant 1 : i32
        %mul3A_235 = arith.muli %scan3A_233, %mul3A_234 : i32
        %add3A_236 = arith.constant 0 : i32
        %add3A_237 = arith.addi %add3A_236, %mul3A_235 : i32
        %mul3A_238 = arith.constant 16 : i32
        %mul3A_239 = arith.muli %add3A_237, %mul3A_238 : i32
        %min3A = arith.constant 984 : i32
        %min3A_240 = arith.minsi %mul3A_239, %min3A : i32
        %get3A = arith.index_cast %min3A_240 : i32 to index
        %get3A_241 = tpu.vector_load %arg6[%get3A] {strides = array<i32>} : memref<1008xi32, #tpu.memory_space<vmem>>, vector<16xi32>,
        %broadcast_in_dim3A = arith.constant 0 : i32
        %broadcast_in_dim3A_242 = vector.broadcast %broadcast_in_dim3A : i32 to vector<16xi32>
        %gather3A = tpu.vector_load_idx %arg5[%broadcast_in_dim3A_242, %get3A_241] : memref<32x1000xf32, #tpu.memory_space<vmem>>[vector<16xi32>, vector<16xi32>], vector<16xf32>,
        %broadcast_in_dim3A_243 = arith.constant 1 : i32
        %broadcast_in_dim3A_244 = vector.broadcast %broadcast_in_dim3A_243 : i32 to vector<16xi32>
        %gather3A_245 = tpu.vector_load_idx %arg5[%broadcast_in_dim3A_244, %get3A_241] : memref<32x1000xf32, #tpu.memory_space<vmem>>[vector<16xi32>, vector<16xi32>], vector<16xf32>,
        %broadcast_in_dim3A_246 = arith.constant 2 : i32
        %broadcast_in_dim3A_247 = vector.broadcast %broadcast_in_dim3A_246 : i32 to vector<16xi32>
        %gather3A_248 = tpu.vector_load_idx %arg5[%broadcast_in_dim3A_247, %get3A_241] : memref<32x1000xf32, #tpu.memory_space<vmem>>[vector<16xi32>, vector<16xi32>], vector<16xf32>,
        %broadcast_in_dim3A_249 = arith.constant 3 : i32
        %broadcast_in_dim3A_250 = vector.broadcast %broadcast_in_dim3A_249 : i32 to vector<16xi32>
        %gather3A_251 = tpu.vector_load_idx %arg5[%broadcast_in_dim3A_250, %get3A_241] : memref<32x1000xf32, #tpu.memory_space<vmem>>[vector<16xi32>, vector<16xi32>], vector<16xf32>,
        %broadcast_in_dim3A_252 = arith.constant 4 : i32
        %broadcast_in_dim3A_253 = vector.broadcast %broadcast_in_dim3A_252 : i32 to vector<16xi32>
        %gather3A_254 = tpu.vector_load_idx %arg5[%broadcast_in_dim3A_253, %get3A_241] : memref<32x1000xf32, #tpu.memory_space<vmem>>[vector<16xi32>, vector<16xi32>], vector<16xf32>,
        %broadcast_in_dim3A_255 = arith.constant 5 : i32
        %broadcast_in_dim3A_256 = vector.broadcast %broadcast_in_dim3A_255 : i32 to vector<16xi32>
        %gather3A_257 = tpu.vector_load_idx %arg5[%broadcast_in_dim3A_256, %get3A_241] : memref<32x1000xf32, #tpu.memory_space<vmem>>[vector<16xi32>, vector<16xi32>], vector<16xf32>,
        %broadcast_in_dim3A_258 = arith.constant 6 : i32
        %broadcast_in_dim3A_259 = vector.broadcast %broadcast_in_dim3A_258 : i32 to vector<16xi32>
        %gather3A_260 = tpu.vector_load_idx %arg5[%broadcast_in_dim3A_259, %get3A_241] : memref<32x1000xf32, #tpu.memory_space<vmem>>[vector<16xi32>, vector<16xi32>], vector<16xf32>,
        %broadcast_in_dim3A_261 = arith.constant 7 : i32
        %broadcast_in_dim3A_262 = vector.broadcast %broadcast_in_dim3A_261 : i32 to vector<16xi32>
        %gather3A_263 = tpu.vector_load_idx %arg5[%broadcast_in_dim3A_262, %get3A_241] : memref<32x1000xf32, #tpu.memory_space<vmem>>[vector<16xi32>, vector<16xi32>], vector<16xf32>,
        %broadcast_in_dim3A_264 = arith.constant 8 : i32
        %broadcast_in_dim3A_265 = vector.broadcast %broadcast_in_dim3A_264 : i32 to vector<16xi32>
        %gather3A_266 = tpu.vector_load_idx %arg5[%broadcast_in_dim3A_265, %get3A_241] : memref<32x1000xf32, #tpu.memory_space<vmem>>[vector<16xi32>, vector<16xi32>], vector<16xf32>,
        %broadcast_in_dim3A_267 = arith.constant 9 : i32
        %broadcast_in_dim3A_268 = vector.broadcast %broadcast_in_dim3A_267 : i32 to vector<16xi32>
        %gather3A_269 = tpu.vector_load_idx %arg5[%broadcast_in_dim3A_268, %get3A_241] : memref<32x1000xf32, #tpu.memory_space<vmem>>[vector<16xi32>, vector<16xi32>], vector<16xf32>,
        %broadcast_in_dim3A_270 = arith.constant 10 : i32
        %broadcast_in_dim3A_271 = vector.broadcast %broadcast_in_dim3A_270 : i32 to vector<16xi32>
        %gather3A_272 = tpu.vector_load_idx %arg5[%broadcast_in_dim3A_271, %get3A_241] : memref<32x1000xf32, #tpu.memory_space<vmem>>[vector<16xi32>, vector<16xi32>], vector<16xf32>,
        %broadcast_in_dim3A_273 = arith.constant 11 : i32
        %broadcast_in_dim3A_274 = vector.broadcast %broadcast_in_dim3A_273 : i32 to vector<16xi32>
        %gather3A_275 = tpu.vector_load_idx %arg5[%broadcast_in_dim3A_274, %get3A_241] : memref<32x1000xf32, #tpu.memory_space<vmem>>[vector<16xi32>, vector<16xi32>], vector<16xf32>,
        %broadcast_in_dim3A_276 = arith.constant 12 : i32
        %broadcast_in_dim3A_277 = vector.broadcast %broadcast_in_dim3A_276 : i32 to vector<16xi32>
        %gather3A_278 = tpu.vector_load_idx %arg5[%broadcast_in_dim3A_277, %get3A_241] : memref<32x1000xf32, #tpu.memory_space<vmem>>[vector<16xi32>, vector<16xi32>], vector<16xf32>,
        %broadcast_in_dim3A_279 = arith.constant 13 : i32
        %broadcast_in_dim3A_280 = vector.broadcast %broadcast_in_dim3A_279 : i32 to vector<16xi32>
        %gather3A_281 = tpu.vector_load_idx %arg5[%broadcast_in_dim3A_280, %get3A_241] : memref<32x1000xf32, #tpu.memory_space<vmem>>[vector<16xi32>, vector<16xi32>], vector<16xf32>,
        %broadcast_in_dim3A_282 = arith.constant 14 : i32
        %broadcast_in_dim3A_283 = vector.broadcast %broadcast_in_dim3A_282 : i32 to vector<16xi32>
        %gather3A_284 = tpu.vector_load_idx %arg5[%broadcast_in_dim3A_283, %get3A_241] : memref<32x1000xf32, #tpu.memory_space<vmem>>[vector<16xi32>, vector<16xi32>], vector<16xf32>,
        %broadcast_in_dim3A_285 = arith.constant 15 : i32
        %broadcast_in_dim3A_286 = vector.broadcast %broadcast_in_dim3A_285 : i32 to vector<16xi32>
        %gather3A_287 = tpu.vector_load_idx %arg5[%broadcast_in_dim3A_286, %get3A_241] : memref<32x1000xf32, #tpu.memory_space<vmem>>[vector<16xi32>, vector<16xi32>], vector<16xf32>,
        %swap3A = arith.constant 0 : i32
        %swap3A_288 = arith.index_cast %swap3A : i32 to index
        %swap3A_289 = arith.index_cast %min3A_240 : i32 to index
        %swap3A_290 = tpu.vector_load %arg8[%swap3A_288, %swap3A_289] {strides = array<i32>} : memref<32x1000xf32, #tpu.memory_space<vmem>>, vector<16xf32>,
        tpu.vector_store %arg8[%swap3A_288, %swap3A_289], %gather3A {strides = array<i32>} : memref<32x1000xf32, #tpu.memory_space<vmem>>, vector<16xf32>,
        %swap3A_291 = arith.constant 1 : i32
        %swap3A_292 = arith.index_cast %swap3A_291 : i32 to index
        %swap3A_293 = arith.index_cast %min3A_240 : i32 to index
        %swap3A_294 = tpu.vector_load %arg8[%swap3A_292, %swap3A_293] {strides = array<i32>} : memref<32x1000xf32, #tpu.memory_space<vmem>>, vector<16xf32>,
        tpu.vector_store %arg8[%swap3A_292, %swap3A_293], %gather3A_245 {strides = array<i32>} : memref<32x1000xf32, #tpu.memory_space<vmem>>, vector<16xf32>,
        %swap3A_295 = arith.constant 2 : i32
        %swap3A_296 = arith.index_cast %swap3A_295 : i32 to index
        %swap3A_297 = arith.index_cast %min3A_240 : i32 to index
        %swap3A_298 = tpu.vector_load %arg8[%swap3A_296, %swap3A_297] {strides = array<i32>} : memref<32x1000xf32, #tpu.memory_space<vmem>>, vector<16xf32>,
        tpu.vector_store %arg8[%swap3A_296, %swap3A_297], %gather3A_248 {strides = array<i32>} : memref<32x1000xf32, #tpu.memory_space<vmem>>, vector<16xf32>,
        %swap3A_299 = arith.constant 3 : i32
        %swap3A_300 = arith.index_cast %swap3A_299 : i32 to index
        %swap3A_301 = arith.index_cast %min3A_240 : i32 to index
        %swap3A_302 = tpu.vector_load %arg8[%swap3A_300, %swap3A_301] {strides = array<i32>} : memref<32x1000xf32, #tpu.memory_space<vmem>>, vector<16xf32>,
        tpu.vector_store %arg8[%swap3A_300, %swap3A_301], %gather3A_251 {strides = array<i32>} : memref<32x1000xf32, #tpu.memory_space<vmem>>, vector<16xf32>,
        %swap3A_303 = arith.constant 4 : i32
        %swap3A_304 = arith.index_cast %swap3A_303 : i32 to index
        %swap3A_305 = arith.index_cast %min3A_240 : i32 to index
        %swap3A_306 = tpu.vector_load %arg8[%swap3A_304, %swap3A_305] {strides = array<i32>} : memref<32x1000xf32, #tpu.memory_space<vmem>>, vector<16xf32>,
        tpu.vector_store %arg8[%swap3A_304, %swap3A_305], %gather3A_254 {strides = array<i32>} : memref<32x1000xf32, #tpu.memory_space<vmem>>, vector<16xf32>,
        %swap3A_307 = arith.constant 5 : i32
        %swap3A_308 = arith.index_cast %swap3A_307 : i32 to index
        %swap3A_309 = arith.index_cast %min3A_240 : i32 to index
        %swap3A_310 = tpu.vector_load %arg8[%swap3A_308, %swap3A_309] {strides = array<i32>} : memref<32x1000xf32, #tpu.memory_space<vmem>>, vector<16xf32>,
        tpu.vector_store %arg8[%swap3A_308, %swap3A_309], %gather3A_257 {strides = array<i32>} : memref<32x1000xf32, #tpu.memory_space<vmem>>, vector<16xf32>,
        %swap3A_311 = arith.constant 6 : i32
        %swap3A_312 = arith.index_cast %swap3A_311 : i32 to index
        %swap3A_313 = arith.index_cast %min3A_240 : i32 to index
        %swap3A_314 = tpu.vector_load %arg8[%swap3A_312, %swap3A_313] {strides = array<i32>} : memref<32x1000xf32, #tpu.memory_space<vmem>>, vector<16xf32>,
        tpu.vector_store %arg8[%swap3A_312, %swap3A_313], %gather3A_260 {strides = array<i32>} : memref<32x1000xf32, #tpu.memory_space<vmem>>, vector<16xf32>,
        %swap3A_315 = arith.constant 7 : i32
        %swap3A_316 = arith.index_cast %swap3A_315 : i32 to index
        %swap3A_317 = arith.index_cast %min3A_240 : i32 to index
        %swap3A_318 = tpu.vector_load %arg8[%swap3A_316, %swap3A_317] {strides = array<i32>} : memref<32x1000xf32, #tpu.memory_space<vmem>>, vector<16xf32>,
        tpu.vector_store %arg8[%swap3A_316, %swap3A_317], %gather3A_263 {strides = array<i32>} : memref<32x1000xf32, #tpu.memory_space<vmem>>, vector<16xf32>,
        %swap3A_319 = arith.constant 8 : i32
        %swap3A_320 = arith.index_cast %swap3A_319 : i32 to index
        %swap3A_321 = arith.index_cast %min3A_240 : i32 to index
        %swap3A_322 = tpu.vector_load %arg8[%swap3A_320, %swap3A_321] {strides = array<i32>} : memref<32x1000xf32, #tpu.memory_space<vmem>>, vector<16xf32>,
        tpu.vector_store %arg8[%swap3A_320, %swap3A_321], %gather3A_266 {strides = array<i32>} : memref<32x1000xf32, #tpu.memory_space<vmem>>, vector<16xf32>,
        %swap3A_323 = arith.constant 9 : i32
        %swap3A_324 = arith.index_cast %swap3A_323 : i32 to index
        %swap3A_325 = arith.index_cast %min3A_240 : i32 to index
        %swap3A_326 = tpu.vector_load %arg8[%swap3A_324, %swap3A_325] {strides = array<i32>} : memref<32x1000xf32, #tpu.memory_space<vmem>>, vector<16xf32>,
        tpu.vector_store %arg8[%swap3A_324, %swap3A_325], %gather3A_269 {strides = array<i32>} : memref<32x1000xf32, #tpu.memory_space<vmem>>, vector<16xf32>,
        %swap3A_327 = arith.constant 10 : i32
        %swap3A_328 = arith.index_cast %swap3A_327 : i32 to index
        %swap3A_329 = arith.index_cast %min3A_240 : i32 to index
        %swap3A_330 = tpu.vector_load %arg8[%swap3A_328, %swap3A_329] {strides = array<i32>} : memref<32x1000xf32, #tpu.memory_space<vmem>>, vector<16xf32>,
        tpu.vector_store %arg8[%swap3A_328, %swap3A_329], %gather3A_272 {strides = array<i32>} : memref<32x1000xf32, #tpu.memory_space<vmem>>, vector<16xf32>,
        %swap3A_331 = arith.constant 11 : i32
        %swap3A_332 = arith.index_cast %swap3A_331 : i32 to index
        %swap3A_333 = arith.index_cast %min3A_240 : i32 to index
        %swap3A_334 = tpu.vector_load %arg8[%swap3A_332, %swap3A_333] {strides = array<i32>} : memref<32x1000xf32, #tpu.memory_space<vmem>>, vector<16xf32>,
        tpu.vector_store %arg8[%swap3A_332, %swap3A_333], %gather3A_275 {strides = array<i32>} : memref<32x1000xf32, #tpu.memory_space<vmem>>, vector<16xf32>,
        %swap3A_335 = arith.constant 12 : i32
        %swap3A_336 = arith.index_cast %swap3A_335 : i32 to index
        %swap3A_337 = arith.index_cast %min3A_240 : i32 to index
        %swap3A_338 = tpu.vector_load %arg8[%swap3A_336, %swap3A_337] {strides = array<i32>} : memref<32x1000xf32, #tpu.memory_space<vmem>>, vector<16xf32>,
        tpu.vector_store %arg8[%swap3A_336, %swap3A_337], %gather3A_278 {strides = array<i32>} : memref<32x1000xf32, #tpu.memory_space<vmem>>, vector<16xf32>,
        %swap3A_339 = arith.constant 13 : i32
        %swap3A_340 = arith.index_cast %swap3A_339 : i32 to index
        %swap3A_341 = arith.index_cast %min3A_240 : i32 to index
        %swap3A_342 = tpu.vector_load %arg8[%swap3A_340, %swap3A_341] {strides = array<i32>} : memref<32x1000xf32, #tpu.memory_space<vmem>>, vector<16xf32>,
        tpu.vector_store %arg8[%swap3A_340, %swap3A_341], %gather3A_281 {strides = array<i32>} : memref<32x1000xf32, #tpu.memory_space<vmem>>, vector<16xf32>,
        %swap3A_343 = arith.constant 14 : i32
        %swap3A_344 = arith.index_cast %swap3A_343 : i32 to index
        %swap3A_345 = arith.index_cast %min3A_240 : i32 to index
        %swap3A_346 = tpu.vector_load %arg8[%swap3A_344, %swap3A_345] {strides = array<i32>} : memref<32x1000xf32, #tpu.memory_space<vmem>>, vector<16xf32>,
        tpu.vector_store %arg8[%swap3A_344, %swap3A_345], %gather3A_284 {strides = array<i32>} : memref<32x1000xf32, #tpu.memory_space<vmem>>, vector<16xf32>,
        %swap3A_347 = arith.constant 15 : i32
        %swap3A_348 = arith.index_cast %swap3A_347 : i32 to index
        %swap3A_349 = arith.index_cast %min3A_240 : i32 to index
        %swap3A_350 = tpu.vector_load %arg8[%swap3A_348, %swap3A_349] {strides = array<i32>} : memref<32x1000xf32, #tpu.memory_space<vmem>>, vector<16xf32>,
        tpu.vector_store %arg8[%swap3A_348, %swap3A_349], %gather3A_287 {strides = array<i32>} : memref<32x1000xf32, #tpu.memory_space<vmem>>, vector<16xf32>,
        %broadcast_in_dim3A_351 = arith.constant 16 : i32
        %broadcast_in_dim3A_352 = vector.broadcast %broadcast_in_dim3A_351 : i32 to vector<16xi32>
        %gather3A_353 = tpu.vector_load_idx %arg5[%broadcast_in_dim3A_352, %get3A_241] : memref<32x1000xf32, #tpu.memory_space<vmem>>[vector<16xi32>, vector<16xi32>], vector<16xf32>,
        %broadcast_in_dim3A_354 = arith.constant 17 : i32
        %broadcast_in_dim3A_355 = vector.broadcast %broadcast_in_dim3A_354 : i32 to vector<16xi32>
        %gather3A_356 = tpu.vector_load_idx %arg5[%broadcast_in_dim3A_355, %get3A_241] : memref<32x1000xf32, #tpu.memory_space<vmem>>[vector<16xi32>, vector<16xi32>], vector<16xf32>,
        %broadcast_in_dim3A_357 = arith.constant 18 : i32
        %broadcast_in_dim3A_358 = vector.broadcast %broadcast_in_dim3A_357 : i32 to vector<16xi32>
        %gather3A_359 = tpu.vector_load_idx %arg5[%broadcast_in_dim3A_358, %get3A_241] : memref<32x1000xf32, #tpu.memory_space<vmem>>[vector<16xi32>, vector<16xi32>], vector<16xf32>,
        %broadcast_in_dim3A_360 = arith.constant 19 : i32
        %broadcast_in_dim3A_361 = vector.broadcast %broadcast_in_dim3A_360 : i32 to vector<16xi32>
        %gather3A_362 = tpu.vector_load_idx %arg5[%broadcast_in_dim3A_361, %get3A_241] : memref<32x1000xf32, #tpu.memory_space<vmem>>[vector<16xi32>, vector<16xi32>], vector<16xf32>,
        %broadcast_in_dim3A_363 = arith.constant 20 : i32
        %broadcast_in_dim3A_364 = vector.broadcast %broadcast_in_dim3A_363 : i32 to vector<16xi32>
        %gather3A_365 = tpu.vector_load_idx %arg5[%broadcast_in_dim3A_364, %get3A_241] : memref<32x1000xf32, #tpu.memory_space<vmem>>[vector<16xi32>, vector<16xi32>], vector<16xf32>,
        %broadcast_in_dim3A_366 = arith.constant 21 : i32
        %broadcast_in_dim3A_367 = vector.broadcast %broadcast_in_dim3A_366 : i32 to vector<16xi32>
        %gather3A_368 = tpu.vector_load_idx %arg5[%broadcast_in_dim3A_367, %get3A_241] : memref<32x1000xf32, #tpu.memory_space<vmem>>[vector<16xi32>, vector<16xi32>], vector<16xf32>,
        %broadcast_in_dim3A_369 = arith.constant 22 : i32
        %broadcast_in_dim3A_370 = vector.broadcast %broadcast_in_dim3A_369 : i32 to vector<16xi32>
        %gather3A_371 = tpu.vector_load_idx %arg5[%broadcast_in_dim3A_370, %get3A_241] : memref<32x1000xf32, #tpu.memory_space<vmem>>[vector<16xi32>, vector<16xi32>], vector<16xf32>,
        %broadcast_in_dim3A_372 = arith.constant 23 : i32
        %broadcast_in_dim3A_373 = vector.broadcast %broadcast_in_dim3A_372 : i32 to vector<16xi32>
        %gather3A_374 = tpu.vector_load_idx %arg5[%broadcast_in_dim3A_373, %get3A_241] : memref<32x1000xf32, #tpu.memory_space<vmem>>[vector<16xi32>, vector<16xi32>], vector<16xf32>,
        %broadcast_in_dim3A_375 = arith.constant 24 : i32
        %broadcast_in_dim3A_376 = vector.broadcast %broadcast_in_dim3A_375 : i32 to vector<16xi32>
        %gather3A_377 = tpu.vector_load_idx %arg5[%broadcast_in_dim3A_376, %get3A_241] : memref<32x1000xf32, #tpu.memory_space<vmem>>[vector<16xi32>, vector<16xi32>], vector<16xf32>,
        %broadcast_in_dim3A_378 = arith.constant 25 : i32
        %broadcast_in_dim3A_379 = vector.broadcast %broadcast_in_dim3A_378 : i32 to vector<16xi32>
        %gather3A_380 = tpu.vector_load_idx %arg5[%broadcast_in_dim3A_379, %get3A_241] : memref<32x1000xf32, #tpu.memory_space<vmem>>[vector<16xi32>, vector<16xi32>], vector<16xf32>,
        %broadcast_in_dim3A_381 = arith.constant 26 : i32
        %broadcast_in_dim3A_382 = vector.broadcast %broadcast_in_dim3A_381 : i32 to vector<16xi32>
        %gather3A_383 = tpu.vector_load_idx %arg5[%broadcast_in_dim3A_382, %get3A_241] : memref<32x1000xf32, #tpu.memory_space<vmem>>[vector<16xi32>, vector<16xi32>], vector<16xf32>,
        %broadcast_in_dim3A_384 = arith.constant 27 : i32
        %broadcast_in_dim3A_385 = vector.broadcast %broadcast_in_dim3A_384 : i32 to vector<16xi32>
        %gather3A_386 = tpu.vector_load_idx %arg5[%broadcast_in_dim3A_385, %get3A_241] : memref<32x1000xf32, #tpu.memory_space<vmem>>[vector<16xi32>, vector<16xi32>], vector<16xf32>,
        %broadcast_in_dim3A_387 = arith.constant 28 : i32
        %broadcast_in_dim3A_388 = vector.broadcast %broadcast_in_dim3A_387 : i32 to vector<16xi32>
        %gather3A_389 = tpu.vector_load_idx %arg5[%broadcast_in_dim3A_388, %get3A_241] : memref<32x1000xf32, #tpu.memory_space<vmem>>[vector<16xi32>, vector<16xi32>], vector<16xf32>,
        %broadcast_in_dim3A_390 = arith.constant 29 : i32
        %broadcast_in_dim3A_391 = vector.broadcast %broadcast_in_dim3A_390 : i32 to vector<16xi32>
        %gather3A_392 = tpu.vector_load_idx %arg5[%broadcast_in_dim3A_391, %get3A_241] : memref<32x1000xf32, #tpu.memory_space<vmem>>[vector<16xi32>, vector<16xi32>], vector<16xf32>,
        %broadcast_in_dim3A_393 = arith.constant 30 : i32
        %broadcast_in_dim3A_394 = vector.broadcast %broadcast_in_dim3A_393 : i32 to vector<16xi32>
        %gather3A_395 = tpu.vector_load_idx %arg5[%broadcast_in_dim3A_394, %get3A_241] : memref<32x1000xf32, #tpu.memory_space<vmem>>[vector<16xi32>, vector<16xi32>], vector<16xf32>,
        %broadcast_in_dim3A_396 = arith.constant 31 : i32
        %broadcast_in_dim3A_397 = vector.broadcast %broadcast_in_dim3A_396 : i32 to vector<16xi32>
        %gather3A_398 = tpu.vector_load_idx %arg5[%broadcast_in_dim3A_397, %get3A_241] : memref<32x1000xf32, #tpu.memory_space<vmem>>[vector<16xi32>, vector<16xi32>], vector<16xf32>,
        %swap3A_399 = arith.constant 16 : i32
        %swap3A_400 = arith.index_cast %swap3A_399 : i32 to index
        %swap3A_401 = arith.index_cast %min3A_240 : i32 to index
        %swap3A_402 = tpu.vector_load %arg8[%swap3A_400, %swap3A_401] {strides = array<i32>} : memref<32x1000xf32, #tpu.memory_space<vmem>>, vector<16xf32>,
        tpu.vector_store %arg8[%swap3A_400, %swap3A_401], %gather3A_353 {strides = array<i32>} : memref<32x1000xf32, #tpu.memory_space<vmem>>, vector<16xf32>,
        %swap3A_403 = arith.constant 17 : i32
        %swap3A_404 = arith.index_cast %swap3A_403 : i32 to index
        %swap3A_405 = arith.index_cast %min3A_240 : i32 to index
        %swap3A_406 = tpu.vector_load %arg8[%swap3A_404, %swap3A_405] {strides = array<i32>} : memref<32x1000xf32, #tpu.memory_space<vmem>>, vector<16xf32>,
        tpu.vector_store %arg8[%swap3A_404, %swap3A_405], %gather3A_356 {strides = array<i32>} : memref<32x1000xf32, #tpu.memory_space<vmem>>, vector<16xf32>,
        %swap3A_407 = arith.constant 18 : i32
        %swap3A_408 = arith.index_cast %swap3A_407 : i32 to index
        %swap3A_409 = arith.index_cast %min3A_240 : i32 to index
        %swap3A_410 = tpu.vector_load %arg8[%swap3A_408, %swap3A_409] {strides = array<i32>} : memref<32x1000xf32, #tpu.memory_space<vmem>>, vector<16xf32>,
        tpu.vector_store %arg8[%swap3A_408, %swap3A_409], %gather3A_359 {strides = array<i32>} : memref<32x1000xf32, #tpu.memory_space<vmem>>, vector<16xf32>,
        %swap3A_411 = arith.constant 19 : i32
        %swap3A_412 = arith.index_cast %swap3A_411 : i32 to index
        %swap3A_413 = arith.index_cast %min3A_240 : i32 to index
        %swap3A_414 = tpu.vector_load %arg8[%swap3A_412, %swap3A_413] {strides = array<i32>} : memref<32x1000xf32, #tpu.memory_space<vmem>>, vector<16xf32>,
        tpu.vector_store %arg8[%swap3A_412, %swap3A_413], %gather3A_362 {strides = array<i32>} : memref<32x1000xf32, #tpu.memory_space<vmem>>, vector<16xf32>,
        %swap3A_415 = arith.constant 20 : i32
        %swap3A_416 = arith.index_cast %swap3A_415 : i32 to index
        %swap3A_417 = arith.index_cast %min3A_240 : i32 to index
        %swap3A_418 = tpu.vector_load %arg8[%swap3A_416, %swap3A_417] {strides = array<i32>} : memref<32x1000xf32, #tpu.memory_space<vmem>>, vector<16xf32>,
        tpu.vector_store %arg8[%swap3A_416, %swap3A_417], %gather3A_365 {strides = array<i32>} : memref<32x1000xf32, #tpu.memory_space<vmem>>, vector<16xf32>,
        %swap3A_419 = arith.constant 21 : i32
        %swap3A_420 = arith.index_cast %swap3A_419 : i32 to index
        %swap3A_421 = arith.index_cast %min3A_240 : i32 to index
        %swap3A_422 = tpu.vector_load %arg8[%swap3A_420, %swap3A_421] {strides = array<i32>} : memref<32x1000xf32, #tpu.memory_space<vmem>>, vector<16xf32>,
        tpu.vector_store %arg8[%swap3A_420, %swap3A_421], %gather3A_368 {strides = array<i32>} : memref<32x1000xf32, #tpu.memory_space<vmem>>, vector<16xf32>,
        %swap3A_423 = arith.constant 22 : i32
        %swap3A_424 = arith.index_cast %swap3A_423 : i32 to index
        %swap3A_425 = arith.index_cast %min3A_240 : i32 to index
        %swap3A_426 = tpu.vector_load %arg8[%swap3A_424, %swap3A_425] {strides = array<i32>} : memref<32x1000xf32, #tpu.memory_space<vmem>>, vector<16xf32>,
        tpu.vector_store %arg8[%swap3A_424, %swap3A_425], %gather3A_371 {strides = array<i32>} : memref<32x1000xf32, #tpu.memory_space<vmem>>, vector<16xf32>,
        %swap3A_427 = arith.constant 23 : i32
        %swap3A_428 = arith.index_cast %swap3A_427 : i32 to index
        %swap3A_429 = arith.index_cast %min3A_240 : i32 to index
        %swap3A_430 = tpu.vector_load %arg8[%swap3A_428, %swap3A_429] {strides = array<i32>} : memref<32x1000xf32, #tpu.memory_space<vmem>>, vector<16xf32>,
        tpu.vector_store %arg8[%swap3A_428, %swap3A_429], %gather3A_374 {strides = array<i32>} : memref<32x1000xf32, #tpu.memory_space<vmem>>, vector<16xf32>,
        %swap3A_431 = arith.constant 24 : i32
        %swap3A_432 = arith.index_cast %swap3A_431 : i32 to index
        %swap3A_433 = arith.index_cast %min3A_240 : i32 to index
        %swap3A_434 = tpu.vector_load %arg8[%swap3A_432, %swap3A_433] {strides = array<i32>} : memref<32x1000xf32, #tpu.memory_space<vmem>>, vector<16xf32>,
        tpu.vector_store %arg8[%swap3A_432, %swap3A_433], %gather3A_377 {strides = array<i32>} : memref<32x1000xf32, #tpu.memory_space<vmem>>, vector<16xf32>,
        %swap3A_435 = arith.constant 25 : i32
        %swap3A_436 = arith.index_cast %swap3A_435 : i32 to index
        %swap3A_437 = arith.index_cast %min3A_240 : i32 to index
        %swap3A_438 = tpu.vector_load %arg8[%swap3A_436, %swap3A_437] {strides = array<i32>} : memref<32x1000xf32, #tpu.memory_space<vmem>>, vector<16xf32>,
        tpu.vector_store %arg8[%swap3A_436, %swap3A_437], %gather3A_380 {strides = array<i32>} : memref<32x1000xf32, #tpu.memory_space<vmem>>, vector<16xf32>,
        %swap3A_439 = arith.constant 26 : i32
        %swap3A_440 = arith.index_cast %swap3A_439 : i32 to index
        %swap3A_441 = arith.index_cast %min3A_240 : i32 to index
        %swap3A_442 = tpu.vector_load %arg8[%swap3A_440, %swap3A_441] {strides = array<i32>} : memref<32x1000xf32, #tpu.memory_space<vmem>>, vector<16xf32>,
        tpu.vector_store %arg8[%swap3A_440, %swap3A_441], %gather3A_383 {strides = array<i32>} : memref<32x1000xf32, #tpu.memory_space<vmem>>, vector<16xf32>,
        %swap3A_443 = arith.constant 27 : i32
        %swap3A_444 = arith.index_cast %swap3A_443 : i32 to index
        %swap3A_445 = arith.index_cast %min3A_240 : i32 to index
        %swap3A_446 = tpu.vector_load %arg8[%swap3A_444, %swap3A_445] {strides = array<i32>} : memref<32x1000xf32, #tpu.memory_space<vmem>>, vector<16xf32>,
        tpu.vector_store %arg8[%swap3A_444, %swap3A_445], %gather3A_386 {strides = array<i32>} : memref<32x1000xf32, #tpu.memory_space<vmem>>, vector<16xf32>,
        %swap3A_447 = arith.constant 28 : i32
        %swap3A_448 = arith.index_cast %swap3A_447 : i32 to index
        %swap3A_449 = arith.index_cast %min3A_240 : i32 to index
        %swap3A_450 = tpu.vector_load %arg8[%swap3A_448, %swap3A_449] {strides = array<i32>} : memref<32x1000xf32, #tpu.memory_space<vmem>>, vector<16xf32>,
        tpu.vector_store %arg8[%swap3A_448, %swap3A_449], %gather3A_389 {strides = array<i32>} : memref<32x1000xf32, #tpu.memory_space<vmem>>, vector<16xf32>,
        %swap3A_451 = arith.constant 29 : i32
        %swap3A_452 = arith.index_cast %swap3A_451 : i32 to index
        %swap3A_453 = arith.index_cast %min3A_240 : i32 to index
        %swap3A_454 = tpu.vector_load %arg8[%swap3A_452, %swap3A_453] {strides = array<i32>} : memref<32x1000xf32, #tpu.memory_space<vmem>>, vector<16xf32>,
        tpu.vector_store %arg8[%swap3A_452, %swap3A_453], %gather3A_392 {strides = array<i32>} : memref<32x1000xf32, #tpu.memory_space<vmem>>, vector<16xf32>,
        %swap3A_455 = arith.constant 30 : i32
        %swap3A_456 = arith.index_cast %swap3A_455 : i32 to index
        %swap3A_457 = arith.index_cast %min3A_240 : i32 to index
        %swap3A_458 = tpu.vector_load %arg8[%swap3A_456, %swap3A_457] {strides = array<i32>} : memref<32x1000xf32, #tpu.memory_space<vmem>>, vector<16xf32>,
        tpu.vector_store %arg8[%swap3A_456, %swap3A_457], %gather3A_395 {strides = array<i32>} : memref<32x1000xf32, #tpu.memory_space<vmem>>, vector<16xf32>,
        %swap3A_459 = arith.constant 31 : i32
        %swap3A_460 = arith.index_cast %swap3A_459 : i32 to index
        %swap3A_461 = arith.index_cast %min3A_240 : i32 to index
        %swap3A_462 = tpu.vector_load %arg8[%swap3A_460, %swap3A_461] {strides = array<i32>} : memref<32x1000xf32, #tpu.memory_space<vmem>>, vector<16xf32>,
        tpu.vector_store %arg8[%swap3A_460, %swap3A_461], %gather3A_398 {strides = array<i32>} : memref<32x1000xf32, #tpu.memory_space<vmem>>, vector<16xf32>,
      }
      %scan3A_191 = arith.constant 63 : i32
      %dma_start3A_192 = arith.constant 0 : i32
      %dma_start3A_193 = tpu.memref_slice %arg4[%select_n3A, %add3A_164, %mul3A_21, %dma_start3A_192] : memref<2x32x512x1000xf32, #tpu.memory_space<hbm>> -> memref<1x1x32x1000xf32, #tpu.memory_space<hbm>>
      %dma_start3A_194 = tpu.memref_squeeze %dma_start3A_193 : memref<1x1x32x1000xf32, #tpu.memory_space<hbm>> -> memref<32x1000xf32, #tpu.memory_space<hbm>>
      %dma_start3A_195 = arith.constant 0 : i32
      %dma_start3A_196 = tpu.memref_slice %arg4[%select_n3A, %add3A_164, %mul3A_21, %dma_start3A_195] : memref<2x32x512x1000xf32, #tpu.memory_space<hbm>> -> memref<1x1x32x1000xf32, #tpu.memory_space<hbm>>
      %dma_start3A_197 = tpu.memref_squeeze %dma_start3A_196 : memref<1x1x32x1000xf32, #tpu.memory_space<hbm>> -> memref<32x1000xf32, #tpu.memory_space<hbm>>
      tpu.enqueue_dma source(%arg8 : memref<32x1000xf32, #tpu.memory_space<vmem>>) target(%dma_start3A_197 : memref<32x1000xf32, #tpu.memory_space<hbm>>) target_semaphore(%arg12 : memref<!tpu.dma_semaphore, #tpu.memory_space<semaphore_mem>>)
      %add3A_198 = arith.constant 1 : i32
      %add3A_199 = arith.addi %add3A_164, %add3A_198 : i32
      %dma_wait3A_200 = arith.constant 0 : i32
      %dma_wait3A_201 = tpu.memref_slice %arg3[%select_n3A, %add3A_199, %dma_wait3A_200] : memref<2x32x1008xi32, #tpu.memory_space<hbm>> -> memref<1x1x1008xi32, #tpu.memory_space<hbm>>
      %dma_wait3A_202 = tpu.memref_squeeze %dma_wait3A_201 : memref<1x1x1008xi32, #tpu.memory_space<hbm>> -> memref<1008xi32, #tpu.memory_space<hbm>>
      %dma_wait3A_203 = arith.constant 0 : i32
      %dma_wait3A_204 = tpu.memref_slice %arg3[%select_n3A, %add3A_199, %dma_wait3A_203] : memref<2x32x1008xi32, #tpu.memory_space<hbm>> -> memref<1x1x1008xi32, #tpu.memory_space<hbm>>
      %dma_wait3A_205 = tpu.memref_squeeze %dma_wait3A_204 : memref<1x1x1008xi32, #tpu.memory_space<hbm>> -> memref<1008xi32, #tpu.memory_space<hbm>>
      tpu.wait_dma2 semaphore(%arg11 : memref<!tpu.dma_semaphore, #tpu.memory_space<semaphore_mem>>) src(%dma_wait3A_205 : memref<1008xi32, #tpu.memory_space<hbm>>) dst(%arg7 : memref<1008xi32, #tpu.memory_space<vmem>>)
      %add3A_206 = arith.constant 1 : i32
      %add3A_207 = arith.addi %add3A_199, %add3A_206 : i32
      %dma_start3A_208 = arith.constant 0 : i32
      %dma_start3A_209 = tpu.memref_slice %arg3[%select_n3A, %add3A_207, %dma_start3A_208] : memref<2x32x1008xi32, #tpu.memory_space<hbm>> -> memref<1x1x1008xi32, #tpu.memory_space<hbm>>
      %dma_start3A_210 = tpu.memref_squeeze %dma_start3A_209 : memref<1x1x1008xi32, #tpu.memory_space<hbm>> -> memref<1008xi32, #tpu.memory_space<hbm>>
      %dma_start3A_211 = arith.constant 0 : i32
      %dma_start3A_212 = tpu.memref_slice %arg3[%select_n3A, %add3A_207, %dma_start3A_211] : memref<2x32x1008xi32, #tpu.memory_space<hbm>> -> memref<1x1x1008xi32, #tpu.memory_space<hbm>>
      %dma_start3A_213 = tpu.memref_squeeze %dma_start3A_212 : memref<1x1x1008xi32, #tpu.memory_space<hbm>> -> memref<1008xi32, #tpu.memory_space<hbm>>
      tpu.enqueue_dma source(%dma_start3A_213 : memref<1008xi32, #tpu.memory_space<hbm>>) target(%arg6 : memref<1008xi32, #tpu.memory_space<vmem>>) target_semaphore(%arg10 : memref<!tpu.dma_semaphore, #tpu.memory_space<semaphore_mem>>)
      %sub3A_214 = arith.constant 2 : i32
      %sub3A_215 = arith.subi %add3A_199, %sub3A_214 : i32
      %dma_wait3A_216 = arith.constant 0 : i32
      %dma_wait3A_217 = tpu.memref_slice %arg4[%select_n3A, %sub3A_215, %mul3A_21, %dma_wait3A_216] : memref<2x32x512x1000xf32, #tpu.memory_space<hbm>> -> memref<1x1x32x1000xf32, #tpu.memory_space<hbm>>
      %dma_wait3A_218 = tpu.memref_squeeze %dma_wait3A_217 : memref<1x1x32x1000xf32, #tpu.memory_space<hbm>> -> memref<32x1000xf32, #tpu.memory_space<hbm>>
      %dma_wait3A_219 = arith.constant 0 : i32
      %dma_wait3A_220 = tpu.memref_slice %arg4[%select_n3A, %sub3A_215, %mul3A_21, %dma_wait3A_219] : memref<2x32x512x1000xf32, #tpu.memory_space<hbm>> -> memref<1x1x32x1000xf32, #tpu.memory_space<hbm>>
      %dma_wait3A_221 = tpu.memref_squeeze %dma_wait3A_220 : memref<1x1x32x1000xf32, #tpu.memory_space<hbm>> -> memref<32x1000xf32, #tpu.memory_space<hbm>>
      tpu.wait_dma2 semaphore(%arg13 : memref<!tpu.dma_semaphore, #tpu.memory_space<semaphore_mem>>) src(%arg9 : memref<32x1000xf32, #tpu.memory_space<vmem>>) dst(%dma_wait3A_221 : memref<32x1000xf32, #tpu.memory_space<hbm>>)
      %scan3A_222 = arith.constant 0 : i32
      %scan3A_223 = arith.constant 63 : i32
      %scan3A_224 = arith.addi %scan3A_222, %scan3A_223 : i32
      %scan3A_225 = arith.constant 1 : i32
      scf.for %scan3A_233 = %scan3A_222 to %scan3A_224 step %scan3A_225  : i32 {
        %mul3A_234 = arith.constant 1 : i32
        %mul3A_235 = arith.muli %scan3A_233, %mul3A_234 : i32
        %add3A_236 = arith.constant 0 : i32
        %add3A_237 = arith.addi %add3A_236, %mul3A_235 : i32
        %mul3A_238 = arith.constant 16 : i32
        %mul3A_239 = arith.muli %add3A_237, %mul3A_238 : i32
        %min3A = arith.constant 984 : i32
        %min3A_240 = arith.minsi %mul3A_239, %min3A : i32
        %get3A = arith.index_cast %min3A_240 : i32 to index
        %get3A_241 = tpu.vector_load %arg7[%get3A] {strides = array<i32>} : memref<1008xi32, #tpu.memory_space<vmem>>, vector<16xi32>,
        %broadcast_in_dim3A = arith.constant 0 : i32
        %broadcast_in_dim3A_242 = vector.broadcast %broadcast_in_dim3A : i32 to vector<16xi32>
        %gather3A = tpu.vector_load_idx %arg5[%broadcast_in_dim3A_242, %get3A_241] : memref<32x1000xf32, #tpu.memory_space<vmem>>[vector<16xi32>, vector<16xi32>], vector<16xf32>,
        %broadcast_in_dim3A_243 = arith.constant 1 : i32
        %broadcast_in_dim3A_244 = vector.broadcast %broadcast_in_dim3A_243 : i32 to vector<16xi32>
        %gather3A_245 = tpu.vector_load_idx %arg5[%broadcast_in_dim3A_244, %get3A_241] : memref<32x1000xf32, #tpu.memory_space<vmem>>[vector<16xi32>, vector<16xi32>], vector<16xf32>,
        %broadcast_in_dim3A_246 = arith.constant 2 : i32
        %broadcast_in_dim3A_247 = vector.broadcast %broadcast_in_dim3A_246 : i32 to vector<16xi32>
        %gather3A_248 = tpu.vector_load_idx %arg5[%broadcast_in_dim3A_247, %get3A_241] : memref<32x1000xf32, #tpu.memory_space<vmem>>[vector<16xi32>, vector<16xi32>], vector<16xf32>,
        %broadcast_in_dim3A_249 = arith.constant 3 : i32
        %broadcast_in_dim3A_250 = vector.broadcast %broadcast_in_dim3A_249 : i32 to vector<16xi32>
        %gather3A_251 = tpu.vector_load_idx %arg5[%broadcast_in_dim3A_250, %get3A_241] : memref<32x1000xf32, #tpu.memory_space<vmem>>[vector<16xi32>, vector<16xi32>], vector<16xf32>,
        %broadcast_in_dim3A_252 = arith.constant 4 : i32
        %broadcast_in_dim3A_253 = vector.broadcast %broadcast_in_dim3A_252 : i32 to vector<16xi32>
        %gather3A_254 = tpu.vector_load_idx %arg5[%broadcast_in_dim3A_253, %get3A_241] : memref<32x1000xf32, #tpu.memory_space<vmem>>[vector<16xi32>, vector<16xi32>], vector<16xf32>,
        %broadcast_in_dim3A_255 = arith.constant 5 : i32
        %broadcast_in_dim3A_256 = vector.broadcast %broadcast_in_dim3A_255 : i32 to vector<16xi32>
        %gather3A_257 = tpu.vector_load_idx %arg5[%broadcast_in_dim3A_256, %get3A_241] : memref<32x1000xf32, #tpu.memory_space<vmem>>[vector<16xi32>, vector<16xi32>], vector<16xf32>,
        %broadcast_in_dim3A_258 = arith.constant 6 : i32
        %broadcast_in_dim3A_259 = vector.broadcast %broadcast_in_dim3A_258 : i32 to vector<16xi32>
        %gather3A_260 = tpu.vector_load_idx %arg5[%broadcast_in_dim3A_259, %get3A_241] : memref<32x1000xf32, #tpu.memory_space<vmem>>[vector<16xi32>, vector<16xi32>], vector<16xf32>,
        %broadcast_in_dim3A_261 = arith.constant 7 : i32
        %broadcast_in_dim3A_262 = vector.broadcast %broadcast_in_dim3A_261 : i32 to vector<16xi32>
        %gather3A_263 = tpu.vector_load_idx %arg5[%broadcast_in_dim3A_262, %get3A_241] : memref<32x1000xf32, #tpu.memory_space<vmem>>[vector<16xi32>, vector<16xi32>], vector<16xf32>,
        %broadcast_in_dim3A_264 = arith.constant 8 : i32
        %broadcast_in_dim3A_265 = vector.broadcast %broadcast_in_dim3A_264 : i32 to vector<16xi32>
        %gather3A_266 = tpu.vector_load_idx %arg5[%broadcast_in_dim3A_265, %get3A_241] : memref<32x1000xf32, #tpu.memory_space<vmem>>[vector<16xi32>, vector<16xi32>], vector<16xf32>,
        %broadcast_in_dim3A_267 = arith.constant 9 : i32
        %broadcast_in_dim3A_268 = vector.broadcast %broadcast_in_dim3A_267 : i32 to vector<16xi32>
        %gather3A_269 = tpu.vector_load_idx %arg5[%broadcast_in_dim3A_268, %get3A_241] : memref<32x1000xf32, #tpu.memory_space<vmem>>[vector<16xi32>, vector<16xi32>], vector<16xf32>,
        %broadcast_in_dim3A_270 = arith.constant 10 : i32
        %broadcast_in_dim3A_271 = vector.broadcast %broadcast_in_dim3A_270 : i32 to vector<16xi32>
        %gather3A_272 = tpu.vector_load_idx %arg5[%broadcast_in_dim3A_271, %get3A_241] : memref<32x1000xf32, #tpu.memory_space<vmem>>[vector<16xi32>, vector<16xi32>], vector<16xf32>,
        %broadcast_in_dim3A_273 = arith.constant 11 : i32
        %broadcast_in_dim3A_274 = vector.broadcast %broadcast_in_dim3A_273 : i32 to vector<16xi32>
        %gather3A_275 = tpu.vector_load_idx %arg5[%broadcast_in_dim3A_274, %get3A_241] : memref<32x1000xf32, #tpu.memory_space<vmem>>[vector<16xi32>, vector<16xi32>], vector<16xf32>,
        %broadcast_in_dim3A_276 = arith.constant 12 : i32
        %broadcast_in_dim3A_277 = vector.broadcast %broadcast_in_dim3A_276 : i32 to vector<16xi32>
        %gather3A_278 = tpu.vector_load_idx %arg5[%broadcast_in_dim3A_277, %get3A_241] : memref<32x1000xf32, #tpu.memory_space<vmem>>[vector<16xi32>, vector<16xi32>], vector<16xf32>,
        %broadcast_in_dim3A_279 = arith.constant 13 : i32
        %broadcast_in_dim3A_280 = vector.broadcast %broadcast_in_dim3A_279 : i32 to vector<16xi32>
        %gather3A_281 = tpu.vector_load_idx %arg5[%broadcast_in_dim3A_280, %get3A_241] : memref<32x1000xf32, #tpu.memory_space<vmem>>[vector<16xi32>, vector<16xi32>], vector<16xf32>,
        %broadcast_in_dim3A_282 = arith.constant 14 : i32
        %broadcast_in_dim3A_283 = vector.broadcast %broadcast_in_dim3A_282 : i32 to vector<16xi32>
        %gather3A_284 = tpu.vector_load_idx %arg5[%broadcast_in_dim3A_283, %get3A_241] : memref<32x1000xf32, #tpu.memory_space<vmem>>[vector<16xi32>, vector<16xi32>], vector<16xf32>,
        %broadcast_in_dim3A_285 = arith.constant 15 : i32
        %broadcast_in_dim3A_286 = vector.broadcast %broadcast_in_dim3A_285 : i32 to vector<16xi32>
        %gather3A_287 = tpu.vector_load_idx %arg5[%broadcast_in_dim3A_286, %get3A_241] : memref<32x1000xf32, #tpu.memory_space<vmem>>[vector<16xi32>, vector<16xi32>], vector<16xf32>,
        %swap3A = arith.constant 0 : i32
        %swap3A_288 = arith.index_cast %swap3A : i32 to index
        %swap3A_289 = arith.index_cast %min3A_240 : i32 to index
        %swap3A_290 = tpu.vector_load %arg9[%swap3A_288, %swap3A_289] {strides = array<i32>} : memref<32x1000xf32, #tpu.memory_space<vmem>>, vector<16xf32>,
        tpu.vector_store %arg9[%swap3A_288, %swap3A_289], %gather3A {strides = array<i32>} : memref<32x1000xf32, #tpu.memory_space<vmem>>, vector<16xf32>,
        %swap3A_291 = arith.constant 1 : i32
        %swap3A_292 = arith.index_cast %swap3A_291 : i32 to index
        %swap3A_293 = arith.index_cast %min3A_240 : i32 to index
        %swap3A_294 = tpu.vector_load %arg9[%swap3A_292, %swap3A_293] {strides = array<i32>} : memref<32x1000xf32, #tpu.memory_space<vmem>>, vector<16xf32>,
        tpu.vector_store %arg9[%swap3A_292, %swap3A_293], %gather3A_245 {strides = array<i32>} : memref<32x1000xf32, #tpu.memory_space<vmem>>, vector<16xf32>,
        %swap3A_295 = arith.constant 2 : i32
        %swap3A_296 = arith.index_cast %swap3A_295 : i32 to index
        %swap3A_297 = arith.index_cast %min3A_240 : i32 to index
        %swap3A_298 = tpu.vector_load %arg9[%swap3A_296, %swap3A_297] {strides = array<i32>} : memref<32x1000xf32, #tpu.memory_space<vmem>>, vector<16xf32>,
        tpu.vector_store %arg9[%swap3A_296, %swap3A_297], %gather3A_248 {strides = array<i32>} : memref<32x1000xf32, #tpu.memory_space<vmem>>, vector<16xf32>,
        %swap3A_299 = arith.constant 3 : i32
        %swap3A_300 = arith.index_cast %swap3A_299 : i32 to index
        %swap3A_301 = arith.index_cast %min3A_240 : i32 to index
        %swap3A_302 = tpu.vector_load %arg9[%swap3A_300, %swap3A_301] {strides = array<i32>} : memref<32x1000xf32, #tpu.memory_space<vmem>>, vector<16xf32>,
        tpu.vector_store %arg9[%swap3A_300, %swap3A_301], %gather3A_251 {strides = array<i32>} : memref<32x1000xf32, #tpu.memory_space<vmem>>, vector<16xf32>,
        %swap3A_303 = arith.constant 4 : i32
        %swap3A_304 = arith.index_cast %swap3A_303 : i32 to index
        %swap3A_305 = arith.index_cast %min3A_240 : i32 to index
        %swap3A_306 = tpu.vector_load %arg9[%swap3A_304, %swap3A_305] {strides = array<i32>} : memref<32x1000xf32, #tpu.memory_space<vmem>>, vector<16xf32>,
        tpu.vector_store %arg9[%swap3A_304, %swap3A_305], %gather3A_254 {strides = array<i32>} : memref<32x1000xf32, #tpu.memory_space<vmem>>, vector<16xf32>,
        %swap3A_307 = arith.constant 5 : i32
        %swap3A_308 = arith.index_cast %swap3A_307 : i32 to index
        %swap3A_309 = arith.index_cast %min3A_240 : i32 to index
        %swap3A_310 = tpu.vector_load %arg9[%swap3A_308, %swap3A_309] {strides = array<i32>} : memref<32x1000xf32, #tpu.memory_space<vmem>>, vector<16xf32>,
        tpu.vector_store %arg9[%swap3A_308, %swap3A_309], %gather3A_257 {strides = array<i32>} : memref<32x1000xf32, #tpu.memory_space<vmem>>, vector<16xf32>,
        %swap3A_311 = arith.constant 6 : i32
        %swap3A_312 = arith.index_cast %swap3A_311 : i32 to index
        %swap3A_313 = arith.index_cast %min3A_240 : i32 to index
        %swap3A_314 = tpu.vector_load %arg9[%swap3A_312, %swap3A_313] {strides = array<i32>} : memref<32x1000xf32, #tpu.memory_space<vmem>>, vector<16xf32>,
        tpu.vector_store %arg9[%swap3A_312, %swap3A_313], %gather3A_260 {strides = array<i32>} : memref<32x1000xf32, #tpu.memory_space<vmem>>, vector<16xf32>,
        %swap3A_315 = arith.constant 7 : i32
        %swap3A_316 = arith.index_cast %swap3A_315 : i32 to index
        %swap3A_317 = arith.index_cast %min3A_240 : i32 to index
        %swap3A_318 = tpu.vector_load %arg9[%swap3A_316, %swap3A_317] {strides = array<i32>} : memref<32x1000xf32, #tpu.memory_space<vmem>>, vector<16xf32>,
        tpu.vector_store %arg9[%swap3A_316, %swap3A_317], %gather3A_263 {strides = array<i32>} : memref<32x1000xf32, #tpu.memory_space<vmem>>, vector<16xf32>,
        %swap3A_319 = arith.constant 8 : i32
        %swap3A_320 = arith.index_cast %swap3A_319 : i32 to index
        %swap3A_321 = arith.index_cast %min3A_240 : i32 to index
        %swap3A_322 = tpu.vector_load %arg9[%swap3A_320, %swap3A_321] {strides = array<i32>} : memref<32x1000xf32, #tpu.memory_space<vmem>>, vector<16xf32>,
        tpu.vector_store %arg9[%swap3A_320, %swap3A_321], %gather3A_266 {strides = array<i32>} : memref<32x1000xf32, #tpu.memory_space<vmem>>, vector<16xf32>,
        %swap3A_323 = arith.constant 9 : i32
        %swap3A_324 = arith.index_cast %swap3A_323 : i32 to index
        %swap3A_325 = arith.index_cast %min3A_240 : i32 to index
        %swap3A_326 = tpu.vector_load %arg9[%swap3A_324, %swap3A_325] {strides = array<i32>} : memref<32x1000xf32, #tpu.memory_space<vmem>>, vector<16xf32>,
        tpu.vector_store %arg9[%swap3A_324, %swap3A_325], %gather3A_269 {strides = array<i32>} : memref<32x1000xf32, #tpu.memory_space<vmem>>, vector<16xf32>,
        %swap3A_327 = arith.constant 10 : i32
        %swap3A_328 = arith.index_cast %swap3A_327 : i32 to index
        %swap3A_329 = arith.index_cast %min3A_240 : i32 to index
        %swap3A_330 = tpu.vector_load %arg9[%swap3A_328, %swap3A_329] {strides = array<i32>} : memref<32x1000xf32, #tpu.memory_space<vmem>>, vector<16xf32>,
        tpu.vector_store %arg9[%swap3A_328, %swap3A_329], %gather3A_272 {strides = array<i32>} : memref<32x1000xf32, #tpu.memory_space<vmem>>, vector<16xf32>,
        %swap3A_331 = arith.constant 11 : i32
        %swap3A_332 = arith.index_cast %swap3A_331 : i32 to index
        %swap3A_333 = arith.index_cast %min3A_240 : i32 to index
        %swap3A_334 = tpu.vector_load %arg9[%swap3A_332, %swap3A_333] {strides = array<i32>} : memref<32x1000xf32, #tpu.memory_space<vmem>>, vector<16xf32>,
        tpu.vector_store %arg9[%swap3A_332, %swap3A_333], %gather3A_275 {strides = array<i32>} : memref<32x1000xf32, #tpu.memory_space<vmem>>, vector<16xf32>,
        %swap3A_335 = arith.constant 12 : i32
        %swap3A_336 = arith.index_cast %swap3A_335 : i32 to index
        %swap3A_337 = arith.index_cast %min3A_240 : i32 to index
        %swap3A_338 = tpu.vector_load %arg9[%swap3A_336, %swap3A_337] {strides = array<i32>} : memref<32x1000xf32, #tpu.memory_space<vmem>>, vector<16xf32>,
        tpu.vector_store %arg9[%swap3A_336, %swap3A_337], %gather3A_278 {strides = array<i32>} : memref<32x1000xf32, #tpu.memory_space<vmem>>, vector<16xf32>,
        %swap3A_339 = arith.constant 13 : i32
        %swap3A_340 = arith.index_cast %swap3A_339 : i32 to index
        %swap3A_341 = arith.index_cast %min3A_240 : i32 to index
        %swap3A_342 = tpu.vector_load %arg9[%swap3A_340, %swap3A_341] {strides = array<i32>} : memref<32x1000xf32, #tpu.memory_space<vmem>>, vector<16xf32>,
        tpu.vector_store %arg9[%swap3A_340, %swap3A_341], %gather3A_281 {strides = array<i32>} : memref<32x1000xf32, #tpu.memory_space<vmem>>, vector<16xf32>,
        %swap3A_343 = arith.constant 14 : i32
        %swap3A_344 = arith.index_cast %swap3A_343 : i32 to index
        %swap3A_345 = arith.index_cast %min3A_240 : i32 to index
        %swap3A_346 = tpu.vector_load %arg9[%swap3A_344, %swap3A_345] {strides = array<i32>} : memref<32x1000xf32, #tpu.memory_space<vmem>>, vector<16xf32>,
        tpu.vector_store %arg9[%swap3A_344, %swap3A_345], %gather3A_284 {strides = array<i32>} : memref<32x1000xf32, #tpu.memory_space<vmem>>, vector<16xf32>,
        %swap3A_347 = arith.constant 15 : i32
        %swap3A_348 = arith.index_cast %swap3A_347 : i32 to index
        %swap3A_349 = arith.index_cast %min3A_240 : i32 to index
        %swap3A_350 = tpu.vector_load %arg9[%swap3A_348, %swap3A_349] {strides = array<i32>} : memref<32x1000xf32, #tpu.memory_space<vmem>>, vector<16xf32>,
        tpu.vector_store %arg9[%swap3A_348, %swap3A_349], %gather3A_287 {strides = array<i32>} : memref<32x1000xf32, #tpu.memory_space<vmem>>, vector<16xf32>,
        %broadcast_in_dim3A_351 = arith.constant 16 : i32
        %broadcast_in_dim3A_352 = vector.broadcast %broadcast_in_dim3A_351 : i32 to vector<16xi32>
        %gather3A_353 = tpu.vector_load_idx %arg5[%broadcast_in_dim3A_352, %get3A_241] : memref<32x1000xf32, #tpu.memory_space<vmem>>[vector<16xi32>, vector<16xi32>], vector<16xf32>,
        %broadcast_in_dim3A_354 = arith.constant 17 : i32
        %broadcast_in_dim3A_355 = vector.broadcast %broadcast_in_dim3A_354 : i32 to vector<16xi32>
        %gather3A_356 = tpu.vector_load_idx %arg5[%broadcast_in_dim3A_355, %get3A_241] : memref<32x1000xf32, #tpu.memory_space<vmem>>[vector<16xi32>, vector<16xi32>], vector<16xf32>,
        %broadcast_in_dim3A_357 = arith.constant 18 : i32
        %broadcast_in_dim3A_358 = vector.broadcast %broadcast_in_dim3A_357 : i32 to vector<16xi32>
        %gather3A_359 = tpu.vector_load_idx %arg5[%broadcast_in_dim3A_358, %get3A_241] : memref<32x1000xf32, #tpu.memory_space<vmem>>[vector<16xi32>, vector<16xi32>], vector<16xf32>,
        %broadcast_in_dim3A_360 = arith.constant 19 : i32
        %broadcast_in_dim3A_361 = vector.broadcast %broadcast_in_dim3A_360 : i32 to vector<16xi32>
        %gather3A_362 = tpu.vector_load_idx %arg5[%broadcast_in_dim3A_361, %get3A_241] : memref<32x1000xf32, #tpu.memory_space<vmem>>[vector<16xi32>, vector<16xi32>], vector<16xf32>,
        %broadcast_in_dim3A_363 = arith.constant 20 : i32
        %broadcast_in_dim3A_364 = vector.broadcast %broadcast_in_dim3A_363 : i32 to vector<16xi32>
        %gather3A_365 = tpu.vector_load_idx %arg5[%broadcast_in_dim3A_364, %get3A_241] : memref<32x1000xf32, #tpu.memory_space<vmem>>[vector<16xi32>, vector<16xi32>], vector<16xf32>,
        %broadcast_in_dim3A_366 = arith.constant 21 : i32
        %broadcast_in_dim3A_367 = vector.broadcast %broadcast_in_dim3A_366 : i32 to vector<16xi32>
        %gather3A_368 = tpu.vector_load_idx %arg5[%broadcast_in_dim3A_367, %get3A_241] : memref<32x1000xf32, #tpu.memory_space<vmem>>[vector<16xi32>, vector<16xi32>], vector<16xf32>,
        %broadcast_in_dim3A_369 = arith.constant 22 : i32
        %broadcast_in_dim3A_370 = vector.broadcast %broadcast_in_dim3A_369 : i32 to vector<16xi32>
        %gather3A_371 = tpu.vector_load_idx %arg5[%broadcast_in_dim3A_370, %get3A_241] : memref<32x1000xf32, #tpu.memory_space<vmem>>[vector<16xi32>, vector<16xi32>], vector<16xf32>,
        %broadcast_in_dim3A_372 = arith.constant 23 : i32
        %broadcast_in_dim3A_373 = vector.broadcast %broadcast_in_dim3A_372 : i32 to vector<16xi32>
        %gather3A_374 = tpu.vector_load_idx %arg5[%broadcast_in_dim3A_373, %get3A_241] : memref<32x1000xf32, #tpu.memory_space<vmem>>[vector<16xi32>, vector<16xi32>], vector<16xf32>,
        %broadcast_in_dim3A_375 = arith.constant 24 : i32
        %broadcast_in_dim3A_376 = vector.broadcast %broadcast_in_dim3A_375 : i32 to vector<16xi32>
        %gather3A_377 = tpu.vector_load_idx %arg5[%broadcast_in_dim3A_376, %get3A_241] : memref<32x1000xf32, #tpu.memory_space<vmem>>[vector<16xi32>, vector<16xi32>], vector<16xf32>,
        %broadcast_in_dim3A_378 = arith.constant 25 : i32
        %broadcast_in_dim3A_379 = vector.broadcast %broadcast_in_dim3A_378 : i32 to vector<16xi32>
        %gather3A_380 = tpu.vector_load_idx %arg5[%broadcast_in_dim3A_379, %get3A_241] : memref<32x1000xf32, #tpu.memory_space<vmem>>[vector<16xi32>, vector<16xi32>], vector<16xf32>,
        %broadcast_in_dim3A_381 = arith.constant 26 : i32
        %broadcast_in_dim3A_382 = vector.broadcast %broadcast_in_dim3A_381 : i32 to vector<16xi32>
        %gather3A_383 = tpu.vector_load_idx %arg5[%broadcast_in_dim3A_382, %get3A_241] : memref<32x1000xf32, #tpu.memory_space<vmem>>[vector<16xi32>, vector<16xi32>], vector<16xf32>,
        %broadcast_in_dim3A_384 = arith.constant 27 : i32
        %broadcast_in_dim3A_385 = vector.broadcast %broadcast_in_dim3A_384 : i32 to vector<16xi32>
        %gather3A_386 = tpu.vector_load_idx %arg5[%broadcast_in_dim3A_385, %get3A_241] : memref<32x1000xf32, #tpu.memory_space<vmem>>[vector<16xi32>, vector<16xi32>], vector<16xf32>,
        %broadcast_in_dim3A_387 = arith.constant 28 : i32
        %broadcast_in_dim3A_388 = vector.broadcast %broadcast_in_dim3A_387 : i32 to vector<16xi32>
        %gather3A_389 = tpu.vector_load_idx %arg5[%broadcast_in_dim3A_388, %get3A_241] : memref<32x1000xf32, #tpu.memory_space<vmem>>[vector<16xi32>, vector<16xi32>], vector<16xf32>,
        %broadcast_in_dim3A_390 = arith.constant 29 : i32
        %broadcast_in_dim3A_391 = vector.broadcast %broadcast_in_dim3A_390 : i32 to vector<16xi32>
        %gather3A_392 = tpu.vector_load_idx %arg5[%broadcast_in_dim3A_391, %get3A_241] : memref<32x1000xf32, #tpu.memory_space<vmem>>[vector<16xi32>, vector<16xi32>], vector<16xf32>,
        %broadcast_in_dim3A_393 = arith.constant 30 : i32
        %broadcast_in_dim3A_394 = vector.broadcast %broadcast_in_dim3A_393 : i32 to vector<16xi32>
        %gather3A_395 = tpu.vector_load_idx %arg5[%broadcast_in_dim3A_394, %get3A_241] : memref<32x1000xf32, #tpu.memory_space<vmem>>[vector<16xi32>, vector<16xi32>], vector<16xf32>,
        %broadcast_in_dim3A_396 = arith.constant 31 : i32
        %broadcast_in_dim3A_397 = vector.broadcast %broadcast_in_dim3A_396 : i32 to vector<16xi32>
        %gather3A_398 = tpu.vector_load_idx %arg5[%broadcast_in_dim3A_397, %get3A_241] : memref<32x1000xf32, #tpu.memory_space<vmem>>[vector<16xi32>, vector<16xi32>], vector<16xf32>,
        %swap3A_399 = arith.constant 16 : i32
        %swap3A_400 = arith.index_cast %swap3A_399 : i32 to index
        %swap3A_401 = arith.index_cast %min3A_240 : i32 to index
        %swap3A_402 = tpu.vector_load %arg9[%swap3A_400, %swap3A_401] {strides = array<i32>} : memref<32x1000xf32, #tpu.memory_space<vmem>>, vector<16xf32>,
        tpu.vector_store %arg9[%swap3A_400, %swap3A_401], %gather3A_353 {strides = array<i32>} : memref<32x1000xf32, #tpu.memory_space<vmem>>, vector<16xf32>,
        %swap3A_403 = arith.constant 17 : i32
        %swap3A_404 = arith.index_cast %swap3A_403 : i32 to index
        %swap3A_405 = arith.index_cast %min3A_240 : i32 to index
        %swap3A_406 = tpu.vector_load %arg9[%swap3A_404, %swap3A_405] {strides = array<i32>} : memref<32x1000xf32, #tpu.memory_space<vmem>>, vector<16xf32>,
        tpu.vector_store %arg9[%swap3A_404, %swap3A_405], %gather3A_356 {strides = array<i32>} : memref<32x1000xf32, #tpu.memory_space<vmem>>, vector<16xf32>,
        %swap3A_407 = arith.constant 18 : i32
        %swap3A_408 = arith.index_cast %swap3A_407 : i32 to index
        %swap3A_409 = arith.index_cast %min3A_240 : i32 to index
        %swap3A_410 = tpu.vector_load %arg9[%swap3A_408, %swap3A_409] {strides = array<i32>} : memref<32x1000xf32, #tpu.memory_space<vmem>>, vector<16xf32>,
        tpu.vector_store %arg9[%swap3A_408, %swap3A_409], %gather3A_359 {strides = array<i32>} : memref<32x1000xf32, #tpu.memory_space<vmem>>, vector<16xf32>,
        %swap3A_411 = arith.constant 19 : i32
        %swap3A_412 = arith.index_cast %swap3A_411 : i32 to index
        %swap3A_413 = arith.index_cast %min3A_240 : i32 to index
        %swap3A_414 = tpu.vector_load %arg9[%swap3A_412, %swap3A_413] {strides = array<i32>} : memref<32x1000xf32, #tpu.memory_space<vmem>>, vector<16xf32>,
        tpu.vector_store %arg9[%swap3A_412, %swap3A_413], %gather3A_362 {strides = array<i32>} : memref<32x1000xf32, #tpu.memory_space<vmem>>, vector<16xf32>,
        %swap3A_415 = arith.constant 20 : i32
        %swap3A_416 = arith.index_cast %swap3A_415 : i32 to index
        %swap3A_417 = arith.index_cast %min3A_240 : i32 to index
        %swap3A_418 = tpu.vector_load %arg9[%swap3A_416, %swap3A_417] {strides = array<i32>} : memref<32x1000xf32, #tpu.memory_space<vmem>>, vector<16xf32>,
        tpu.vector_store %arg9[%swap3A_416, %swap3A_417], %gather3A_365 {strides = array<i32>} : memref<32x1000xf32, #tpu.memory_space<vmem>>, vector<16xf32>,
        %swap3A_419 = arith.constant 21 : i32
        %swap3A_420 = arith.index_cast %swap3A_419 : i32 to index
        %swap3A_421 = arith.index_cast %min3A_240 : i32 to index
        %swap3A_422 = tpu.vector_load %arg9[%swap3A_420, %swap3A_421] {strides = array<i32>} : memref<32x1000xf32, #tpu.memory_space<vmem>>, vector<16xf32>,
        tpu.vector_store %arg9[%swap3A_420, %swap3A_421], %gather3A_368 {strides = array<i32>} : memref<32x1000xf32, #tpu.memory_space<vmem>>, vector<16xf32>,
        %swap3A_423 = arith.constant 22 : i32
        %swap3A_424 = arith.index_cast %swap3A_423 : i32 to index
        %swap3A_425 = arith.index_cast %min3A_240 : i32 to index
        %swap3A_426 = tpu.vector_load %arg9[%swap3A_424, %swap3A_425] {strides = array<i32>} : memref<32x1000xf32, #tpu.memory_space<vmem>>, vector<16xf32>,
        tpu.vector_store %arg9[%swap3A_424, %swap3A_425], %gather3A_371 {strides = array<i32>} : memref<32x1000xf32, #tpu.memory_space<vmem>>, vector<16xf32>,
        %swap3A_427 = arith.constant 23 : i32
        %swap3A_428 = arith.index_cast %swap3A_427 : i32 to index
        %swap3A_429 = arith.index_cast %min3A_240 : i32 to index
        %swap3A_430 = tpu.vector_load %arg9[%swap3A_428, %swap3A_429] {strides = array<i32>} : memref<32x1000xf32, #tpu.memory_space<vmem>>, vector<16xf32>,
        tpu.vector_store %arg9[%swap3A_428, %swap3A_429], %gather3A_374 {strides = array<i32>} : memref<32x1000xf32, #tpu.memory_space<vmem>>, vector<16xf32>,
        %swap3A_431 = arith.constant 24 : i32
        %swap3A_432 = arith.index_cast %swap3A_431 : i32 to index
        %swap3A_433 = arith.index_cast %min3A_240 : i32 to index
        %swap3A_434 = tpu.vector_load %arg9[%swap3A_432, %swap3A_433] {strides = array<i32>} : memref<32x1000xf32, #tpu.memory_space<vmem>>, vector<16xf32>,
        tpu.vector_store %arg9[%swap3A_432, %swap3A_433], %gather3A_377 {strides = array<i32>} : memref<32x1000xf32, #tpu.memory_space<vmem>>, vector<16xf32>,
        %swap3A_435 = arith.constant 25 : i32
        %swap3A_436 = arith.index_cast %swap3A_435 : i32 to index
        %swap3A_437 = arith.index_cast %min3A_240 : i32 to index
        %swap3A_438 = tpu.vector_load %arg9[%swap3A_436, %swap3A_437] {strides = array<i32>} : memref<32x1000xf32, #tpu.memory_space<vmem>>, vector<16xf32>,
        tpu.vector_store %arg9[%swap3A_436, %swap3A_437], %gather3A_380 {strides = array<i32>} : memref<32x1000xf32, #tpu.memory_space<vmem>>, vector<16xf32>,
        %swap3A_439 = arith.constant 26 : i32
        %swap3A_440 = arith.index_cast %swap3A_439 : i32 to index
        %swap3A_441 = arith.index_cast %min3A_240 : i32 to index
        %swap3A_442 = tpu.vector_load %arg9[%swap3A_440, %swap3A_441] {strides = array<i32>} : memref<32x1000xf32, #tpu.memory_space<vmem>>, vector<16xf32>,
        tpu.vector_store %arg9[%swap3A_440, %swap3A_441], %gather3A_383 {strides = array<i32>} : memref<32x1000xf32, #tpu.memory_space<vmem>>, vector<16xf32>,
        %swap3A_443 = arith.constant 27 : i32
        %swap3A_444 = arith.index_cast %swap3A_443 : i32 to index
        %swap3A_445 = arith.index_cast %min3A_240 : i32 to index
        %swap3A_446 = tpu.vector_load %arg9[%swap3A_444, %swap3A_445] {strides = array<i32>} : memref<32x1000xf32, #tpu.memory_space<vmem>>, vector<16xf32>,
        tpu.vector_store %arg9[%swap3A_444, %swap3A_445], %gather3A_386 {strides = array<i32>} : memref<32x1000xf32, #tpu.memory_space<vmem>>, vector<16xf32>,
        %swap3A_447 = arith.constant 28 : i32
        %swap3A_448 = arith.index_cast %swap3A_447 : i32 to index
        %swap3A_449 = arith.index_cast %min3A_240 : i32 to index
        %swap3A_450 = tpu.vector_load %arg9[%swap3A_448, %swap3A_449] {strides = array<i32>} : memref<32x1000xf32, #tpu.memory_space<vmem>>, vector<16xf32>,
        tpu.vector_store %arg9[%swap3A_448, %swap3A_449], %gather3A_389 {strides = array<i32>} : memref<32x1000xf32, #tpu.memory_space<vmem>>, vector<16xf32>,
        %swap3A_451 = arith.constant 29 : i32
        %swap3A_452 = arith.index_cast %swap3A_451 : i32 to index
        %swap3A_453 = arith.index_cast %min3A_240 : i32 to index
        %swap3A_454 = tpu.vector_load %arg9[%swap3A_452, %swap3A_453] {strides = array<i32>} : memref<32x1000xf32, #tpu.memory_space<vmem>>, vector<16xf32>,
        tpu.vector_store %arg9[%swap3A_452, %swap3A_453], %gather3A_392 {strides = array<i32>} : memref<32x1000xf32, #tpu.memory_space<vmem>>, vector<16xf32>,
        %swap3A_455 = arith.constant 30 : i32
        %swap3A_456 = arith.index_cast %swap3A_455 : i32 to index
        %swap3A_457 = arith.index_cast %min3A_240 : i32 to index
        %swap3A_458 = tpu.vector_load %arg9[%swap3A_456, %swap3A_457] {strides = array<i32>} : memref<32x1000xf32, #tpu.memory_space<vmem>>, vector<16xf32>,
        tpu.vector_store %arg9[%swap3A_456, %swap3A_457], %gather3A_395 {strides = array<i32>} : memref<32x1000xf32, #tpu.memory_space<vmem>>, vector<16xf32>,
        %swap3A_459 = arith.constant 31 : i32
        %swap3A_460 = arith.index_cast %swap3A_459 : i32 to index
        %swap3A_461 = arith.index_cast %min3A_240 : i32 to index
        %swap3A_462 = tpu.vector_load %arg9[%swap3A_460, %swap3A_461] {strides = array<i32>} : memref<32x1000xf32, #tpu.memory_space<vmem>>, vector<16xf32>,
        tpu.vector_store %arg9[%swap3A_460, %swap3A_461], %gather3A_398 {strides = array<i32>} : memref<32x1000xf32, #tpu.memory_space<vmem>>, vector<16xf32>,
      }
      %scan3A_226 = arith.constant 63 : i32
      %dma_start3A_227 = arith.constant 0 : i32
      %dma_start3A_228 = tpu.memref_slice %arg4[%select_n3A, %add3A_199, %mul3A_21, %dma_start3A_227] : memref<2x32x512x1000xf32, #tpu.memory_space<hbm>> -> memref<1x1x32x1000xf32, #tpu.memory_space<hbm>>
      %dma_start3A_229 = tpu.memref_squeeze %dma_start3A_228 : memref<1x1x32x1000xf32, #tpu.memory_space<hbm>> -> memref<32x1000xf32, #tpu.memory_space<hbm>>
      %dma_start3A_230 = arith.constant 0 : i32
      %dma_start3A_231 = tpu.memref_slice %arg4[%select_n3A, %add3A_199, %mul3A_21, %dma_start3A_230] : memref<2x32x512x1000xf32, #tpu.memory_space<hbm>> -> memref<1x1x32x1000xf32, #tpu.memory_space<hbm>>
      %dma_start3A_232 = tpu.memref_squeeze %dma_start3A_231 : memref<1x1x32x1000xf32, #tpu.memory_space<hbm>> -> memref<32x1000xf32, #tpu.memory_space<hbm>>
      tpu.enqueue_dma source(%arg9 : memref<32x1000xf32, #tpu.memory_space<vmem>>) target(%dma_start3A_232 : memref<32x1000xf32, #tpu.memory_space<hbm>>) target_semaphore(%arg13 : memref<!tpu.dma_semaphore, #tpu.memory_space<semaphore_mem>>)
    }
    %scan3A_82 = arith.constant 14 : i32
    %dma_wait3A_83 = arith.constant 30 : i32
    %dma_wait3A_84 = arith.constant 0 : i32
    %dma_wait3A_85 = tpu.memref_slice %arg3[%select_n3A, %dma_wait3A_83, %dma_wait3A_84] : memref<2x32x1008xi32, #tpu.memory_space<hbm>> -> memref<1x1x1008xi32, #tpu.memory_space<hbm>>
    %dma_wait3A_86 = tpu.memref_squeeze %dma_wait3A_85 : memref<1x1x1008xi32, #tpu.memory_space<hbm>> -> memref<1008xi32, #tpu.memory_space<hbm>>
    %dma_wait3A_87 = arith.constant 0 : i32
    %dma_wait3A_88 = tpu.memref_slice %arg3[%select_n3A, %dma_wait3A_83, %dma_wait3A_87] : memref<2x32x1008xi32, #tpu.memory_space<hbm>> -> memref<1x1x1008xi32, #tpu.memory_space<hbm>>
    %dma_wait3A_89 = tpu.memref_squeeze %dma_wait3A_88 : memref<1x1x1008xi32, #tpu.memory_space<hbm>> -> memref<1008xi32, #tpu.memory_space<hbm>>
    tpu.wait_dma2 semaphore(%arg10 : memref<!tpu.dma_semaphore, #tpu.memory_space<semaphore_mem>>) src(%dma_wait3A_89 : memref<1008xi32, #tpu.memory_space<hbm>>) dst(%arg6 : memref<1008xi32, #tpu.memory_space<vmem>>)
    %dma_start3A_90 = arith.constant 31 : i32
    %dma_start3A_91 = arith.constant 0 : i32
    %dma_start3A_92 = tpu.memref_slice %arg3[%select_n3A, %dma_start3A_90, %dma_start3A_91] : memref<2x32x1008xi32, #tpu.memory_space<hbm>> -> memref<1x1x1008xi32, #tpu.memory_space<hbm>>
    %dma_start3A_93 = tpu.memref_squeeze %dma_start3A_92 : memref<1x1x1008xi32, #tpu.memory_space<hbm>> -> memref<1008xi32, #tpu.memory_space<hbm>>
    %dma_start3A_94 = arith.constant 0 : i32
    %dma_start3A_95 = tpu.memref_slice %arg3[%select_n3A, %dma_start3A_90, %dma_start3A_94] : memref<2x32x1008xi32, #tpu.memory_space<hbm>> -> memref<1x1x1008xi32, #tpu.memory_space<hbm>>
    %dma_start3A_96 = tpu.memref_squeeze %dma_start3A_95 : memref<1x1x1008xi32, #tpu.memory_space<hbm>> -> memref<1008xi32, #tpu.memory_space<hbm>>
    tpu.enqueue_dma source(%dma_start3A_96 : memref<1008xi32, #tpu.memory_space<hbm>>) target(%arg7 : memref<1008xi32, #tpu.memory_space<vmem>>) target_semaphore(%arg11 : memref<!tpu.dma_semaphore, #tpu.memory_space<semaphore_mem>>)
    %dma_wait3A_97 = arith.constant 28 : i32
    %dma_wait3A_98 = arith.constant 0 : i32
    %dma_wait3A_99 = tpu.memref_slice %arg4[%select_n3A, %dma_wait3A_97, %mul3A_21, %dma_wait3A_98] : memref<2x32x512x1000xf32, #tpu.memory_space<hbm>> -> memref<1x1x32x1000xf32, #tpu.memory_space<hbm>>
    %dma_wait3A_100 = tpu.memref_squeeze %dma_wait3A_99 : memref<1x1x32x1000xf32, #tpu.memory_space<hbm>> -> memref<32x1000xf32, #tpu.memory_space<hbm>>
    %dma_wait3A_101 = arith.constant 0 : i32
    %dma_wait3A_102 = tpu.memref_slice %arg4[%select_n3A, %dma_wait3A_97, %mul3A_21, %dma_wait3A_101] : memref<2x32x512x1000xf32, #tpu.memory_space<hbm>> -> memref<1x1x32x1000xf32, #tpu.memory_space<hbm>>
    %dma_wait3A_103 = tpu.memref_squeeze %dma_wait3A_102 : memref<1x1x32x1000xf32, #tpu.memory_space<hbm>> -> memref<32x1000xf32, #tpu.memory_space<hbm>>
    tpu.wait_dma2 semaphore(%arg12 : memref<!tpu.dma_semaphore, #tpu.memory_space<semaphore_mem>>) src(%arg8 : memref<32x1000xf32, #tpu.memory_space<vmem>>) dst(%dma_wait3A_103 : memref<32x1000xf32, #tpu.memory_space<hbm>>)
    %scan3A_104 = arith.constant 0 : i32
    %scan3A_105 = arith.constant 63 : i32
    %scan3A_106 = arith.addi %scan3A_104, %scan3A_105 : i32
    %scan3A_107 = arith.constant 1 : i32
    scf.for %scan3A_156 = %scan3A_104 to %scan3A_106 step %scan3A_107  : i32 {
      %mul3A_157 = arith.constant 1 : i32
      %mul3A_158 = arith.muli %scan3A_156, %mul3A_157 : i32
      %add3A_159 = arith.constant 0 : i32
      %add3A_160 = arith.addi %add3A_159, %mul3A_158 : i32
      %mul3A_161 = arith.constant 16 : i32
      %mul3A_162 = arith.muli %add3A_160, %mul3A_161 : i32
      %min3A = arith.constant 984 : i32
      %min3A_163 = arith.minsi %mul3A_162, %min3A : i32
      %get3A = arith.index_cast %min3A_163 : i32 to index
      %get3A_164 = tpu.vector_load %arg6[%get3A] {strides = array<i32>} : memref<1008xi32, #tpu.memory_space<vmem>>, vector<16xi32>,
      %broadcast_in_dim3A = arith.constant 0 : i32
      %broadcast_in_dim3A_165 = vector.broadcast %broadcast_in_dim3A : i32 to vector<16xi32>
      %gather3A = tpu.vector_load_idx %arg5[%broadcast_in_dim3A_165, %get3A_164] : memref<32x1000xf32, #tpu.memory_space<vmem>>[vector<16xi32>, vector<16xi32>], vector<16xf32>,
      %broadcast_in_dim3A_166 = arith.constant 1 : i32
      %broadcast_in_dim3A_167 = vector.broadcast %broadcast_in_dim3A_166 : i32 to vector<16xi32>
      %gather3A_168 = tpu.vector_load_idx %arg5[%broadcast_in_dim3A_167, %get3A_164] : memref<32x1000xf32, #tpu.memory_space<vmem>>[vector<16xi32>, vector<16xi32>], vector<16xf32>,
      %broadcast_in_dim3A_169 = arith.constant 2 : i32
      %broadcast_in_dim3A_170 = vector.broadcast %broadcast_in_dim3A_169 : i32 to vector<16xi32>
      %gather3A_171 = tpu.vector_load_idx %arg5[%broadcast_in_dim3A_170, %get3A_164] : memref<32x1000xf32, #tpu.memory_space<vmem>>[vector<16xi32>, vector<16xi32>], vector<16xf32>,
      %broadcast_in_dim3A_172 = arith.constant 3 : i32
      %broadcast_in_dim3A_173 = vector.broadcast %broadcast_in_dim3A_172 : i32 to vector<16xi32>
      %gather3A_174 = tpu.vector_load_idx %arg5[%broadcast_in_dim3A_173, %get3A_164] : memref<32x1000xf32, #tpu.memory_space<vmem>>[vector<16xi32>, vector<16xi32>], vector<16xf32>,
      %broadcast_in_dim3A_175 = arith.constant 4 : i32
      %broadcast_in_dim3A_176 = vector.broadcast %broadcast_in_dim3A_175 : i32 to vector<16xi32>
      %gather3A_177 = tpu.vector_load_idx %arg5[%broadcast_in_dim3A_176, %get3A_164] : memref<32x1000xf32, #tpu.memory_space<vmem>>[vector<16xi32>, vector<16xi32>], vector<16xf32>,
      %broadcast_in_dim3A_178 = arith.constant 5 : i32
      %broadcast_in_dim3A_179 = vector.broadcast %broadcast_in_dim3A_178 : i32 to vector<16xi32>
      %gather3A_180 = tpu.vector_load_idx %arg5[%broadcast_in_dim3A_179, %get3A_164] : memref<32x1000xf32, #tpu.memory_space<vmem>>[vector<16xi32>, vector<16xi32>], vector<16xf32>,
      %broadcast_in_dim3A_181 = arith.constant 6 : i32
      %broadcast_in_dim3A_182 = vector.broadcast %broadcast_in_dim3A_181 : i32 to vector<16xi32>
      %gather3A_183 = tpu.vector_load_idx %arg5[%broadcast_in_dim3A_182, %get3A_164] : memref<32x1000xf32, #tpu.memory_space<vmem>>[vector<16xi32>, vector<16xi32>], vector<16xf32>,
      %broadcast_in_dim3A_184 = arith.constant 7 : i32
      %broadcast_in_dim3A_185 = vector.broadcast %broadcast_in_dim3A_184 : i32 to vector<16xi32>
      %gather3A_186 = tpu.vector_load_idx %arg5[%broadcast_in_dim3A_185, %get3A_164] : memref<32x1000xf32, #tpu.memory_space<vmem>>[vector<16xi32>, vector<16xi32>], vector<16xf32>,
      %broadcast_in_dim3A_187 = arith.constant 8 : i32
      %broadcast_in_dim3A_188 = vector.broadcast %broadcast_in_dim3A_187 : i32 to vector<16xi32>
      %gather3A_189 = tpu.vector_load_idx %arg5[%broadcast_in_dim3A_188, %get3A_164] : memref<32x1000xf32, #tpu.memory_space<vmem>>[vector<16xi32>, vector<16xi32>], vector<16xf32>,
      %broadcast_in_dim3A_190 = arith.constant 9 : i32
      %broadcast_in_dim3A_191 = vector.broadcast %broadcast_in_dim3A_190 : i32 to vector<16xi32>
      %gather3A_192 = tpu.vector_load_idx %arg5[%broadcast_in_dim3A_191, %get3A_164] : memref<32x1000xf32, #tpu.memory_space<vmem>>[vector<16xi32>, vector<16xi32>], vector<16xf32>,
      %broadcast_in_dim3A_193 = arith.constant 10 : i32
      %broadcast_in_dim3A_194 = vector.broadcast %broadcast_in_dim3A_193 : i32 to vector<16xi32>
      %gather3A_195 = tpu.vector_load_idx %arg5[%broadcast_in_dim3A_194, %get3A_164] : memref<32x1000xf32, #tpu.memory_space<vmem>>[vector<16xi32>, vector<16xi32>], vector<16xf32>,
      %broadcast_in_dim3A_196 = arith.constant 11 : i32
      %broadcast_in_dim3A_197 = vector.broadcast %broadcast_in_dim3A_196 : i32 to vector<16xi32>
      %gather3A_198 = tpu.vector_load_idx %arg5[%broadcast_in_dim3A_197, %get3A_164] : memref<32x1000xf32, #tpu.memory_space<vmem>>[vector<16xi32>, vector<16xi32>], vector<16xf32>,
      %broadcast_in_dim3A_199 = arith.constant 12 : i32
      %broadcast_in_dim3A_200 = vector.broadcast %broadcast_in_dim3A_199 : i32 to vector<16xi32>
      %gather3A_201 = tpu.vector_load_idx %arg5[%broadcast_in_dim3A_200, %get3A_164] : memref<32x1000xf32, #tpu.memory_space<vmem>>[vector<16xi32>, vector<16xi32>], vector<16xf32>,
      %broadcast_in_dim3A_202 = arith.constant 13 : i32
      %broadcast_in_dim3A_203 = vector.broadcast %broadcast_in_dim3A_202 : i32 to vector<16xi32>
      %gather3A_204 = tpu.vector_load_idx %arg5[%broadcast_in_dim3A_203, %get3A_164] : memref<32x1000xf32, #tpu.memory_space<vmem>>[vector<16xi32>, vector<16xi32>], vector<16xf32>,
      %broadcast_in_dim3A_205 = arith.constant 14 : i32
      %broadcast_in_dim3A_206 = vector.broadcast %broadcast_in_dim3A_205 : i32 to vector<16xi32>
      %gather3A_207 = tpu.vector_load_idx %arg5[%broadcast_in_dim3A_206, %get3A_164] : memref<32x1000xf32, #tpu.memory_space<vmem>>[vector<16xi32>, vector<16xi32>], vector<16xf32>,
      %broadcast_in_dim3A_208 = arith.constant 15 : i32
      %broadcast_in_dim3A_209 = vector.broadcast %broadcast_in_dim3A_208 : i32 to vector<16xi32>
      %gather3A_210 = tpu.vector_load_idx %arg5[%broadcast_in_dim3A_209, %get3A_164] : memref<32x1000xf32, #tpu.memory_space<vmem>>[vector<16xi32>, vector<16xi32>], vector<16xf32>,
      %swap3A = arith.constant 0 : i32
      %swap3A_211 = arith.index_cast %swap3A : i32 to index
      %swap3A_212 = arith.index_cast %min3A_163 : i32 to index
      %swap3A_213 = tpu.vector_load %arg8[%swap3A_211, %swap3A_212] {strides = array<i32>} : memref<32x1000xf32, #tpu.memory_space<vmem>>, vector<16xf32>,
      tpu.vector_store %arg8[%swap3A_211, %swap3A_212], %gather3A {strides = array<i32>} : memref<32x1000xf32, #tpu.memory_space<vmem>>, vector<16xf32>,
      %swap3A_214 = arith.constant 1 : i32
      %swap3A_215 = arith.index_cast %swap3A_214 : i32 to index
      %swap3A_216 = arith.index_cast %min3A_163 : i32 to index
      %swap3A_217 = tpu.vector_load %arg8[%swap3A_215, %swap3A_216] {strides = array<i32>} : memref<32x1000xf32, #tpu.memory_space<vmem>>, vector<16xf32>,
      tpu.vector_store %arg8[%swap3A_215, %swap3A_216], %gather3A_168 {strides = array<i32>} : memref<32x1000xf32, #tpu.memory_space<vmem>>, vector<16xf32>,
      %swap3A_218 = arith.constant 2 : i32
      %swap3A_219 = arith.index_cast %swap3A_218 : i32 to index
      %swap3A_220 = arith.index_cast %min3A_163 : i32 to index
      %swap3A_221 = tpu.vector_load %arg8[%swap3A_219, %swap3A_220] {strides = array<i32>} : memref<32x1000xf32, #tpu.memory_space<vmem>>, vector<16xf32>,
      tpu.vector_store %arg8[%swap3A_219, %swap3A_220], %gather3A_171 {strides = array<i32>} : memref<32x1000xf32, #tpu.memory_space<vmem>>, vector<16xf32>,
      %swap3A_222 = arith.constant 3 : i32
      %swap3A_223 = arith.index_cast %swap3A_222 : i32 to index
      %swap3A_224 = arith.index_cast %min3A_163 : i32 to index
      %swap3A_225 = tpu.vector_load %arg8[%swap3A_223, %swap3A_224] {strides = array<i32>} : memref<32x1000xf32, #tpu.memory_space<vmem>>, vector<16xf32>,
      tpu.vector_store %arg8[%swap3A_223, %swap3A_224], %gather3A_174 {strides = array<i32>} : memref<32x1000xf32, #tpu.memory_space<vmem>>, vector<16xf32>,
      %swap3A_226 = arith.constant 4 : i32
      %swap3A_227 = arith.index_cast %swap3A_226 : i32 to index
      %swap3A_228 = arith.index_cast %min3A_163 : i32 to index
      %swap3A_229 = tpu.vector_load %arg8[%swap3A_227, %swap3A_228] {strides = array<i32>} : memref<32x1000xf32, #tpu.memory_space<vmem>>, vector<16xf32>,
      tpu.vector_store %arg8[%swap3A_227, %swap3A_228], %gather3A_177 {strides = array<i32>} : memref<32x1000xf32, #tpu.memory_space<vmem>>, vector<16xf32>,
      %swap3A_230 = arith.constant 5 : i32
      %swap3A_231 = arith.index_cast %swap3A_230 : i32 to index
      %swap3A_232 = arith.index_cast %min3A_163 : i32 to index
      %swap3A_233 = tpu.vector_load %arg8[%swap3A_231, %swap3A_232] {strides = array<i32>} : memref<32x1000xf32, #tpu.memory_space<vmem>>, vector<16xf32>,
      tpu.vector_store %arg8[%swap3A_231, %swap3A_232], %gather3A_180 {strides = array<i32>} : memref<32x1000xf32, #tpu.memory_space<vmem>>, vector<16xf32>,
      %swap3A_234 = arith.constant 6 : i32
      %swap3A_235 = arith.index_cast %swap3A_234 : i32 to index
      %swap3A_236 = arith.index_cast %min3A_163 : i32 to index
      %swap3A_237 = tpu.vector_load %arg8[%swap3A_235, %swap3A_236] {strides = array<i32>} : memref<32x1000xf32, #tpu.memory_space<vmem>>, vector<16xf32>,
      tpu.vector_store %arg8[%swap3A_235, %swap3A_236], %gather3A_183 {strides = array<i32>} : memref<32x1000xf32, #tpu.memory_space<vmem>>, vector<16xf32>,
      %swap3A_238 = arith.constant 7 : i32
      %swap3A_239 = arith.index_cast %swap3A_238 : i32 to index
      %swap3A_240 = arith.index_cast %min3A_163 : i32 to index
      %swap3A_241 = tpu.vector_load %arg8[%swap3A_239, %swap3A_240] {strides = array<i32>} : memref<32x1000xf32, #tpu.memory_space<vmem>>, vector<16xf32>,
      tpu.vector_store %arg8[%swap3A_239, %swap3A_240], %gather3A_186 {strides = array<i32>} : memref<32x1000xf32, #tpu.memory_space<vmem>>, vector<16xf32>,
      %swap3A_242 = arith.constant 8 : i32
      %swap3A_243 = arith.index_cast %swap3A_242 : i32 to index
      %swap3A_244 = arith.index_cast %min3A_163 : i32 to index
      %swap3A_245 = tpu.vector_load %arg8[%swap3A_243, %swap3A_244] {strides = array<i32>} : memref<32x1000xf32, #tpu.memory_space<vmem>>, vector<16xf32>,
      tpu.vector_store %arg8[%swap3A_243, %swap3A_244], %gather3A_189 {strides = array<i32>} : memref<32x1000xf32, #tpu.memory_space<vmem>>, vector<16xf32>,
      %swap3A_246 = arith.constant 9 : i32
      %swap3A_247 = arith.index_cast %swap3A_246 : i32 to index
      %swap3A_248 = arith.index_cast %min3A_163 : i32 to index
      %swap3A_249 = tpu.vector_load %arg8[%swap3A_247, %swap3A_248] {strides = array<i32>} : memref<32x1000xf32, #tpu.memory_space<vmem>>, vector<16xf32>,
      tpu.vector_store %arg8[%swap3A_247, %swap3A_248], %gather3A_192 {strides = array<i32>} : memref<32x1000xf32, #tpu.memory_space<vmem>>, vector<16xf32>,
      %swap3A_250 = arith.constant 10 : i32
      %swap3A_251 = arith.index_cast %swap3A_250 : i32 to index
      %swap3A_252 = arith.index_cast %min3A_163 : i32 to index
      %swap3A_253 = tpu.vector_load %arg8[%swap3A_251, %swap3A_252] {strides = array<i32>} : memref<32x1000xf32, #tpu.memory_space<vmem>>, vector<16xf32>,
      tpu.vector_store %arg8[%swap3A_251, %swap3A_252], %gather3A_195 {strides = array<i32>} : memref<32x1000xf32, #tpu.memory_space<vmem>>, vector<16xf32>,
      %swap3A_254 = arith.constant 11 : i32
      %swap3A_255 = arith.index_cast %swap3A_254 : i32 to index
      %swap3A_256 = arith.index_cast %min3A_163 : i32 to index
      %swap3A_257 = tpu.vector_load %arg8[%swap3A_255, %swap3A_256] {strides = array<i32>} : memref<32x1000xf32, #tpu.memory_space<vmem>>, vector<16xf32>,
      tpu.vector_store %arg8[%swap3A_255, %swap3A_256], %gather3A_198 {strides = array<i32>} : memref<32x1000xf32, #tpu.memory_space<vmem>>, vector<16xf32>,
      %swap3A_258 = arith.constant 12 : i32
      %swap3A_259 = arith.index_cast %swap3A_258 : i32 to index
      %swap3A_260 = arith.index_cast %min3A_163 : i32 to index
      %swap3A_261 = tpu.vector_load %arg8[%swap3A_259, %swap3A_260] {strides = array<i32>} : memref<32x1000xf32, #tpu.memory_space<vmem>>, vector<16xf32>,
      tpu.vector_store %arg8[%swap3A_259, %swap3A_260], %gather3A_201 {strides = array<i32>} : memref<32x1000xf32, #tpu.memory_space<vmem>>, vector<16xf32>,
      %swap3A_262 = arith.constant 13 : i32
      %swap3A_263 = arith.index_cast %swap3A_262 : i32 to index
      %swap3A_264 = arith.index_cast %min3A_163 : i32 to index
      %swap3A_265 = tpu.vector_load %arg8[%swap3A_263, %swap3A_264] {strides = array<i32>} : memref<32x1000xf32, #tpu.memory_space<vmem>>, vector<16xf32>,
      tpu.vector_store %arg8[%swap3A_263, %swap3A_264], %gather3A_204 {strides = array<i32>} : memref<32x1000xf32, #tpu.memory_space<vmem>>, vector<16xf32>,
      %swap3A_266 = arith.constant 14 : i32
      %swap3A_267 = arith.index_cast %swap3A_266 : i32 to index
      %swap3A_268 = arith.index_cast %min3A_163 : i32 to index
      %swap3A_269 = tpu.vector_load %arg8[%swap3A_267, %swap3A_268] {strides = array<i32>} : memref<32x1000xf32, #tpu.memory_space<vmem>>, vector<16xf32>,
      tpu.vector_store %arg8[%swap3A_267, %swap3A_268], %gather3A_207 {strides = array<i32>} : memref<32x1000xf32, #tpu.memory_space<vmem>>, vector<16xf32>,
      %swap3A_270 = arith.constant 15 : i32
      %swap3A_271 = arith.index_cast %swap3A_270 : i32 to index
      %swap3A_272 = arith.index_cast %min3A_163 : i32 to index
      %swap3A_273 = tpu.vector_load %arg8[%swap3A_271, %swap3A_272] {strides = array<i32>} : memref<32x1000xf32, #tpu.memory_space<vmem>>, vector<16xf32>,
      tpu.vector_store %arg8[%swap3A_271, %swap3A_272], %gather3A_210 {strides = array<i32>} : memref<32x1000xf32, #tpu.memory_space<vmem>>, vector<16xf32>,
      %broadcast_in_dim3A_274 = arith.constant 16 : i32
      %broadcast_in_dim3A_275 = vector.broadcast %broadcast_in_dim3A_274 : i32 to vector<16xi32>
      %gather3A_276 = tpu.vector_load_idx %arg5[%broadcast_in_dim3A_275, %get3A_164] : memref<32x1000xf32, #tpu.memory_space<vmem>>[vector<16xi32>, vector<16xi32>], vector<16xf32>,
      %broadcast_in_dim3A_277 = arith.constant 17 : i32
      %broadcast_in_dim3A_278 = vector.broadcast %broadcast_in_dim3A_277 : i32 to vector<16xi32>
      %gather3A_279 = tpu.vector_load_idx %arg5[%broadcast_in_dim3A_278, %get3A_164] : memref<32x1000xf32, #tpu.memory_space<vmem>>[vector<16xi32>, vector<16xi32>], vector<16xf32>,
      %broadcast_in_dim3A_280 = arith.constant 18 : i32
      %broadcast_in_dim3A_281 = vector.broadcast %broadcast_in_dim3A_280 : i32 to vector<16xi32>
      %gather3A_282 = tpu.vector_load_idx %arg5[%broadcast_in_dim3A_281, %get3A_164] : memref<32x1000xf32, #tpu.memory_space<vmem>>[vector<16xi32>, vector<16xi32>], vector<16xf32>,
      %broadcast_in_dim3A_283 = arith.constant 19 : i32
      %broadcast_in_dim3A_284 = vector.broadcast %broadcast_in_dim3A_283 : i32 to vector<16xi32>
      %gather3A_285 = tpu.vector_load_idx %arg5[%broadcast_in_dim3A_284, %get3A_164] : memref<32x1000xf32, #tpu.memory_space<vmem>>[vector<16xi32>, vector<16xi32>], vector<16xf32>,
      %broadcast_in_dim3A_286 = arith.constant 20 : i32
      %broadcast_in_dim3A_287 = vector.broadcast %broadcast_in_dim3A_286 : i32 to vector<16xi32>
      %gather3A_288 = tpu.vector_load_idx %arg5[%broadcast_in_dim3A_287, %get3A_164] : memref<32x1000xf32, #tpu.memory_space<vmem>>[vector<16xi32>, vector<16xi32>], vector<16xf32>,
      %broadcast_in_dim3A_289 = arith.constant 21 : i32
      %broadcast_in_dim3A_290 = vector.broadcast %broadcast_in_dim3A_289 : i32 to vector<16xi32>
      %gather3A_291 = tpu.vector_load_idx %arg5[%broadcast_in_dim3A_290, %get3A_164] : memref<32x1000xf32, #tpu.memory_space<vmem>>[vector<16xi32>, vector<16xi32>], vector<16xf32>,
      %broadcast_in_dim3A_292 = arith.constant 22 : i32
      %broadcast_in_dim3A_293 = vector.broadcast %broadcast_in_dim3A_292 : i32 to vector<16xi32>
      %gather3A_294 = tpu.vector_load_idx %arg5[%broadcast_in_dim3A_293, %get3A_164] : memref<32x1000xf32, #tpu.memory_space<vmem>>[vector<16xi32>, vector<16xi32>], vector<16xf32>,
      %broadcast_in_dim3A_295 = arith.constant 23 : i32
      %broadcast_in_dim3A_296 = vector.broadcast %broadcast_in_dim3A_295 : i32 to vector<16xi32>
      %gather3A_297 = tpu.vector_load_idx %arg5[%broadcast_in_dim3A_296, %get3A_164] : memref<32x1000xf32, #tpu.memory_space<vmem>>[vector<16xi32>, vector<16xi32>], vector<16xf32>,
      %broadcast_in_dim3A_298 = arith.constant 24 : i32
      %broadcast_in_dim3A_299 = vector.broadcast %broadcast_in_dim3A_298 : i32 to vector<16xi32>
      %gather3A_300 = tpu.vector_load_idx %arg5[%broadcast_in_dim3A_299, %get3A_164] : memref<32x1000xf32, #tpu.memory_space<vmem>>[vector<16xi32>, vector<16xi32>], vector<16xf32>,
      %broadcast_in_dim3A_301 = arith.constant 25 : i32
      %broadcast_in_dim3A_302 = vector.broadcast %broadcast_in_dim3A_301 : i32 to vector<16xi32>
      %gather3A_303 = tpu.vector_load_idx %arg5[%broadcast_in_dim3A_302, %get3A_164] : memref<32x1000xf32, #tpu.memory_space<vmem>>[vector<16xi32>, vector<16xi32>], vector<16xf32>,
      %broadcast_in_dim3A_304 = arith.constant 26 : i32
      %broadcast_in_dim3A_305 = vector.broadcast %broadcast_in_dim3A_304 : i32 to vector<16xi32>
      %gather3A_306 = tpu.vector_load_idx %arg5[%broadcast_in_dim3A_305, %get3A_164] : memref<32x1000xf32, #tpu.memory_space<vmem>>[vector<16xi32>, vector<16xi32>], vector<16xf32>,
      %broadcast_in_dim3A_307 = arith.constant 27 : i32
      %broadcast_in_dim3A_308 = vector.broadcast %broadcast_in_dim3A_307 : i32 to vector<16xi32>
      %gather3A_309 = tpu.vector_load_idx %arg5[%broadcast_in_dim3A_308, %get3A_164] : memref<32x1000xf32, #tpu.memory_space<vmem>>[vector<16xi32>, vector<16xi32>], vector<16xf32>,
      %broadcast_in_dim3A_310 = arith.constant 28 : i32
      %broadcast_in_dim3A_311 = vector.broadcast %broadcast_in_dim3A_310 : i32 to vector<16xi32>
      %gather3A_312 = tpu.vector_load_idx %arg5[%broadcast_in_dim3A_311, %get3A_164] : memref<32x1000xf32, #tpu.memory_space<vmem>>[vector<16xi32>, vector<16xi32>], vector<16xf32>,
      %broadcast_in_dim3A_313 = arith.constant 29 : i32
      %broadcast_in_dim3A_314 = vector.broadcast %broadcast_in_dim3A_313 : i32 to vector<16xi32>
      %gather3A_315 = tpu.vector_load_idx %arg5[%broadcast_in_dim3A_314, %get3A_164] : memref<32x1000xf32, #tpu.memory_space<vmem>>[vector<16xi32>, vector<16xi32>], vector<16xf32>,
      %broadcast_in_dim3A_316 = arith.constant 30 : i32
      %broadcast_in_dim3A_317 = vector.broadcast %broadcast_in_dim3A_316 : i32 to vector<16xi32>
      %gather3A_318 = tpu.vector_load_idx %arg5[%broadcast_in_dim3A_317, %get3A_164] : memref<32x1000xf32, #tpu.memory_space<vmem>>[vector<16xi32>, vector<16xi32>], vector<16xf32>,
      %broadcast_in_dim3A_319 = arith.constant 31 : i32
      %broadcast_in_dim3A_320 = vector.broadcast %broadcast_in_dim3A_319 : i32 to vector<16xi32>
      %gather3A_321 = tpu.vector_load_idx %arg5[%broadcast_in_dim3A_320, %get3A_164] : memref<32x1000xf32, #tpu.memory_space<vmem>>[vector<16xi32>, vector<16xi32>], vector<16xf32>,
      %swap3A_322 = arith.constant 16 : i32
      %swap3A_323 = arith.index_cast %swap3A_322 : i32 to index
      %swap3A_324 = arith.index_cast %min3A_163 : i32 to index
      %swap3A_325 = tpu.vector_load %arg8[%swap3A_323, %swap3A_324] {strides = array<i32>} : memref<32x1000xf32, #tpu.memory_space<vmem>>, vector<16xf32>,
      tpu.vector_store %arg8[%swap3A_323, %swap3A_324], %gather3A_276 {strides = array<i32>} : memref<32x1000xf32, #tpu.memory_space<vmem>>, vector<16xf32>,
      %swap3A_326 = arith.constant 17 : i32
      %swap3A_327 = arith.index_cast %swap3A_326 : i32 to index
      %swap3A_328 = arith.index_cast %min3A_163 : i32 to index
      %swap3A_329 = tpu.vector_load %arg8[%swap3A_327, %swap3A_328] {strides = array<i32>} : memref<32x1000xf32, #tpu.memory_space<vmem>>, vector<16xf32>,
      tpu.vector_store %arg8[%swap3A_327, %swap3A_328], %gather3A_279 {strides = array<i32>} : memref<32x1000xf32, #tpu.memory_space<vmem>>, vector<16xf32>,
      %swap3A_330 = arith.constant 18 : i32
      %swap3A_331 = arith.index_cast %swap3A_330 : i32 to index
      %swap3A_332 = arith.index_cast %min3A_163 : i32 to index
      %swap3A_333 = tpu.vector_load %arg8[%swap3A_331, %swap3A_332] {strides = array<i32>} : memref<32x1000xf32, #tpu.memory_space<vmem>>, vector<16xf32>,
      tpu.vector_store %arg8[%swap3A_331, %swap3A_332], %gather3A_282 {strides = array<i32>} : memref<32x1000xf32, #tpu.memory_space<vmem>>, vector<16xf32>,
      %swap3A_334 = arith.constant 19 : i32
      %swap3A_335 = arith.index_cast %swap3A_334 : i32 to index
      %swap3A_336 = arith.index_cast %min3A_163 : i32 to index
      %swap3A_337 = tpu.vector_load %arg8[%swap3A_335, %swap3A_336] {strides = array<i32>} : memref<32x1000xf32, #tpu.memory_space<vmem>>, vector<16xf32>,
      tpu.vector_store %arg8[%swap3A_335, %swap3A_336], %gather3A_285 {strides = array<i32>} : memref<32x1000xf32, #tpu.memory_space<vmem>>, vector<16xf32>,
      %swap3A_338 = arith.constant 20 : i32
      %swap3A_339 = arith.index_cast %swap3A_338 : i32 to index
      %swap3A_340 = arith.index_cast %min3A_163 : i32 to index
      %swap3A_341 = tpu.vector_load %arg8[%swap3A_339, %swap3A_340] {strides = array<i32>} : memref<32x1000xf32, #tpu.memory_space<vmem>>, vector<16xf32>,
      tpu.vector_store %arg8[%swap3A_339, %swap3A_340], %gather3A_288 {strides = array<i32>} : memref<32x1000xf32, #tpu.memory_space<vmem>>, vector<16xf32>,
      %swap3A_342 = arith.constant 21 : i32
      %swap3A_343 = arith.index_cast %swap3A_342 : i32 to index
      %swap3A_344 = arith.index_cast %min3A_163 : i32 to index
      %swap3A_345 = tpu.vector_load %arg8[%swap3A_343, %swap3A_344] {strides = array<i32>} : memref<32x1000xf32, #tpu.memory_space<vmem>>, vector<16xf32>,
      tpu.vector_store %arg8[%swap3A_343, %swap3A_344], %gather3A_291 {strides = array<i32>} : memref<32x1000xf32, #tpu.memory_space<vmem>>, vector<16xf32>,
      %swap3A_346 = arith.constant 22 : i32
      %swap3A_347 = arith.index_cast %swap3A_346 : i32 to index
      %swap3A_348 = arith.index_cast %min3A_163 : i32 to index
      %swap3A_349 = tpu.vector_load %arg8[%swap3A_347, %swap3A_348] {strides = array<i32>} : memref<32x1000xf32, #tpu.memory_space<vmem>>, vector<16xf32>,
      tpu.vector_store %arg8[%swap3A_347, %swap3A_348], %gather3A_294 {strides = array<i32>} : memref<32x1000xf32, #tpu.memory_space<vmem>>, vector<16xf32>,
      %swap3A_350 = arith.constant 23 : i32
      %swap3A_351 = arith.index_cast %swap3A_350 : i32 to index
      %swap3A_352 = arith.index_cast %min3A_163 : i32 to index
      %swap3A_353 = tpu.vector_load %arg8[%swap3A_351, %swap3A_352] {strides = array<i32>} : memref<32x1000xf32, #tpu.memory_space<vmem>>, vector<16xf32>,
      tpu.vector_store %arg8[%swap3A_351, %swap3A_352], %gather3A_297 {strides = array<i32>} : memref<32x1000xf32, #tpu.memory_space<vmem>>, vector<16xf32>,
      %swap3A_354 = arith.constant 24 : i32
      %swap3A_355 = arith.index_cast %swap3A_354 : i32 to index
      %swap3A_356 = arith.index_cast %min3A_163 : i32 to index
      %swap3A_357 = tpu.vector_load %arg8[%swap3A_355, %swap3A_356] {strides = array<i32>} : memref<32x1000xf32, #tpu.memory_space<vmem>>, vector<16xf32>,
      tpu.vector_store %arg8[%swap3A_355, %swap3A_356], %gather3A_300 {strides = array<i32>} : memref<32x1000xf32, #tpu.memory_space<vmem>>, vector<16xf32>,
      %swap3A_358 = arith.constant 25 : i32
      %swap3A_359 = arith.index_cast %swap3A_358 : i32 to index
      %swap3A_360 = arith.index_cast %min3A_163 : i32 to index
      %swap3A_361 = tpu.vector_load %arg8[%swap3A_359, %swap3A_360] {strides = array<i32>} : memref<32x1000xf32, #tpu.memory_space<vmem>>, vector<16xf32>,
      tpu.vector_store %arg8[%swap3A_359, %swap3A_360], %gather3A_303 {strides = array<i32>} : memref<32x1000xf32, #tpu.memory_space<vmem>>, vector<16xf32>,
      %swap3A_362 = arith.constant 26 : i32
      %swap3A_363 = arith.index_cast %swap3A_362 : i32 to index
      %swap3A_364 = arith.index_cast %min3A_163 : i32 to index
      %swap3A_365 = tpu.vector_load %arg8[%swap3A_363, %swap3A_364] {strides = array<i32>} : memref<32x1000xf32, #tpu.memory_space<vmem>>, vector<16xf32>,
      tpu.vector_store %arg8[%swap3A_363, %swap3A_364], %gather3A_306 {strides = array<i32>} : memref<32x1000xf32, #tpu.memory_space<vmem>>, vector<16xf32>,
      %swap3A_366 = arith.constant 27 : i32
      %swap3A_367 = arith.index_cast %swap3A_366 : i32 to index
      %swap3A_368 = arith.index_cast %min3A_163 : i32 to index
      %swap3A_369 = tpu.vector_load %arg8[%swap3A_367, %swap3A_368] {strides = array<i32>} : memref<32x1000xf32, #tpu.memory_space<vmem>>, vector<16xf32>,
      tpu.vector_store %arg8[%swap3A_367, %swap3A_368], %gather3A_309 {strides = array<i32>} : memref<32x1000xf32, #tpu.memory_space<vmem>>, vector<16xf32>,
      %swap3A_370 = arith.constant 28 : i32
      %swap3A_371 = arith.index_cast %swap3A_370 : i32 to index
      %swap3A_372 = arith.index_cast %min3A_163 : i32 to index
      %swap3A_373 = tpu.vector_load %arg8[%swap3A_371, %swap3A_372] {strides = array<i32>} : memref<32x1000xf32, #tpu.memory_space<vmem>>, vector<16xf32>,
      tpu.vector_store %arg8[%swap3A_371, %swap3A_372], %gather3A_312 {strides = array<i32>} : memref<32x1000xf32, #tpu.memory_space<vmem>>, vector<16xf32>,
      %swap3A_374 = arith.constant 29 : i32
      %swap3A_375 = arith.index_cast %swap3A_374 : i32 to index
      %swap3A_376 = arith.index_cast %min3A_163 : i32 to index
      %swap3A_377 = tpu.vector_load %arg8[%swap3A_375, %swap3A_376] {strides = array<i32>} : memref<32x1000xf32, #tpu.memory_space<vmem>>, vector<16xf32>,
      tpu.vector_store %arg8[%swap3A_375, %swap3A_376], %gather3A_315 {strides = array<i32>} : memref<32x1000xf32, #tpu.memory_space<vmem>>, vector<16xf32>,
      %swap3A_378 = arith.constant 30 : i32
      %swap3A_379 = arith.index_cast %swap3A_378 : i32 to index
      %swap3A_380 = arith.index_cast %min3A_163 : i32 to index
      %swap3A_381 = tpu.vector_load %arg8[%swap3A_379, %swap3A_380] {strides = array<i32>} : memref<32x1000xf32, #tpu.memory_space<vmem>>, vector<16xf32>,
      tpu.vector_store %arg8[%swap3A_379, %swap3A_380], %gather3A_318 {strides = array<i32>} : memref<32x1000xf32, #tpu.memory_space<vmem>>, vector<16xf32>,
      %swap3A_382 = arith.constant 31 : i32
      %swap3A_383 = arith.index_cast %swap3A_382 : i32 to index
      %swap3A_384 = arith.index_cast %min3A_163 : i32 to index
      %swap3A_385 = tpu.vector_load %arg8[%swap3A_383, %swap3A_384] {strides = array<i32>} : memref<32x1000xf32, #tpu.memory_space<vmem>>, vector<16xf32>,
      tpu.vector_store %arg8[%swap3A_383, %swap3A_384], %gather3A_321 {strides = array<i32>} : memref<32x1000xf32, #tpu.memory_space<vmem>>, vector<16xf32>,
    }
    %scan3A_108 = arith.constant 63 : i32
    %dma_start3A_109 = arith.constant 30 : i32
    %dma_start3A_110 = arith.constant 0 : i32
    %dma_start3A_111 = tpu.memref_slice %arg4[%select_n3A, %dma_start3A_109, %mul3A_21, %dma_start3A_110] : memref<2x32x512x1000xf32, #tpu.memory_space<hbm>> -> memref<1x1x32x1000xf32, #tpu.memory_space<hbm>>
    %dma_start3A_112 = tpu.memref_squeeze %dma_start3A_111 : memref<1x1x32x1000xf32, #tpu.memory_space<hbm>> -> memref<32x1000xf32, #tpu.memory_space<hbm>>
    %dma_start3A_113 = arith.constant 0 : i32
    %dma_start3A_114 = tpu.memref_slice %arg4[%select_n3A, %dma_start3A_109, %mul3A_21, %dma_start3A_113] : memref<2x32x512x1000xf32, #tpu.memory_space<hbm>> -> memref<1x1x32x1000xf32, #tpu.memory_space<hbm>>
    %dma_start3A_115 = tpu.memref_squeeze %dma_start3A_114 : memref<1x1x32x1000xf32, #tpu.memory_space<hbm>> -> memref<32x1000xf32, #tpu.memory_space<hbm>>
    tpu.enqueue_dma source(%arg8 : memref<32x1000xf32, #tpu.memory_space<vmem>>) target(%dma_start3A_115 : memref<32x1000xf32, #tpu.memory_space<hbm>>) target_semaphore(%arg12 : memref<!tpu.dma_semaphore, #tpu.memory_space<semaphore_mem>>)
    %dma_wait3A_116 = arith.constant 31 : i32
    %dma_wait3A_117 = arith.constant 0 : i32
    %dma_wait3A_118 = tpu.memref_slice %arg3[%select_n3A, %dma_wait3A_116, %dma_wait3A_117] : memref<2x32x1008xi32, #tpu.memory_space<hbm>> -> memref<1x1x1008xi32, #tpu.memory_space<hbm>>
    %dma_wait3A_119 = tpu.memref_squeeze %dma_wait3A_118 : memref<1x1x1008xi32, #tpu.memory_space<hbm>> -> memref<1008xi32, #tpu.memory_space<hbm>>
    %dma_wait3A_120 = arith.constant 0 : i32
    %dma_wait3A_121 = tpu.memref_slice %arg3[%select_n3A, %dma_wait3A_116, %dma_wait3A_120] : memref<2x32x1008xi32, #tpu.memory_space<hbm>> -> memref<1x1x1008xi32, #tpu.memory_space<hbm>>
    %dma_wait3A_122 = tpu.memref_squeeze %dma_wait3A_121 : memref<1x1x1008xi32, #tpu.memory_space<hbm>> -> memref<1008xi32, #tpu.memory_space<hbm>>
    tpu.wait_dma2 semaphore(%arg11 : memref<!tpu.dma_semaphore, #tpu.memory_space<semaphore_mem>>) src(%dma_wait3A_122 : memref<1008xi32, #tpu.memory_space<hbm>>) dst(%arg7 : memref<1008xi32, #tpu.memory_space<vmem>>)
    %dma_wait3A_123 = arith.constant 29 : i32
    %dma_wait3A_124 = arith.constant 0 : i32
    %dma_wait3A_125 = tpu.memref_slice %arg4[%select_n3A, %dma_wait3A_123, %mul3A_21, %dma_wait3A_124] : memref<2x32x512x1000xf32, #tpu.memory_space<hbm>> -> memref<1x1x32x1000xf32, #tpu.memory_space<hbm>>
    %dma_wait3A_126 = tpu.memref_squeeze %dma_wait3A_125 : memref<1x1x32x1000xf32, #tpu.memory_space<hbm>> -> memref<32x1000xf32, #tpu.memory_space<hbm>>
    %dma_wait3A_127 = arith.constant 0 : i32
    %dma_wait3A_128 = tpu.memref_slice %arg4[%select_n3A, %dma_wait3A_123, %mul3A_21, %dma_wait3A_127] : memref<2x32x512x1000xf32, #tpu.memory_space<hbm>> -> memref<1x1x32x1000xf32, #tpu.memory_space<hbm>>
    %dma_wait3A_129 = tpu.memref_squeeze %dma_wait3A_128 : memref<1x1x32x1000xf32, #tpu.memory_space<hbm>> -> memref<32x1000xf32, #tpu.memory_space<hbm>>
    tpu.wait_dma2 semaphore(%arg13 : memref<!tpu.dma_semaphore, #tpu.memory_space<semaphore_mem>>) src(%arg9 : memref<32x1000xf32, #tpu.memory_space<vmem>>) dst(%dma_wait3A_129 : memref<32x1000xf32, #tpu.memory_space<hbm>>)
    %scan3A_130 = arith.constant 0 : i32
    %scan3A_131 = arith.constant 63 : i32
    %scan3A_132 = arith.addi %scan3A_130, %scan3A_131 : i32
    %scan3A_133 = arith.constant 1 : i32
    scf.for %scan3A_156 = %scan3A_130 to %scan3A_132 step %scan3A_133  : i32 {
      %mul3A_157 = arith.constant 1 : i32
      %mul3A_158 = arith.muli %scan3A_156, %mul3A_157 : i32
      %add3A_159 = arith.constant 0 : i32
      %add3A_160 = arith.addi %add3A_159, %mul3A_158 : i32
      %mul3A_161 = arith.constant 16 : i32
      %mul3A_162 = arith.muli %add3A_160, %mul3A_161 : i32
      %min3A = arith.constant 984 : i32
      %min3A_163 = arith.minsi %mul3A_162, %min3A : i32
      %get3A = arith.index_cast %min3A_163 : i32 to index
      %get3A_164 = tpu.vector_load %arg7[%get3A] {strides = array<i32>} : memref<1008xi32, #tpu.memory_space<vmem>>, vector<16xi32>,
      %broadcast_in_dim3A = arith.constant 0 : i32
      %broadcast_in_dim3A_165 = vector.broadcast %broadcast_in_dim3A : i32 to vector<16xi32>
      %gather3A = tpu.vector_load_idx %arg5[%broadcast_in_dim3A_165, %get3A_164] : memref<32x1000xf32, #tpu.memory_space<vmem>>[vector<16xi32>, vector<16xi32>], vector<16xf32>,
      %broadcast_in_dim3A_166 = arith.constant 1 : i32
      %broadcast_in_dim3A_167 = vector.broadcast %broadcast_in_dim3A_166 : i32 to vector<16xi32>
      %gather3A_168 = tpu.vector_load_idx %arg5[%broadcast_in_dim3A_167, %get3A_164] : memref<32x1000xf32, #tpu.memory_space<vmem>>[vector<16xi32>, vector<16xi32>], vector<16xf32>,
      %broadcast_in_dim3A_169 = arith.constant 2 : i32
      %broadcast_in_dim3A_170 = vector.broadcast %broadcast_in_dim3A_169 : i32 to vector<16xi32>
      %gather3A_171 = tpu.vector_load_idx %arg5[%broadcast_in_dim3A_170, %get3A_164] : memref<32x1000xf32, #tpu.memory_space<vmem>>[vector<16xi32>, vector<16xi32>], vector<16xf32>,
      %broadcast_in_dim3A_172 = arith.constant 3 : i32
      %broadcast_in_dim3A_173 = vector.broadcast %broadcast_in_dim3A_172 : i32 to vector<16xi32>
      %gather3A_174 = tpu.vector_load_idx %arg5[%broadcast_in_dim3A_173, %get3A_164] : memref<32x1000xf32, #tpu.memory_space<vmem>>[vector<16xi32>, vector<16xi32>], vector<16xf32>,
      %broadcast_in_dim3A_175 = arith.constant 4 : i32
      %broadcast_in_dim3A_176 = vector.broadcast %broadcast_in_dim3A_175 : i32 to vector<16xi32>
      %gather3A_177 = tpu.vector_load_idx %arg5[%broadcast_in_dim3A_176, %get3A_164] : memref<32x1000xf32, #tpu.memory_space<vmem>>[vector<16xi32>, vector<16xi32>], vector<16xf32>,
      %broadcast_in_dim3A_178 = arith.constant 5 : i32
      %broadcast_in_dim3A_179 = vector.broadcast %broadcast_in_dim3A_178 : i32 to vector<16xi32>
      %gather3A_180 = tpu.vector_load_idx %arg5[%broadcast_in_dim3A_179, %get3A_164] : memref<32x1000xf32, #tpu.memory_space<vmem>>[vector<16xi32>, vector<16xi32>], vector<16xf32>,
      %broadcast_in_dim3A_181 = arith.constant 6 : i32
      %broadcast_in_dim3A_182 = vector.broadcast %broadcast_in_dim3A_181 : i32 to vector<16xi32>
      %gather3A_183 = tpu.vector_load_idx %arg5[%broadcast_in_dim3A_182, %get3A_164] : memref<32x1000xf32, #tpu.memory_space<vmem>>[vector<16xi32>, vector<16xi32>], vector<16xf32>,
      %broadcast_in_dim3A_184 = arith.constant 7 : i32
      %broadcast_in_dim3A_185 = vector.broadcast %broadcast_in_dim3A_184 : i32 to vector<16xi32>
      %gather3A_186 = tpu.vector_load_idx %arg5[%broadcast_in_dim3A_185, %get3A_164] : memref<32x1000xf32, #tpu.memory_space<vmem>>[vector<16xi32>, vector<16xi32>], vector<16xf32>,
      %broadcast_in_dim3A_187 = arith.constant 8 : i32
      %broadcast_in_dim3A_188 = vector.broadcast %broadcast_in_dim3A_187 : i32 to vector<16xi32>
      %gather3A_189 = tpu.vector_load_idx %arg5[%broadcast_in_dim3A_188, %get3A_164] : memref<32x1000xf32, #tpu.memory_space<vmem>>[vector<16xi32>, vector<16xi32>], vector<16xf32>,
      %broadcast_in_dim3A_190 = arith.constant 9 : i32
      %broadcast_in_dim3A_191 = vector.broadcast %broadcast_in_dim3A_190 : i32 to vector<16xi32>
      %gather3A_192 = tpu.vector_load_idx %arg5[%broadcast_in_dim3A_191, %get3A_164] : memref<32x1000xf32, #tpu.memory_space<vmem>>[vector<16xi32>, vector<16xi32>], vector<16xf32>,
      %broadcast_in_dim3A_193 = arith.constant 10 : i32
      %broadcast_in_dim3A_194 = vector.broadcast %broadcast_in_dim3A_193 : i32 to vector<16xi32>
      %gather3A_195 = tpu.vector_load_idx %arg5[%broadcast_in_dim3A_194, %get3A_164] : memref<32x1000xf32, #tpu.memory_space<vmem>>[vector<16xi32>, vector<16xi32>], vector<16xf32>,
      %broadcast_in_dim3A_196 = arith.constant 11 : i32
      %broadcast_in_dim3A_197 = vector.broadcast %broadcast_in_dim3A_196 : i32 to vector<16xi32>
      %gather3A_198 = tpu.vector_load_idx %arg5[%broadcast_in_dim3A_197, %get3A_164] : memref<32x1000xf32, #tpu.memory_space<vmem>>[vector<16xi32>, vector<16xi32>], vector<16xf32>,
      %broadcast_in_dim3A_199 = arith.constant 12 : i32
      %broadcast_in_dim3A_200 = vector.broadcast %broadcast_in_dim3A_199 : i32 to vector<16xi32>
      %gather3A_201 = tpu.vector_load_idx %arg5[%broadcast_in_dim3A_200, %get3A_164] : memref<32x1000xf32, #tpu.memory_space<vmem>>[vector<16xi32>, vector<16xi32>], vector<16xf32>,
      %broadcast_in_dim3A_202 = arith.constant 13 : i32
      %broadcast_in_dim3A_203 = vector.broadcast %broadcast_in_dim3A_202 : i32 to vector<16xi32>
      %gather3A_204 = tpu.vector_load_idx %arg5[%broadcast_in_dim3A_203, %get3A_164] : memref<32x1000xf32, #tpu.memory_space<vmem>>[vector<16xi32>, vector<16xi32>], vector<16xf32>,
      %broadcast_in_dim3A_205 = arith.constant 14 : i32
      %broadcast_in_dim3A_206 = vector.broadcast %broadcast_in_dim3A_205 : i32 to vector<16xi32>
      %gather3A_207 = tpu.vector_load_idx %arg5[%broadcast_in_dim3A_206, %get3A_164] : memref<32x1000xf32, #tpu.memory_space<vmem>>[vector<16xi32>, vector<16xi32>], vector<16xf32>,
      %broadcast_in_dim3A_208 = arith.constant 15 : i32
      %broadcast_in_dim3A_209 = vector.broadcast %broadcast_in_dim3A_208 : i32 to vector<16xi32>
      %gather3A_210 = tpu.vector_load_idx %arg5[%broadcast_in_dim3A_209, %get3A_164] : memref<32x1000xf32, #tpu.memory_space<vmem>>[vector<16xi32>, vector<16xi32>], vector<16xf32>,
      %swap3A = arith.constant 0 : i32
      %swap3A_211 = arith.index_cast %swap3A : i32 to index
      %swap3A_212 = arith.index_cast %min3A_163 : i32 to index
      %swap3A_213 = tpu.vector_load %arg9[%swap3A_211, %swap3A_212] {strides = array<i32>} : memref<32x1000xf32, #tpu.memory_space<vmem>>, vector<16xf32>,
      tpu.vector_store %arg9[%swap3A_211, %swap3A_212], %gather3A {strides = array<i32>} : memref<32x1000xf32, #tpu.memory_space<vmem>>, vector<16xf32>,
      %swap3A_214 = arith.constant 1 : i32
      %swap3A_215 = arith.index_cast %swap3A_214 : i32 to index
      %swap3A_216 = arith.index_cast %min3A_163 : i32 to index
      %swap3A_217 = tpu.vector_load %arg9[%swap3A_215, %swap3A_216] {strides = array<i32>} : memref<32x1000xf32, #tpu.memory_space<vmem>>, vector<16xf32>,
      tpu.vector_store %arg9[%swap3A_215, %swap3A_216], %gather3A_168 {strides = array<i32>} : memref<32x1000xf32, #tpu.memory_space<vmem>>, vector<16xf32>,
      %swap3A_218 = arith.constant 2 : i32
      %swap3A_219 = arith.index_cast %swap3A_218 : i32 to index
      %swap3A_220 = arith.index_cast %min3A_163 : i32 to index
      %swap3A_221 = tpu.vector_load %arg9[%swap3A_219, %swap3A_220] {strides = array<i32>} : memref<32x1000xf32, #tpu.memory_space<vmem>>, vector<16xf32>,
      tpu.vector_store %arg9[%swap3A_219, %swap3A_220], %gather3A_171 {strides = array<i32>} : memref<32x1000xf32, #tpu.memory_space<vmem>>, vector<16xf32>,
      %swap3A_222 = arith.constant 3 : i32
      %swap3A_223 = arith.index_cast %swap3A_222 : i32 to index
      %swap3A_224 = arith.index_cast %min3A_163 : i32 to index
      %swap3A_225 = tpu.vector_load %arg9[%swap3A_223, %swap3A_224] {strides = array<i32>} : memref<32x1000xf32, #tpu.memory_space<vmem>>, vector<16xf32>,
      tpu.vector_store %arg9[%swap3A_223, %swap3A_224], %gather3A_174 {strides = array<i32>} : memref<32x1000xf32, #tpu.memory_space<vmem>>, vector<16xf32>,
      %swap3A_226 = arith.constant 4 : i32
      %swap3A_227 = arith.index_cast %swap3A_226 : i32 to index
      %swap3A_228 = arith.index_cast %min3A_163 : i32 to index
      %swap3A_229 = tpu.vector_load %arg9[%swap3A_227, %swap3A_228] {strides = array<i32>} : memref<32x1000xf32, #tpu.memory_space<vmem>>, vector<16xf32>,
      tpu.vector_store %arg9[%swap3A_227, %swap3A_228], %gather3A_177 {strides = array<i32>} : memref<32x1000xf32, #tpu.memory_space<vmem>>, vector<16xf32>,
      %swap3A_230 = arith.constant 5 : i32
      %swap3A_231 = arith.index_cast %swap3A_230 : i32 to index
      %swap3A_232 = arith.index_cast %min3A_163 : i32 to index
      %swap3A_233 = tpu.vector_load %arg9[%swap3A_231, %swap3A_232] {strides = array<i32>} : memref<32x1000xf32, #tpu.memory_space<vmem>>, vector<16xf32>,
      tpu.vector_store %arg9[%swap3A_231, %swap3A_232], %gather3A_180 {strides = array<i32>} : memref<32x1000xf32, #tpu.memory_space<vmem>>, vector<16xf32>,
      %swap3A_234 = arith.constant 6 : i32
      %swap3A_235 = arith.index_cast %swap3A_234 : i32 to index
      %swap3A_236 = arith.index_cast %min3A_163 : i32 to index
      %swap3A_237 = tpu.vector_load %arg9[%swap3A_235, %swap3A_236] {strides = array<i32>} : memref<32x1000xf32, #tpu.memory_space<vmem>>, vector<16xf32>,
      tpu.vector_store %arg9[%swap3A_235, %swap3A_236], %gather3A_183 {strides = array<i32>} : memref<32x1000xf32, #tpu.memory_space<vmem>>, vector<16xf32>,
      %swap3A_238 = arith.constant 7 : i32
      %swap3A_239 = arith.index_cast %swap3A_238 : i32 to index
      %swap3A_240 = arith.index_cast %min3A_163 : i32 to index
      %swap3A_241 = tpu.vector_load %arg9[%swap3A_239, %swap3A_240] {strides = array<i32>} : memref<32x1000xf32, #tpu.memory_space<vmem>>, vector<16xf32>,
      tpu.vector_store %arg9[%swap3A_239, %swap3A_240], %gather3A_186 {strides = array<i32>} : memref<32x1000xf32, #tpu.memory_space<vmem>>, vector<16xf32>,
      %swap3A_242 = arith.constant 8 : i32
      %swap3A_243 = arith.index_cast %swap3A_242 : i32 to index
      %swap3A_244 = arith.index_cast %min3A_163 : i32 to index
      %swap3A_245 = tpu.vector_load %arg9[%swap3A_243, %swap3A_244] {strides = array<i32>} : memref<32x1000xf32, #tpu.memory_space<vmem>>, vector<16xf32>,
      tpu.vector_store %arg9[%swap3A_243, %swap3A_244], %gather3A_189 {strides = array<i32>} : memref<32x1000xf32, #tpu.memory_space<vmem>>, vector<16xf32>,
      %swap3A_246 = arith.constant 9 : i32
      %swap3A_247 = arith.index_cast %swap3A_246 : i32 to index
      %swap3A_248 = arith.index_cast %min3A_163 : i32 to index
      %swap3A_249 = tpu.vector_load %arg9[%swap3A_247, %swap3A_248] {strides = array<i32>} : memref<32x1000xf32, #tpu.memory_space<vmem>>, vector<16xf32>,
      tpu.vector_store %arg9[%swap3A_247, %swap3A_248], %gather3A_192 {strides = array<i32>} : memref<32x1000xf32, #tpu.memory_space<vmem>>, vector<16xf32>,
      %swap3A_250 = arith.constant 10 : i32
      %swap3A_251 = arith.index_cast %swap3A_250 : i32 to index
      %swap3A_252 = arith.index_cast %min3A_163 : i32 to index
      %swap3A_253 = tpu.vector_load %arg9[%swap3A_251, %swap3A_252] {strides = array<i32>} : memref<32x1000xf32, #tpu.memory_space<vmem>>, vector<16xf32>,
      tpu.vector_store %arg9[%swap3A_251, %swap3A_252], %gather3A_195 {strides = array<i32>} : memref<32x1000xf32, #tpu.memory_space<vmem>>, vector<16xf32>,
      %swap3A_254 = arith.constant 11 : i32
      %swap3A_255 = arith.index_cast %swap3A_254 : i32 to index
      %swap3A_256 = arith.index_cast %min3A_163 : i32 to index
      %swap3A_257 = tpu.vector_load %arg9[%swap3A_255, %swap3A_256] {strides = array<i32>} : memref<32x1000xf32, #tpu.memory_space<vmem>>, vector<16xf32>,
      tpu.vector_store %arg9[%swap3A_255, %swap3A_256], %gather3A_198 {strides = array<i32>} : memref<32x1000xf32, #tpu.memory_space<vmem>>, vector<16xf32>,
      %swap3A_258 = arith.constant 12 : i32
      %swap3A_259 = arith.index_cast %swap3A_258 : i32 to index
      %swap3A_260 = arith.index_cast %min3A_163 : i32 to index
      %swap3A_261 = tpu.vector_load %arg9[%swap3A_259, %swap3A_260] {strides = array<i32>} : memref<32x1000xf32, #tpu.memory_space<vmem>>, vector<16xf32>,
      tpu.vector_store %arg9[%swap3A_259, %swap3A_260], %gather3A_201 {strides = array<i32>} : memref<32x1000xf32, #tpu.memory_space<vmem>>, vector<16xf32>,
      %swap3A_262 = arith.constant 13 : i32
      %swap3A_263 = arith.index_cast %swap3A_262 : i32 to index
      %swap3A_264 = arith.index_cast %min3A_163 : i32 to index
      %swap3A_265 = tpu.vector_load %arg9[%swap3A_263, %swap3A_264] {strides = array<i32>} : memref<32x1000xf32, #tpu.memory_space<vmem>>, vector<16xf32>,
      tpu.vector_store %arg9[%swap3A_263, %swap3A_264], %gather3A_204 {strides = array<i32>} : memref<32x1000xf32, #tpu.memory_space<vmem>>, vector<16xf32>,
      %swap3A_266 = arith.constant 14 : i32
      %swap3A_267 = arith.index_cast %swap3A_266 : i32 to index
      %swap3A_268 = arith.index_cast %min3A_163 : i32 to index
      %swap3A_269 = tpu.vector_load %arg9[%swap3A_267, %swap3A_268] {strides = array<i32>} : memref<32x1000xf32, #tpu.memory_space<vmem>>, vector<16xf32>,
      tpu.vector_store %arg9[%swap3A_267, %swap3A_268], %gather3A_207 {strides = array<i32>} : memref<32x1000xf32, #tpu.memory_space<vmem>>, vector<16xf32>,
      %swap3A_270 = arith.constant 15 : i32
      %swap3A_271 = arith.index_cast %swap3A_270 : i32 to index
      %swap3A_272 = arith.index_cast %min3A_163 : i32 to index
      %swap3A_273 = tpu.vector_load %arg9[%swap3A_271, %swap3A_272] {strides = array<i32>} : memref<32x1000xf32, #tpu.memory_space<vmem>>, vector<16xf32>,
      tpu.vector_store %arg9[%swap3A_271, %swap3A_272], %gather3A_210 {strides = array<i32>} : memref<32x1000xf32, #tpu.memory_space<vmem>>, vector<16xf32>,
      %broadcast_in_dim3A_274 = arith.constant 16 : i32
      %broadcast_in_dim3A_275 = vector.broadcast %broadcast_in_dim3A_274 : i32 to vector<16xi32>
      %gather3A_276 = tpu.vector_load_idx %arg5[%broadcast_in_dim3A_275, %get3A_164] : memref<32x1000xf32, #tpu.memory_space<vmem>>[vector<16xi32>, vector<16xi32>], vector<16xf32>,
      %broadcast_in_dim3A_277 = arith.constant 17 : i32
      %broadcast_in_dim3A_278 = vector.broadcast %broadcast_in_dim3A_277 : i32 to vector<16xi32>
      %gather3A_279 = tpu.vector_load_idx %arg5[%broadcast_in_dim3A_278, %get3A_164] : memref<32x1000xf32, #tpu.memory_space<vmem>>[vector<16xi32>, vector<16xi32>], vector<16xf32>,
      %broadcast_in_dim3A_280 = arith.constant 18 : i32
      %broadcast_in_dim3A_281 = vector.broadcast %broadcast_in_dim3A_280 : i32 to vector<16xi32>
      %gather3A_282 = tpu.vector_load_idx %arg5[%broadcast_in_dim3A_281, %get3A_164] : memref<32x1000xf32, #tpu.memory_space<vmem>>[vector<16xi32>, vector<16xi32>], vector<16xf32>,
      %broadcast_in_dim3A_283 = arith.constant 19 : i32
      %broadcast_in_dim3A_284 = vector.broadcast %broadcast_in_dim3A_283 : i32 to vector<16xi32>
      %gather3A_285 = tpu.vector_load_idx %arg5[%broadcast_in_dim3A_284, %get3A_164] : memref<32x1000xf32, #tpu.memory_space<vmem>>[vector<16xi32>, vector<16xi32>], vector<16xf32>,
      %broadcast_in_dim3A_286 = arith.constant 20 : i32
      %broadcast_in_dim3A_287 = vector.broadcast %broadcast_in_dim3A_286 : i32 to vector<16xi32>
      %gather3A_288 = tpu.vector_load_idx %arg5[%broadcast_in_dim3A_287, %get3A_164] : memref<32x1000xf32, #tpu.memory_space<vmem>>[vector<16xi32>, vector<16xi32>], vector<16xf32>,
      %broadcast_in_dim3A_289 = arith.constant 21 : i32
      %broadcast_in_dim3A_290 = vector.broadcast %broadcast_in_dim3A_289 : i32 to vector<16xi32>
      %gather3A_291 = tpu.vector_load_idx %arg5[%broadcast_in_dim3A_290, %get3A_164] : memref<32x1000xf32, #tpu.memory_space<vmem>>[vector<16xi32>, vector<16xi32>], vector<16xf32>,
      %broadcast_in_dim3A_292 = arith.constant 22 : i32
      %broadcast_in_dim3A_293 = vector.broadcast %broadcast_in_dim3A_292 : i32 to vector<16xi32>
      %gather3A_294 = tpu.vector_load_idx %arg5[%broadcast_in_dim3A_293, %get3A_164] : memref<32x1000xf32, #tpu.memory_space<vmem>>[vector<16xi32>, vector<16xi32>], vector<16xf32>,
      %broadcast_in_dim3A_295 = arith.constant 23 : i32
      %broadcast_in_dim3A_296 = vector.broadcast %broadcast_in_dim3A_295 : i32 to vector<16xi32>
      %gather3A_297 = tpu.vector_load_idx %arg5[%broadcast_in_dim3A_296, %get3A_164] : memref<32x1000xf32, #tpu.memory_space<vmem>>[vector<16xi32>, vector<16xi32>], vector<16xf32>,
      %broadcast_in_dim3A_298 = arith.constant 24 : i32
      %broadcast_in_dim3A_299 = vector.broadcast %broadcast_in_dim3A_298 : i32 to vector<16xi32>
      %gather3A_300 = tpu.vector_load_idx %arg5[%broadcast_in_dim3A_299, %get3A_164] : memref<32x1000xf32, #tpu.memory_space<vmem>>[vector<16xi32>, vector<16xi32>], vector<16xf32>,
      %broadcast_in_dim3A_301 = arith.constant 25 : i32
      %broadcast_in_dim3A_302 = vector.broadcast %broadcast_in_dim3A_301 : i32 to vector<16xi32>
      %gather3A_303 = tpu.vector_load_idx %arg5[%broadcast_in_dim3A_302, %get3A_164] : memref<32x1000xf32, #tpu.memory_space<vmem>>[vector<16xi32>, vector<16xi32>], vector<16xf32>,
      %broadcast_in_dim3A_304 = arith.constant 26 : i32
      %broadcast_in_dim3A_305 = vector.broadcast %broadcast_in_dim3A_304 : i32 to vector<16xi32>
      %gather3A_306 = tpu.vector_load_idx %arg5[%broadcast_in_dim3A_305, %get3A_164] : memref<32x1000xf32, #tpu.memory_space<vmem>>[vector<16xi32>, vector<16xi32>], vector<16xf32>,
      %broadcast_in_dim3A_307 = arith.constant 27 : i32
      %broadcast_in_dim3A_308 = vector.broadcast %broadcast_in_dim3A_307 : i32 to vector<16xi32>
      %gather3A_309 = tpu.vector_load_idx %arg5[%broadcast_in_dim3A_308, %get3A_164] : memref<32x1000xf32, #tpu.memory_space<vmem>>[vector<16xi32>, vector<16xi32>], vector<16xf32>,
      %broadcast_in_dim3A_310 = arith.constant 28 : i32
      %broadcast_in_dim3A_311 = vector.broadcast %broadcast_in_dim3A_310 : i32 to vector<16xi32>
      %gather3A_312 = tpu.vector_load_idx %arg5[%broadcast_in_dim3A_311, %get3A_164] : memref<32x1000xf32, #tpu.memory_space<vmem>>[vector<16xi32>, vector<16xi32>], vector<16xf32>,
      %broadcast_in_dim3A_313 = arith.constant 29 : i32
      %broadcast_in_dim3A_314 = vector.broadcast %broadcast_in_dim3A_313 : i32 to vector<16xi32>
      %gather3A_315 = tpu.vector_load_idx %arg5[%broadcast_in_dim3A_314, %get3A_164] : memref<32x1000xf32, #tpu.memory_space<vmem>>[vector<16xi32>, vector<16xi32>], vector<16xf32>,
      %broadcast_in_dim3A_316 = arith.constant 30 : i32
      %broadcast_in_dim3A_317 = vector.broadcast %broadcast_in_dim3A_316 : i32 to vector<16xi32>
      %gather3A_318 = tpu.vector_load_idx %arg5[%broadcast_in_dim3A_317, %get3A_164] : memref<32x1000xf32, #tpu.memory_space<vmem>>[vector<16xi32>, vector<16xi32>], vector<16xf32>,
      %broadcast_in_dim3A_319 = arith.constant 31 : i32
      %broadcast_in_dim3A_320 = vector.broadcast %broadcast_in_dim3A_319 : i32 to vector<16xi32>
      %gather3A_321 = tpu.vector_load_idx %arg5[%broadcast_in_dim3A_320, %get3A_164] : memref<32x1000xf32, #tpu.memory_space<vmem>>[vector<16xi32>, vector<16xi32>], vector<16xf32>,
      %swap3A_322 = arith.constant 16 : i32
      %swap3A_323 = arith.index_cast %swap3A_322 : i32 to index
      %swap3A_324 = arith.index_cast %min3A_163 : i32 to index
      %swap3A_325 = tpu.vector_load %arg9[%swap3A_323, %swap3A_324] {strides = array<i32>} : memref<32x1000xf32, #tpu.memory_space<vmem>>, vector<16xf32>,
      tpu.vector_store %arg9[%swap3A_323, %swap3A_324], %gather3A_276 {strides = array<i32>} : memref<32x1000xf32, #tpu.memory_space<vmem>>, vector<16xf32>,
      %swap3A_326 = arith.constant 17 : i32
      %swap3A_327 = arith.index_cast %swap3A_326 : i32 to index
      %swap3A_328 = arith.index_cast %min3A_163 : i32 to index
      %swap3A_329 = tpu.vector_load %arg9[%swap3A_327, %swap3A_328] {strides = array<i32>} : memref<32x1000xf32, #tpu.memory_space<vmem>>, vector<16xf32>,
      tpu.vector_store %arg9[%swap3A_327, %swap3A_328], %gather3A_279 {strides = array<i32>} : memref<32x1000xf32, #tpu.memory_space<vmem>>, vector<16xf32>,
      %swap3A_330 = arith.constant 18 : i32
      %swap3A_331 = arith.index_cast %swap3A_330 : i32 to index
      %swap3A_332 = arith.index_cast %min3A_163 : i32 to index
      %swap3A_333 = tpu.vector_load %arg9[%swap3A_331, %swap3A_332] {strides = array<i32>} : memref<32x1000xf32, #tpu.memory_space<vmem>>, vector<16xf32>,
      tpu.vector_store %arg9[%swap3A_331, %swap3A_332], %gather3A_282 {strides = array<i32>} : memref<32x1000xf32, #tpu.memory_space<vmem>>, vector<16xf32>,
      %swap3A_334 = arith.constant 19 : i32
      %swap3A_335 = arith.index_cast %swap3A_334 : i32 to index
      %swap3A_336 = arith.index_cast %min3A_163 : i32 to index
      %swap3A_337 = tpu.vector_load %arg9[%swap3A_335, %swap3A_336] {strides = array<i32>} : memref<32x1000xf32, #tpu.memory_space<vmem>>, vector<16xf32>,
      tpu.vector_store %arg9[%swap3A_335, %swap3A_336], %gather3A_285 {strides = array<i32>} : memref<32x1000xf32, #tpu.memory_space<vmem>>, vector<16xf32>,
      %swap3A_338 = arith.constant 20 : i32
      %swap3A_339 = arith.index_cast %swap3A_338 : i32 to index
      %swap3A_340 = arith.index_cast %min3A_163 : i32 to index
      %swap3A_341 = tpu.vector_load %arg9[%swap3A_339, %swap3A_340] {strides = array<i32>} : memref<32x1000xf32, #tpu.memory_space<vmem>>, vector<16xf32>,
      tpu.vector_store %arg9[%swap3A_339, %swap3A_340], %gather3A_288 {strides = array<i32>} : memref<32x1000xf32, #tpu.memory_space<vmem>>, vector<16xf32>,
      %swap3A_342 = arith.constant 21 : i32
      %swap3A_343 = arith.index_cast %swap3A_342 : i32 to index
      %swap3A_344 = arith.index_cast %min3A_163 : i32 to index
      %swap3A_345 = tpu.vector_load %arg9[%swap3A_343, %swap3A_344] {strides = array<i32>} : memref<32x1000xf32, #tpu.memory_space<vmem>>, vector<16xf32>,
      tpu.vector_store %arg9[%swap3A_343, %swap3A_344], %gather3A_291 {strides = array<i32>} : memref<32x1000xf32, #tpu.memory_space<vmem>>, vector<16xf32>,
      %swap3A_346 = arith.constant 22 : i32
      %swap3A_347 = arith.index_cast %swap3A_346 : i32 to index
      %swap3A_348 = arith.index_cast %min3A_163 : i32 to index
      %swap3A_349 = tpu.vector_load %arg9[%swap3A_347, %swap3A_348] {strides = array<i32>} : memref<32x1000xf32, #tpu.memory_space<vmem>>, vector<16xf32>,
      tpu.vector_store %arg9[%swap3A_347, %swap3A_348], %gather3A_294 {strides = array<i32>} : memref<32x1000xf32, #tpu.memory_space<vmem>>, vector<16xf32>,
      %swap3A_350 = arith.constant 23 : i32
      %swap3A_351 = arith.index_cast %swap3A_350 : i32 to index
      %swap3A_352 = arith.index_cast %min3A_163 : i32 to index
      %swap3A_353 = tpu.vector_load %arg9[%swap3A_351, %swap3A_352] {strides = array<i32>} : memref<32x1000xf32, #tpu.memory_space<vmem>>, vector<16xf32>,
      tpu.vector_store %arg9[%swap3A_351, %swap3A_352], %gather3A_297 {strides = array<i32>} : memref<32x1000xf32, #tpu.memory_space<vmem>>, vector<16xf32>,
      %swap3A_354 = arith.constant 24 : i32
      %swap3A_355 = arith.index_cast %swap3A_354 : i32 to index
      %swap3A_356 = arith.index_cast %min3A_163 : i32 to index
      %swap3A_357 = tpu.vector_load %arg9[%swap3A_355, %swap3A_356] {strides = array<i32>} : memref<32x1000xf32, #tpu.memory_space<vmem>>, vector<16xf32>,
      tpu.vector_store %arg9[%swap3A_355, %swap3A_356], %gather3A_300 {strides = array<i32>} : memref<32x1000xf32, #tpu.memory_space<vmem>>, vector<16xf32>,
      %swap3A_358 = arith.constant 25 : i32
      %swap3A_359 = arith.index_cast %swap3A_358 : i32 to index
      %swap3A_360 = arith.index_cast %min3A_163 : i32 to index
      %swap3A_361 = tpu.vector_load %arg9[%swap3A_359, %swap3A_360] {strides = array<i32>} : memref<32x1000xf32, #tpu.memory_space<vmem>>, vector<16xf32>,
      tpu.vector_store %arg9[%swap3A_359, %swap3A_360], %gather3A_303 {strides = array<i32>} : memref<32x1000xf32, #tpu.memory_space<vmem>>, vector<16xf32>,
      %swap3A_362 = arith.constant 26 : i32
      %swap3A_363 = arith.index_cast %swap3A_362 : i32 to index
      %swap3A_364 = arith.index_cast %min3A_163 : i32 to index
      %swap3A_365 = tpu.vector_load %arg9[%swap3A_363, %swap3A_364] {strides = array<i32>} : memref<32x1000xf32, #tpu.memory_space<vmem>>, vector<16xf32>,
      tpu.vector_store %arg9[%swap3A_363, %swap3A_364], %gather3A_306 {strides = array<i32>} : memref<32x1000xf32, #tpu.memory_space<vmem>>, vector<16xf32>,
      %swap3A_366 = arith.constant 27 : i32
      %swap3A_367 = arith.index_cast %swap3A_366 : i32 to index
      %swap3A_368 = arith.index_cast %min3A_163 : i32 to index
      %swap3A_369 = tpu.vector_load %arg9[%swap3A_367, %swap3A_368] {strides = array<i32>} : memref<32x1000xf32, #tpu.memory_space<vmem>>, vector<16xf32>,
      tpu.vector_store %arg9[%swap3A_367, %swap3A_368], %gather3A_309 {strides = array<i32>} : memref<32x1000xf32, #tpu.memory_space<vmem>>, vector<16xf32>,
      %swap3A_370 = arith.constant 28 : i32
      %swap3A_371 = arith.index_cast %swap3A_370 : i32 to index
      %swap3A_372 = arith.index_cast %min3A_163 : i32 to index
      %swap3A_373 = tpu.vector_load %arg9[%swap3A_371, %swap3A_372] {strides = array<i32>} : memref<32x1000xf32, #tpu.memory_space<vmem>>, vector<16xf32>,
      tpu.vector_store %arg9[%swap3A_371, %swap3A_372], %gather3A_312 {strides = array<i32>} : memref<32x1000xf32, #tpu.memory_space<vmem>>, vector<16xf32>,
      %swap3A_374 = arith.constant 29 : i32
      %swap3A_375 = arith.index_cast %swap3A_374 : i32 to index
      %swap3A_376 = arith.index_cast %min3A_163 : i32 to index
      %swap3A_377 = tpu.vector_load %arg9[%swap3A_375, %swap3A_376] {strides = array<i32>} : memref<32x1000xf32, #tpu.memory_space<vmem>>, vector<16xf32>,
      tpu.vector_store %arg9[%swap3A_375, %swap3A_376], %gather3A_315 {strides = array<i32>} : memref<32x1000xf32, #tpu.memory_space<vmem>>, vector<16xf32>,
      %swap3A_378 = arith.constant 30 : i32
      %swap3A_379 = arith.index_cast %swap3A_378 : i32 to index
      %swap3A_380 = arith.index_cast %min3A_163 : i32 to index
      %swap3A_381 = tpu.vector_load %arg9[%swap3A_379, %swap3A_380] {strides = array<i32>} : memref<32x1000xf32, #tpu.memory_space<vmem>>, vector<16xf32>,
      tpu.vector_store %arg9[%swap3A_379, %swap3A_380], %gather3A_318 {strides = array<i32>} : memref<32x1000xf32, #tpu.memory_space<vmem>>, vector<16xf32>,
      %swap3A_382 = arith.constant 31 : i32
      %swap3A_383 = arith.index_cast %swap3A_382 : i32 to index
      %swap3A_384 = arith.index_cast %min3A_163 : i32 to index
      %swap3A_385 = tpu.vector_load %arg9[%swap3A_383, %swap3A_384] {strides = array<i32>} : memref<32x1000xf32, #tpu.memory_space<vmem>>, vector<16xf32>,
      tpu.vector_store %arg9[%swap3A_383, %swap3A_384], %gather3A_321 {strides = array<i32>} : memref<32x1000xf32, #tpu.memory_space<vmem>>, vector<16xf32>,
    }
    %scan3A_134 = arith.constant 63 : i32
    %dma_start3A_135 = arith.constant 31 : i32
    %dma_start3A_136 = arith.constant 0 : i32
    %dma_start3A_137 = tpu.memref_slice %arg4[%select_n3A, %dma_start3A_135, %mul3A_21, %dma_start3A_136] : memref<2x32x512x1000xf32, #tpu.memory_space<hbm>> -> memref<1x1x32x1000xf32, #tpu.memory_space<hbm>>
    %dma_start3A_138 = tpu.memref_squeeze %dma_start3A_137 : memref<1x1x32x1000xf32, #tpu.memory_space<hbm>> -> memref<32x1000xf32, #tpu.memory_space<hbm>>
    %dma_start3A_139 = arith.constant 0 : i32
    %dma_start3A_140 = tpu.memref_slice %arg4[%select_n3A, %dma_start3A_135, %mul3A_21, %dma_start3A_139] : memref<2x32x512x1000xf32, #tpu.memory_space<hbm>> -> memref<1x1x32x1000xf32, #tpu.memory_space<hbm>>
    %dma_start3A_141 = tpu.memref_squeeze %dma_start3A_140 : memref<1x1x32x1000xf32, #tpu.memory_space<hbm>> -> memref<32x1000xf32, #tpu.memory_space<hbm>>
    tpu.enqueue_dma source(%arg9 : memref<32x1000xf32, #tpu.memory_space<vmem>>) target(%dma_start3A_141 : memref<32x1000xf32, #tpu.memory_space<hbm>>) target_semaphore(%arg13 : memref<!tpu.dma_semaphore, #tpu.memory_space<semaphore_mem>>)
    %dma_wait3A_142 = arith.constant 30 : i32
    %dma_wait3A_143 = arith.constant 0 : i32
    %dma_wait3A_144 = tpu.memref_slice %arg4[%select_n3A, %dma_wait3A_142, %mul3A_21, %dma_wait3A_143] : memref<2x32x512x1000xf32, #tpu.memory_space<hbm>> -> memref<1x1x32x1000xf32, #tpu.memory_space<hbm>>
    %dma_wait3A_145 = tpu.memref_squeeze %dma_wait3A_144 : memref<1x1x32x1000xf32, #tpu.memory_space<hbm>> -> memref<32x1000xf32, #tpu.memory_space<hbm>>
    %dma_wait3A_146 = arith.constant 0 : i32
    %dma_wait3A_147 = tpu.memref_slice %arg4[%select_n3A, %dma_wait3A_142, %mul3A_21, %dma_wait3A_146] : memref<2x32x512x1000xf32, #tpu.memory_space<hbm>> -> memref<1x1x32x1000xf32, #tpu.memory_space<hbm>>
    %dma_wait3A_148 = tpu.memref_squeeze %dma_wait3A_147 : memref<1x1x32x1000xf32, #tpu.memory_space<hbm>> -> memref<32x1000xf32, #tpu.memory_space<hbm>>
    tpu.wait_dma2 semaphore(%arg12 : memref<!tpu.dma_semaphore, #tpu.memory_space<semaphore_mem>>) src(%arg8 : memref<32x1000xf32, #tpu.memory_space<vmem>>) dst(%dma_wait3A_148 : memref<32x1000xf32, #tpu.memory_space<hbm>>)
    %dma_wait3A_149 = arith.constant 31 : i32
    %dma_wait3A_150 = arith.constant 0 : i32
    %dma_wait3A_151 = tpu.memref_slice %arg4[%select_n3A, %dma_wait3A_149, %mul3A_21, %dma_wait3A_150] : memref<2x32x512x1000xf32, #tpu.memory_space<hbm>> -> memref<1x1x32x1000xf32, #tpu.memory_space<hbm>>
    %dma_wait3A_152 = tpu.memref_squeeze %dma_wait3A_151 : memref<1x1x32x1000xf32, #tpu.memory_space<hbm>> -> memref<32x1000xf32, #tpu.memory_space<hbm>>
    %dma_wait3A_153 = arith.constant 0 : i32
    %dma_wait3A_154 = tpu.memref_slice %arg4[%select_n3A, %dma_wait3A_149, %mul3A_21, %dma_wait3A_153] : memref<2x32x512x1000xf32, #tpu.memory_space<hbm>> -> memref<1x1x32x1000xf32, #tpu.memory_space<hbm>>
    %dma_wait3A_155 = tpu.memref_squeeze %dma_wait3A_154 : memref<1x1x32x1000xf32, #tpu.memory_space<hbm>> -> memref<32x1000xf32, #tpu.memory_space<hbm>>
    tpu.wait_dma2 semaphore(%arg13 : memref<!tpu.dma_semaphore, #tpu.memory_space<semaphore_mem>>) src(%arg9 : memref<32x1000xf32, #tpu.memory_space<vmem>>) dst(%dma_wait3A_155 : memref<32x1000xf32, #tpu.memory_space<hbm>>)
    return
  }
}

</mosaic_0001>

<sc_bundles>
// kernel: kernel.3.cloned.1.call-start
scs
__scs_entry_jumppad:
0x0: {  	(pc) =	sbr.rel $0x88, $3  }
0x1: {  	(tag) =	ssettag $0x0;
	lr =	simm.s32 $0x1  }
0x2: {  	[smem:$0x3F9F] =	sst lr;
	_ =	strace $0xD0000000  }
0x3: {  	_ = 	snop  }
0x4: {  	_ = 	snop  }
0x5: {  	_ = 	snop  }
0x6: {  	_ = 	snop  }
0x7: {  	_ = 	snop  }
__scs_overlays_trampoline_lowered:
0x8: {  	[smem:$0x3FAE] =	sst s0  }
0x9: {  	[smem:$0x3FAF] =	sst s1  }
0xa: {  	[smem:$0x3FB0] =	sst s2  }
0xb: {  	[smem:$0x3FB1] =	sst s3  }
0xc: {  	[smem:$0x3FB2] =	sst s4  }
0xd: {  	[smem:$0x3FB3] =	sst s5  }
0xe: {  	[smem:$0x3FB4] =	sst s6  }
0xf: {  	[smem:$0x3FB5] =	sst s7  }
0x10: {  	[smem:$0x3FB6] =	sst s8  }
0x11: {  	[smem:$0x3FB7] =	sst s9;
	s0 =	simm.s32 @!p0 $0x0  }
0x12: {  	s1 =	sld [smem:$0x3F9D];
	s0 =	simm.s32 @p0 $0x1  }
0x13: {  	[smem:$0x3FB8] =	sst s0;
	s0 =	simm.s32 @!p1 $0x0  }
0x14: {  	s2 =	sld [smem:$0x3F9C];
	s0 =	simm.s32 @p1 $0x1  }
0x15: {  	[smem:$0x3FB9] =	sst s0;
	s0 =	simm.s32 @!p2 $0x0  }
0x16: {  	s3 =	sld [smem:$0x3FDB];
	s0 =	simm.s32 @p2 $0x1  }
0x17: {  	s4 =	simm.s32 $0x1BF5;
	[smem:$0x3FBB] =	sst s0  }
0x18: {  	s0 =	sld [smem:$0x3F9E];
	_ =	swait.ge [sflag:s4], $0x0  }
0x19: {  	s7 =	sld [smem:$0x3F9F]  }
0x1a: {  	s8 =	sadd.s32 $0xFFFFE003, lr  }
0x1b: {  	s9 =	sadd.s32 $0xFFFFFEF7, lr;
	s5 =	simm.s32 $0xFFFFFFFF;
	p2 =	slt.u32 s8, $0xFFFFF086  }
0x1c: {  	p1 =	slt.u32 s9, $0xF7A;
	s5 =	simm.s32 @!p2 $0x0  }
0x1d: {  	s5 =	simm.s32 @p1 $0x1;
	p0 =	seq.s32 s7, s2  }
0x1e: {  	s7 =	smul.u32 @!p0 $0xF7A, s2;
	p2 =	seq.s32 @!p0 s5, $0x0  }
0x1f: {  	s9 =	smul.u32 $0xF7A, s1;
	s8 =	simm.s32 @!p0 $0x1BF5;
	p2 =	por !p2, p0  }
0x20: {  	[sflag:s8] =	ssyncset.s32 @!p0 $0xFFFFF086;
	s6 =	sadd.s32 @!p0 s3, s7;
	s7 =	simm.s32 @!p0 $0x108  }
0x21: {  	s3 =	sadd.s32 s3, s9;
	s6 =	sadd.s32 @!p0 $0x88, s6;
	s7 =	simm.s32 @p2 $0x1082  }
0x22: {  	[simem:s7], [sflag:s8] =	dma.local @!p0 [hbm:s6], $0xF7A  }
0x23: {  	s9 =	sor.u32 $0xD0000000, s2;
	s6 =	simm.s32 $0x108;
	_ =	swait.ge @!p0 [sflag:s8], $0x0  }
0x24: {  	s3 =	sadd.s32 $0x88, s3;
	s6 =	simm.s32 @!p1 $0x1082;
	[sflag:s4] =	ssyncset.s32 $0xFFFFF086  }
0x25: {  	[simem:s6], [sflag:s4] =	dma.local [hbm:s3], $0xF7A  }
0x26: {  	[smem:$0x3F9F] =	sst s1;
	(tag) =	ssettag s2;
	_ =	strace s9  }
0x27: {  	s1 =	sld [smem:$0x3FAF]  }
0x28: {  	s2 =	sld [smem:$0x3FB0]  }
0x29: {  	s4 =	sld [smem:$0x3FB2]  }
0x2a: {  	p0 =	seq.s32 s5, $0x0;
	s5 =	sld [smem:$0x3FB3]  }
0x2b: {  	s6 =	sld [smem:$0x3FB4]  }
0x2c: {  	s7 =	sld [smem:$0x3FB5]  }
0x2d: {  	s3 =	simm.s32 $0x108;
	s8 =	sld [smem:$0x3FB6]  }
0x2e: {  	s3 =	simm.s32 @!p0 $0x1082;
	s9 =	sld [smem:$0x3FB7]  }
0x2f: {  	lr =	sadd.s32 s0, s3;
	s0 =	sld [smem:$0x3FAE]  }
0x30: {  	s3 =	sld [smem:$0x3FB1]  }
0x31: {  	[smem:$0x3FBA] =	sst s10  }
0x32: {  	s10 =	sld [smem:$0x3FB8];
	_ =	sdelay $0x3  }
0x33: {  	p0 =	seq.s32 s10, $0x1;
	s10 =	sld [smem:$0x3FBA];
	_ =	sdelay $0x3  }
0x34: {  	[smem:$0x3FBA] =	sst s10  }
0x35: {  	s10 =	sld [smem:$0x3FB9];
	_ =	sdelay $0x3  }
0x36: {  	p1 =	seq.s32 s10, $0x1;
	s10 =	sld [smem:$0x3FBA];
	_ =	sdelay $0x3  }
0x37: {  	[smem:$0x3FBA] =	sst s10  }
0x38: {  	s10 =	sld [smem:$0x3FBB]  }
0x39: {  	_ = 	snop;
	(pc) =	sbr.ind lr, $3  }
0x3a: {  	_ = 	snop  }
0x3b: {  	_ = 	snop  }
0x3c: {  	p2 =	seq.s32 s10, $0x1;
	s10 =	sld [smem:$0x3FBA]  }
0x3d: {  	_ =	shalt  }
0x3e: {  	_ =	shalt  }
0x3f: {  	_ =	shalt  }
0x40: {  	_ =	shalt  }
0x41: {  	_ =	shalt  }
0x42: {  	_ =	shalt  }
0x43: {  	_ =	shalt  }
0x44: {  	_ =	shalt  }
0x45: {  	_ =	shalt  }
0x46: {  	_ =	shalt  }
0x47: {  	_ =	shalt  }
0x48: {  	_ =	shalt  }
0x49: {  	_ =	shalt  }
0x4a: {  	_ =	shalt  }
0x4b: {  	_ =	shalt  }
0x4c: {  	_ =	shalt  }
0x4d: {  	_ =	shalt  }
0x4e: {  	_ =	shalt  }
0x4f: {  	_ =	shalt  }
0x50: {  	_ =	shalt  }
0x51: {  	_ =	shalt  }
0x52: {  	_ =	shalt  }
0x53: {  	_ =	shalt  }
0x54: {  	_ =	shalt  }
0x55: {  	_ =	shalt  }
0x56: {  	_ =	shalt  }
0x57: {  	_ =	shalt  }
0x58: {  	_ =	shalt  }
0x59: {  	_ =	shalt  }
0x5a: {  	_ =	shalt  }
0x5b: {  	_ =	shalt  }
0x5c: {  	_ =	shalt  }
0x5d: {  	_ =	shalt  }
0x5e: {  	_ =	shalt  }
0x5f: {  	_ =	shalt  }
0x60: {  	_ =	shalt  }
0x61: {  	_ =	shalt  }
0x62: {  	_ =	shalt  }
0x63: {  	_ =	shalt  }
0x64: {  	_ =	shalt  }
0x65: {  	_ =	shalt  }
0x66: {  	_ =	shalt  }
0x67: {  	_ =	shalt  }
0x68: {  	_ =	shalt  }
0x69: {  	_ =	shalt  }
0x6a: {  	_ =	shalt  }
0x6b: {  	_ =	shalt  }
0x6c: {  	_ =	shalt  }
0x6d: {  	_ =	shalt  }
0x6e: {  	_ =	shalt  }
0x6f: {  	_ =	shalt  }
0x70: {  	_ =	shalt  }
0x71: {  	_ =	shalt  }
0x72: {  	_ =	shalt  }
0x73: {  	_ =	shalt  }
0x74: {  	_ =	shalt  }
0x75: {  	_ =	shalt  }
0x76: {  	_ =	shalt  }
0x77: {  	_ =	shalt  }
0x78: {  	_ =	shalt  }
0x79: {  	_ =	shalt  }
0x7a: {  	_ =	shalt  }
0x7b: {  	_ =	shalt  }
0x7c: {  	_ =	shalt  }
0x7d: {  	_ =	shalt  }
0x7e: {  	_ =	shalt  }
0x7f: {  	_ =	shalt  }
0x80: {  	_ =	shalt  }
0x81: {  	_ =	shalt  }
0x82: {  	_ =	shalt  }
0x83: {  	_ =	shalt  }
0x84: {  	_ =	shalt  }
0x85: {  	_ =	shalt  }
0x86: {  	_ =	shalt  }
0x87: {  	_ =	shalt  }
.Lfunc_end0:
.L_simem_size_0:
called_computation_lowered:
.L_overlay_start_0:
0x88: {  	s2 =	sld [smem:$0x3FD9]  }
0x89: {  	s3 =	sld [smem:$0x3FFE];
	_ =	sdelay $0x1  }
0x8a: {  	s1 =	srdreg.scid  }
0x8b: {  	s0 =	sand.u32 $0x1, s1  }
0x8c: {  	s17 =	sshll.u32 s0, $0xA;
	s2 =	sadd.s32 s3, s2  }
0x8d: {  	s2 =	sadd.s32 s2, s17  }
0x8e: {  	[smem:$0x3FC6] =	sst s2  }
0x8f: {  	_ = 	snop  }
0x90: {  	s2 =	sld [smem:$0x3FC9]  }
0x91: {  	s18 =	sld [smem:$0x3FD0];
	(tm) =	ssettm $0x1  }
0x92: {  	s4 =	sld [smem:$0x3FFB];
	_ =	sdelay $0x3  }
0x93: {  	_ =	strace s4  }
0x94: {  	s4 =	sld [smem:$0x3FFC];
	_ =	sdelay $0x3  }
0x95: {  	_ =	strace s4  }
0x96: {  	s4 =	sld [smem:$0x3FFD];
	_ =	sdelay $0x3  }
0x97: {  	_ =	strace s4  }
0x98: {  	_ =	strace $0x8FFFFFFF  }
0x99: {  	s19 =	sld [smem:$0x3FDB];
	_ =	sdelay $0x1  }
0x9a: {  	s5 =	simm.s32 $_scs_section_size  }
0x9b: {  	s6 =	simm.s32 $_size__tile_overlayer_lowered;
	s7 =	simm.s32 $_tile_overlayer_lowered  }
0x9c: {  	s22 =	simm.s32 $0x1BFF;
	s21 =	sshll.u32 s7, $0x1;
	s4 =	sadd.s32 s5, s19  }
0x9d: {  	s8 =	simm.s32 $0x0;
	s20 =	sshll.u32 s6, $0x1;
	s6 =	sadd.s32 s21, s4  }
0x9e: {  	[timem:s8], [sflag:s22] =	dma.local [hbm:s6], s20  }
0x9f: {  	_ =	swait.ge [sflag:s22], s20  }
0xa0: {  	s5 =	ssub.s32 $0x0, s20;
	[sflag:s22] =	ssyncset.done $0x0  }
0xa1: {  	[sflag:s22] =	ssyncadd.s32 s5;
	_ =	sdelay $0x1  }
0xa2: {  	s23 =	simm.s32 $0x1B8B  }
0xa3: {  	_ =	swait.ge [sflag:s23], $0x1  }
0xa4: {  	[sflag:s23] =	ssyncset.done $0x0  }
0xa5: {  	s25 =	simm.s32 $0x1B8E;
	s24 =	sld [smem:$0x3FFE];
	[sflag:s23] =	ssyncadd.s32 $0xFFFFFFFF  }
0xa6: {  	s26 =	simm.s32 $execute0_lowered;
	[smem:$0x3FD2] =	sst s25  }
0xa7: {  	s6 =	sshll.u32 s26, $0x1;
	_ =	strace $0x80000046;
	[dreg:$0x1] =	wrdreg $0xFFFFFFFF  }
0xa8: {  	s28 =	simm.s32 $_size_execute0_lowered;
	s4 =	sadd.s32 s4, s6;
	[dreg:$0x0] =	wrdreg $0x0  }
0xa9: {  	s6 =	sshll.u32 s28, $0x1;
	[dreg:$0x2] =	wrdreg s4  }
0xaa: {  	[dreg:$0x3] =	wrdreg s6  }
0xab: {  	[dreg:$0x4] =	wrdreg $0xC0  }
0xac: {  	_ =	task [dreg:s8], $0x5FFFF  }
0xad: {  	[dreg:$0x1] =	wrdreg $0xFFFFFFFF  }
0xae: {  	[dreg:$0x0] =	wrdreg $0x60  }
0xaf: {  	[dreg:$0x2] =	wrdreg s2  }
0xb0: {  	[dreg:$0x3] =	wrdreg s24  }
0xb1: {  	[dreg:$0x4] =	wrdreg s18  }
0xb2: {  	[dreg:$0x5] =	wrdreg $0x9  }
0xb3: {  	_ =	task.clear_ibuf [dreg:s8], $0x6FFFF;
	_ =	strace $0x90000046  }
0xb4: {  	s29 =	simm.s32 $0x9;
	_ =	strace $0x80000048  }
0xb5: {  	_ =	swait.ge [sflag:s29], $0x1  }
0xb6: {  	[sflag:s29] =	ssyncadd.s32 $0xFFFFFFFF  }
0xb7: {  	_ =	strace $0x90000048  }
0xb8: {  	_ =	sfence  }
0xb9: {  	s30 =	sld [smem:$0x0];
	_ =	sdelay $0x2  }
0xba: {  	s31 =	sshll.u32 s1, $0xD;
	s1 =	sshrl.u32 s1, $0x2  }
0xbb: {  	s3 =	sand.u32 $0x4000, s31;
	s1 =	sadd.s32 s1, s30  }
0xbc: {  	s0 =	sor.u32 s3, s0;
	s1 =	sshll.u32 s1, $0x11  }
0xbd: {  	s0 =	sor.u32 s1, s0  }
0xbe: {  	s0 =	sadd.s32 $0x8F2B, s0  }
0xbf: {  	[sflag:s0] =	ssyncadd.remote.s32 $0x1  }
0xc0: {  	_ =	sfence.sel $0xFFFF  }
0xc1: {  	[dreg:$0x0] =	wrdreg $0xFFFFFFFF;
	(pc) =	sbr.abs _section_cstart, $3  }
0xc2: {  	[dreg:$0x1] =	wrdreg $0xFFFFFFFF  }
0xc3: {  	_ =	task.clear_ibuf [dreg:s8], $0x2FFFF;
	_ =	strace $0x9FFFFFFF  }
0xc4: {  	(tm) =	ssettm $0x7FFFFFFF  }
0xc5: {  	_ =	shalt  }
tec
execute0_lowered:
.L_overlay_start_1:
0x0: {  	(tag) =	ssettag $0x1  }
0x1: {  	s0 =	rddreg [dreg:$0x0]  }
0x2: {  	s3 =	rddreg [dreg:$0x1]  }
0x3: {  	s1 =	rddreg [dreg:$0x2]  }
0x4: {  	s2 =	simm.s32 $0x0;
	s4 =	srdreg.scid;
	s8 =	stileid.u32  }
0x5: {  	s18 =	simm.s32 $0x5;
	s28 =	simm.s32 $0x3;
	s29 =	simm.s32 $0x4  }
0x6: {  	s30 =	simm.s32 $0x0;
	[smem:$0x7FF] =	sst s2;
	s5 =	sand.u32 $0x1, s4  }
0x7: {  	s4 =	sadd.s32 $0x400, s3;
	s7 =	sshrl.u32 s8, $0x3;
	s8 =	sshll.u32 s8, $0x10  }
0x8: {  	_ =	strace $0x80000047;
	s6 =	ssub.s32 $0x2, s5;
	s5 =	sshll.u32 s5, $0xF  }
0x9: {  	s20 =	sshll.u32 s7, $0x13;
	s21 =	sshll.u32 s7, $0x18;
	s22 =	sshll.u32 s7, $0xC  }
0xa: {  	s7 =	sshll.u32 s7, $0xF;
	s19 =	sshrl.u32 s6, $0x1;
	s5 =	sor.u32 s5, s8  }
0xb: {  	s8 =	sadd.s32 s4, s22;
	s22 =	simm.s32 $0x1;
	s3 =	ssub.s32 s6, s19  }
0xc: {  	s6 =	ssub.s32 s5, s20;
	s5 =	sshrl.u32 s5, $0x3;
	s24 =	sadd.s32 $0x10, s8  }
0xd: {  	s11 =	sadd.s32 $0x20, s8;
	s14 =	sadd.s32 $0xC70, s8;
	s19 =	simm.s32 $0x80  }
0xe: {  	s20 =	simm.s32 $0x400;
	s0 =	sadd.s32 s0, s5;
	s6 =	sadd.s32 s21, s6  }
0xf: {  	[dreg:$0x5] =	wrdreg s24;
	s17 =	smax.u32 s3, $0x1;
	s21 =	simm.s32 $0x8000  }
0x10: {  	s24 =	simm.s32 $0x8800;
	[dreg:$0x4] =	wrdreg s0;
	s23 =	sadd.s32 $0x80000, s6  }
0x11: {  	s25 =	sshrl.u32 s6, $0x3;
	s13 =	sadd.s32 $0x100000, s6;
	s26 =	sadd.s32 $0xF00000, s6  }
0x12: {  	s31 =	sadd.s32 $0xF80000, s6;
	s0 =	sshrl.u32 s23, $0x3;
	s5 =	sadd.s32 s1, s25  }
0x13: {  	s23 =	simm.s32 $0x8400;
	s25 =	simm.s32 $0x2;
	[dreg:$0x6] =	wrdreg s5  }
0x14: {  	s12 =	sadd.s32 s1, s0;
	s0 =	sshrl.u32 s26, $0x3;
	s5 =	sshrl.u32 s31, $0x3  }
0x15: {  	s26 =	simm.s32 $0x10800;
	s15 =	sadd.s32 s1, s0;
	s16 =	sadd.s32 s1, s5  }
.LBB2_1:
0x16: {  	s0 =	rddreg [dreg:$0x4]  }
0x17: {  	[tilespmem:s2], [sflag:$0x5] =	stream.linear.gather [hbm4b:s0+s2], $0x8000, $0x38;
	[tilespmem:$0x18800] =	vst v63  }
0x18: {  	_ =	swait.ge [sflag:s18], $0x8000  }
0x19: {  	[sflag:s18] =	ssyncset.done $0x0  }
0x1a: {  	[sflag:s18] =	ssyncadd.s32 $0xFFFF8000  }
0x1b: {  	[tilespmem:s21], [sflag:$0x1] =	stream.strided.gather [hbm4b:s8+s19], $0x400, s20, s19, $0x38;
	[tilespmem:$0x18800] =	vst v63  }
0x1c: {  	_ =	swait.ge [sflag:s22], $0x400  }
0x1d: {  	[sflag:s22] =	ssyncset.done $0x0  }
0x1e: {  	s0 =	simm.s32 $0x0;
	s31 =	rddreg [dreg:$0x5];
	[sflag:s22] =	ssyncadd.s32 $0xFFFFFC00  }
0x1f: {  	[tilespmem:s23], [sflag:$0x2] =	stream.strided.gather [hbm4b:s31+s19], $0x400, s20, s19, $0x38;
	[tilespmem:$0x18800] =	vst v63  }
.LBB2_2:
0x20: {  	s3 =	smin.u32 s0, $0x3D8  }
0x21: {  	v0 =	vld [tilespmem:s3+$0x8000];
	_ =	sdelay $0x4  }
0x22: {  	v1 =	vshll.u32 v0, $0x3  }
0x23: {  	v0 =	vand.u32 $0x7F, v0;
	v1 =	vand.u32 $0xFFFFFC00, v1  }
0x24: {  	v0 =	vor.u32 v0, v1  }
0x25: {  	v1 =	vor.u32 $0x80, v0  }
0x26: {  	v2 =	vor.u32 $0x100, v0  }
0x27: {  	v3 =	vor.u32 $0x180, v0  }
0x28: {  	v4 =	vor.u32 $0x200, v0  }
0x29: {  	v6 =	vor.u32 $0x280, v0;
	v5 =	vld.idx.msk [tilespmem:v0+s2+$0x0], $0xffff  }
0x2a: {  	v7 =	vor.u32 $0x300, v0;
	v1 =	vld.idx.msk [tilespmem:v1+s2+$0x0], $0xffff  }
0x2b: {  	v8 =	vor.u32 $0x380, v0;
	v2 =	vld.idx.msk [tilespmem:v2+s2+$0x0], $0xffff  }
0x2c: {  	v9 =	vadd.s32 $0x2000, v0;
	v3 =	vld.idx.msk [tilespmem:v3+s2+$0x0], $0xffff  }
0x2d: {  	v10 =	vadd.s32 $0x2080, v0;
	v4 =	vld.idx.msk [tilespmem:v4+s2+$0x0], $0xffff  }
0x2e: {  	v11 =	vadd.s32 $0x2100, v0;
	v6 =	vld.idx.msk [tilespmem:v6+s2+$0x0], $0xffff  }
0x2f: {  	v12 =	vadd.s32 $0x2180, v0;
	v7 =	vld.idx.msk [tilespmem:v7+s2+$0x0], $0xffff  }
0x30: {  	v13 =	vadd.s32 $0x2200, v0;
	v8 =	vld.idx.msk [tilespmem:v8+s2+$0x0], $0xffff  }
0x31: {  	v14 =	vadd.s32 $0x2280, v0;
	v9 =	vld.idx.msk [tilespmem:v9+s2+$0x0], $0xffff  }
0x32: {  	v15 =	vadd.s32 $0x2300, v0;
	v10 =	vld.idx.msk [tilespmem:v10+s2+$0x0], $0xffff  }
0x33: {  	v16 =	vadd.s32 $0x2380, v0;
	v11 =	vld.idx.msk [tilespmem:v11+s2+$0x0], $0xffff  }
0x34: {  	v12 =	vld.idx.msk [tilespmem:v12+s2+$0x0], $0xffff  }
0x35: {  	s5 =	sshll.u32 s3, $0x3;
	v13 =	vld.idx.msk [tilespmem:v13+s2+$0x0], $0xffff  }
0x36: {  	s3 =	sand.u32 $0x78, s3;
	s5 =	sand.u32 $0x1C00, s5;
	v14 =	vld.idx.msk [tilespmem:v14+s2+$0x0], $0xffff  }
0x37: {  	s3 =	sor.u32 s3, s5;
	v15 =	vld.idx.msk [tilespmem:v15+s2+$0x0], $0xffff  }
0x38: {  	v16 =	vld.idx.msk [tilespmem:v16+s2+$0x0], $0xffff;
	[tilespmem:s3+$0x8800] =	vst v5  }
0x39: {  	[tilespmem:s3+$0x8880] =	vst v1  }
0x3a: {  	[tilespmem:s3+$0x8900] =	vst v2  }
0x3b: {  	[tilespmem:s3+$0x8980] =	vst v3  }
0x3c: {  	[tilespmem:s3+$0x8A00] =	vst v4  }
0x3d: {  	[tilespmem:s3+$0x8A80] =	vst v6  }
0x3e: {  	[tilespmem:s3+$0x8B00] =	vst v7  }
0x3f: {  	[tilespmem:s3+$0x8B80] =	vst v8  }
0x40: {  	[tilespmem:s3+$0xA800] =	vst v9  }
0x41: {  	[tilespmem:s3+$0xA880] =	vst v10  }
0x42: {  	[tilespmem:s3+$0xA900] =	vst v11  }
0x43: {  	v49 =	vadd.s32 $0x4000, v0;
	[tilespmem:s3+$0xA980] =	vst v12  }
0x44: {  	v50 =	vadd.s32 $0x4080, v0;
	[tilespmem:s3+$0xAA00] =	vst v13  }
0x45: {  	v51 =	vadd.s32 $0x4100, v0;
	[tilespmem:s3+$0xAA80] =	vst v14  }
0x46: {  	v52 =	vadd.s32 $0x4180, v0;
	[tilespmem:s3+$0xAB00] =	vst v15  }
0x47: {  	v53 =	vadd.s32 $0x4200, v0;
	[tilespmem:s3+$0xAB80] =	vst v16  }
0x48: {  	v54 =	vadd.s32 $0x4280, v0;
	v1 =	vld.idx.msk [tilespmem:v49+s2+$0x0], $0xffff  }
0x49: {  	v55 =	vadd.s32 $0x4300, v0;
	v2 =	vld.idx.msk [tilespmem:v50+s2+$0x0], $0xffff  }
0x4a: {  	v56 =	vadd.s32 $0x4380, v0;
	v3 =	vld.idx.msk [tilespmem:v51+s2+$0x0], $0xffff  }
0x4b: {  	v57 =	vadd.s32 $0x6000, v0;
	v4 =	vld.idx.msk [tilespmem:v52+s2+$0x0], $0xffff  }
0x4c: {  	v58 =	vadd.s32 $0x6080, v0;
	v5 =	vld.idx.msk [tilespmem:v53+s2+$0x0], $0xffff  }
0x4d: {  	v59 =	vadd.s32 $0x6100, v0;
	v6 =	vld.idx.msk [tilespmem:v54+s2+$0x0], $0xffff  }
0x4e: {  	v60 =	vadd.s32 $0x6180, v0;
	v7 =	vld.idx.msk [tilespmem:v55+s2+$0x0], $0xffff  }
0x4f: {  	v61 =	vadd.s32 $0x6200, v0;
	v8 =	vld.idx.msk [tilespmem:v56+s2+$0x0], $0xffff  }
0x50: {  	v62 =	vadd.s32 $0x6280, v0;
	v9 =	vld.idx.msk [tilespmem:v57+s2+$0x0], $0xffff  }
0x51: {  	v63 =	vadd.s32 $0x6300, v0;
	v10 =	vld.idx.msk [tilespmem:v58+s2+$0x0], $0xffff  }
0x52: {  	v0 =	vadd.s32 $0x6380, v0;
	v11 =	vld.idx.msk [tilespmem:v59+s2+$0x0], $0xffff  }
0x53: {  	v12 =	vld.idx.msk [tilespmem:v60+s2+$0x0], $0xffff  }
0x54: {  	v13 =	vld.idx.msk [tilespmem:v61+s2+$0x0], $0xffff  }
0x55: {  	v14 =	vld.idx.msk [tilespmem:v62+s2+$0x0], $0xffff  }
0x56: {  	v15 =	vld.idx.msk [tilespmem:v63+s2+$0x0], $0xffff  }
0x57: {  	v0 =	vld.idx.msk [tilespmem:v0+s2+$0x0], $0xffff;
	[tilespmem:s3+$0xC800] =	vst v1  }
0x58: {  	[tilespmem:s3+$0xC880] =	vst v2  }
0x59: {  	[tilespmem:s3+$0xC900] =	vst v3  }
0x5a: {  	[tilespmem:s3+$0xC980] =	vst v4  }
0x5b: {  	[tilespmem:s3+$0xCA00] =	vst v5  }
0x5c: {  	[tilespmem:s3+$0xCA80] =	vst v6  }
0x5d: {  	[tilespmem:s3+$0xCB00] =	vst v7  }
0x5e: {  	[tilespmem:s3+$0xCB80] =	vst v8  }
0x5f: {  	[tilespmem:s3+$0xE800] =	vst v9  }
0x60: {  	[tilespmem:s3+$0xE880] =	vst v10  }
0x61: {  	p0 =	sne.s32 s0, $0x3E0;
	[tilespmem:s3+$0xE900] =	vst v11  }
.Ltmp0:
0x62: {  	[tilespmem:s3+$0xE980] =	vst v12;
	(pc) =	sbr.rel @p0 .LBB2_2-.Ltmp0, $4  }
0x63: {  	[tilespmem:s3+$0xEA00] =	vst v13  }
0x64: {  	[tilespmem:s3+$0xEA80] =	vst v14  }
0x65: {  	[tilespmem:s3+$0xEB00] =	vst v15  }
0x66: {  	s0 =	sadd.s32 $0x10, s0;
	[tilespmem:s3+$0xEB80] =	vst v0  }
0x67: {  	s0 =	simm.s32 $0x0;
	s3 =	rddreg [dreg:$0x6]  }
0x68: {  	[hbm4b:s3+s0] =	stream.linear.scatter [tilespmem:s24], [sflag:$0x3], $0x8000, $0x38;
	[tilespmem:$0x18800] =	vst v63  }
0x69: {  	_ =	swait.ge [sflag:s25], $0x400  }
0x6a: {  	[sflag:s25] =	ssyncset.done $0x0  }
0x6b: {  	[sflag:s25] =	ssyncadd.s32 $0xFFFFFC00  }
0x6c: {  	[tilespmem:s21], [sflag:$0x1] =	stream.strided.gather [hbm4b:s11+s19], $0x400, s20, s19, $0x38;
	[tilespmem:$0x18800] =	vst v63  }
.LBB2_4:
0x6d: {  	s3 =	smin.u32 s0, $0x3D8  }
0x6e: {  	v0 =	vld [tilespmem:s3+$0x8400];
	_ =	sdelay $0x4  }
0x6f: {  	v1 =	vshll.u32 v0, $0x3  }
0x70: {  	v0 =	vand.u32 $0x7F, v0;
	v1 =	vand.u32 $0xFFFFFC00, v1  }
0x71: {  	v0 =	vor.u32 v0, v1  }
0x72: {  	v1 =	vor.u32 $0x80, v0  }
0x73: {  	v2 =	vor.u32 $0x100, v0  }
0x74: {  	v3 =	vor.u32 $0x180, v0  }
0x75: {  	v4 =	vor.u32 $0x200, v0  }
0x76: {  	v6 =	vor.u32 $0x280, v0;
	v5 =	vld.idx.msk [tilespmem:v0+s2+$0x0], $0xffff  }
0x77: {  	v7 =	vor.u32 $0x300, v0;
	v1 =	vld.idx.msk [tilespmem:v1+s2+$0x0], $0xffff  }
0x78: {  	v8 =	vor.u32 $0x380, v0;
	v2 =	vld.idx.msk [tilespmem:v2+s2+$0x0], $0xffff  }
0x79: {  	v9 =	vadd.s32 $0x2000, v0;
	v3 =	vld.idx.msk [tilespmem:v3+s2+$0x0], $0xffff  }
0x7a: {  	v10 =	vadd.s32 $0x2080, v0;
	v4 =	vld.idx.msk [tilespmem:v4+s2+$0x0], $0xffff  }
0x7b: {  	v11 =	vadd.s32 $0x2100, v0;
	v6 =	vld.idx.msk [tilespmem:v6+s2+$0x0], $0xffff  }
0x7c: {  	v12 =	vadd.s32 $0x2180, v0;
	v7 =	vld.idx.msk [tilespmem:v7+s2+$0x0], $0xffff  }
0x7d: {  	v13 =	vadd.s32 $0x2200, v0;
	v8 =	vld.idx.msk [tilespmem:v8+s2+$0x0], $0xffff  }
0x7e: {  	v14 =	vadd.s32 $0x2280, v0;
	v9 =	vld.idx.msk [tilespmem:v9+s2+$0x0], $0xffff  }
0x7f: {  	v15 =	vadd.s32 $0x2300, v0;
	v10 =	vld.idx.msk [tilespmem:v10+s2+$0x0], $0xffff  }
0x80: {  	v16 =	vadd.s32 $0x2380, v0;
	v11 =	vld.idx.msk [tilespmem:v11+s2+$0x0], $0xffff  }
0x81: {  	v12 =	vld.idx.msk [tilespmem:v12+s2+$0x0], $0xffff  }
0x82: {  	s5 =	sshll.u32 s3, $0x3;
	v13 =	vld.idx.msk [tilespmem:v13+s2+$0x0], $0xffff  }
0x83: {  	s3 =	sand.u32 $0x78, s3;
	s5 =	sand.u32 $0x1C00, s5;
	v14 =	vld.idx.msk [tilespmem:v14+s2+$0x0], $0xffff  }
0x84: {  	s3 =	sor.u32 s3, s5;
	v15 =	vld.idx.msk [tilespmem:v15+s2+$0x0], $0xffff  }
0x85: {  	s5 =	sadd.s32 $0x10800, s3;
	v16 =	vld.idx.msk [tilespmem:v16+s2+$0x0], $0xffff;
	[tilespmem:s3+$0x10800] =	vst v5  }
0x86: {  	[tilespmem:s5+$0x80] =	vst v1  }
0x87: {  	[tilespmem:s5+$0x100] =	vst v2  }
0x88: {  	[tilespmem:s5+$0x180] =	vst v3  }
0x89: {  	[tilespmem:s5+$0x200] =	vst v4  }
0x8a: {  	[tilespmem:s5+$0x280] =	vst v6  }
0x8b: {  	[tilespmem:s5+$0x300] =	vst v7  }
0x8c: {  	[tilespmem:s5+$0x380] =	vst v8  }
0x8d: {  	[tilespmem:s3+$0x12800] =	vst v9  }
0x8e: {  	[tilespmem:s3+$0x12880] =	vst v10  }
0x8f: {  	[tilespmem:s3+$0x12900] =	vst v11  }
0x90: {  	v49 =	vadd.s32 $0x4000, v0;
	[tilespmem:s3+$0x12980] =	vst v12  }
0x91: {  	v50 =	vadd.s32 $0x4080, v0;
	[tilespmem:s3+$0x12A00] =	vst v13  }
0x92: {  	v51 =	vadd.s32 $0x4100, v0;
	[tilespmem:s3+$0x12A80] =	vst v14  }
0x93: {  	v52 =	vadd.s32 $0x4180, v0;
	[tilespmem:s3+$0x12B00] =	vst v15  }
0x94: {  	v53 =	vadd.s32 $0x4200, v0;
	[tilespmem:s3+$0x12B80] =	vst v16  }
0x95: {  	v54 =	vadd.s32 $0x4280, v0;
	v1 =	vld.idx.msk [tilespmem:v49+s2+$0x0], $0xffff  }
0x96: {  	v55 =	vadd.s32 $0x4300, v0;
	v2 =	vld.idx.msk [tilespmem:v50+s2+$0x0], $0xffff  }
0x97: {  	v56 =	vadd.s32 $0x4380, v0;
	v3 =	vld.idx.msk [tilespmem:v51+s2+$0x0], $0xffff  }
0x98: {  	v57 =	vadd.s32 $0x6000, v0;
	v4 =	vld.idx.msk [tilespmem:v52+s2+$0x0], $0xffff  }
0x99: {  	v58 =	vadd.s32 $0x6080, v0;
	v5 =	vld.idx.msk [tilespmem:v53+s2+$0x0], $0xffff  }
0x9a: {  	v59 =	vadd.s32 $0x6100, v0;
	v6 =	vld.idx.msk [tilespmem:v54+s2+$0x0], $0xffff  }
0x9b: {  	v60 =	vadd.s32 $0x6180, v0;
	v7 =	vld.idx.msk [tilespmem:v55+s2+$0x0], $0xffff  }
0x9c: {  	v61 =	vadd.s32 $0x6200, v0;
	v8 =	vld.idx.msk [tilespmem:v56+s2+$0x0], $0xffff  }
0x9d: {  	v62 =	vadd.s32 $0x6280, v0;
	v9 =	vld.idx.msk [tilespmem:v57+s2+$0x0], $0xffff  }
0x9e: {  	v63 =	vadd.s32 $0x6300, v0;
	v10 =	vld.idx.msk [tilespmem:v58+s2+$0x0], $0xffff  }
0x9f: {  	v0 =	vadd.s32 $0x6380, v0;
	v11 =	vld.idx.msk [tilespmem:v59+s2+$0x0], $0xffff  }
0xa0: {  	v12 =	vld.idx.msk [tilespmem:v60+s2+$0x0], $0xffff  }
0xa1: {  	v13 =	vld.idx.msk [tilespmem:v61+s2+$0x0], $0xffff  }
0xa2: {  	v14 =	vld.idx.msk [tilespmem:v62+s2+$0x0], $0xffff  }
0xa3: {  	v15 =	vld.idx.msk [tilespmem:v63+s2+$0x0], $0xffff  }
0xa4: {  	v0 =	vld.idx.msk [tilespmem:v0+s2+$0x0], $0xffff;
	[tilespmem:s3+$0x14800] =	vst v1  }
0xa5: {  	[tilespmem:s3+$0x14880] =	vst v2  }
0xa6: {  	[tilespmem:s3+$0x14900] =	vst v3  }
0xa7: {  	[tilespmem:s3+$0x14980] =	vst v4  }
0xa8: {  	[tilespmem:s3+$0x14A00] =	vst v5  }
0xa9: {  	[tilespmem:s3+$0x14A80] =	vst v6  }
0xaa: {  	[tilespmem:s3+$0x14B00] =	vst v7  }
0xab: {  	[tilespmem:s3+$0x14B80] =	vst v8  }
0xac: {  	[tilespmem:s3+$0x16800] =	vst v9  }
0xad: {  	[tilespmem:s3+$0x16880] =	vst v10  }
0xae: {  	p0 =	sne.s32 s0, $0x3E0;
	[tilespmem:s3+$0x16900] =	vst v11  }
.Ltmp1:
0xaf: {  	[tilespmem:s3+$0x16980] =	vst v12;
	(pc) =	sbr.rel @p0 .LBB2_4-.Ltmp1, $4  }
0xb0: {  	[tilespmem:s3+$0x16A00] =	vst v13  }
0xb1: {  	[tilespmem:s3+$0x16A80] =	vst v14  }
0xb2: {  	[tilespmem:s3+$0x16B00] =	vst v15  }
0xb3: {  	s0 =	sadd.s32 $0x10, s0;
	[tilespmem:s3+$0x16B80] =	vst v0  }
0xb4: {  	s31 =	simm.s32 $0x0  }
0xb5: {  	[hbm4b:s12+s31] =	stream.linear.scatter [tilespmem:s26], [sflag:$0x4], $0x8000, $0x38;
	[tilespmem:$0x18800] =	vst v63  }
.LBB2_6:
0xb6: {  	s3 =	sshll.u32 s31, $0x1  }
0xb7: {  	s0 =	sadd.s32 $0x3, s3  }
0xb8: {  	s5 =	sshll.u32 s0, $0xA  }
0xb9: {  	s9 =	sshll.u32 s0, $0x7;
	s5 =	sand.u32 $0xE000, s5  }
0xba: {  	s9 =	sand.u32 $0x380, s9;
	s5 =	sadd.s32 s7, s5  }
0xbb: {  	_ =	swait.ge [sflag:s22], $0x400;
	s5 =	sor.u32 s9, s5  }
0xbc: {  	[sflag:s22] =	ssyncset.done $0x0;
	s5 =	sshrl.u32 s5, $0x3  }
0xbd: {  	[sflag:s22] =	ssyncadd.s32 $0xFFFFFC00;
	s5 =	sadd.s32 s4, s5  }
0xbe: {  	[tilespmem:s23], [sflag:$0x2] =	stream.strided.gather [hbm4b:s5+s19], $0x400, s20, s19, $0x38;
	[tilespmem:$0x18800] =	vst v63  }
0xbf: {  	_ =	swait.ge [sflag:s28], $0x8000  }
0xc0: {  	[sflag:s28] =	ssyncset.done $0x0  }
0xc1: {  	s5 =	simm.s32 $0x0;
	[sflag:s28] =	ssyncadd.s32 $0xFFFF8000  }
.LBB2_7:
0xc2: {  	s9 =	smin.u32 s5, $0x3D8  }
0xc3: {  	v0 =	vld [tilespmem:s9+$0x8000];
	_ =	sdelay $0x4  }
0xc4: {  	v1 =	vshll.u32 v0, $0x3  }
0xc5: {  	v0 =	vand.u32 $0x7F, v0;
	v1 =	vand.u32 $0xFFFFFC00, v1  }
0xc6: {  	v0 =	vor.u32 v0, v1  }
0xc7: {  	v1 =	vor.u32 $0x80, v0  }
0xc8: {  	v2 =	vor.u32 $0x100, v0  }
0xc9: {  	v3 =	vor.u32 $0x180, v0  }
0xca: {  	v4 =	vor.u32 $0x200, v0  }
0xcb: {  	v6 =	vor.u32 $0x280, v0;
	v5 =	vld.idx.msk [tilespmem:v0+s2+$0x0], $0xffff  }
0xcc: {  	v7 =	vor.u32 $0x300, v0;
	v1 =	vld.idx.msk [tilespmem:v1+s2+$0x0], $0xffff  }
0xcd: {  	v8 =	vor.u32 $0x380, v0;
	v2 =	vld.idx.msk [tilespmem:v2+s2+$0x0], $0xffff  }
0xce: {  	v9 =	vadd.s32 $0x2000, v0;
	v3 =	vld.idx.msk [tilespmem:v3+s2+$0x0], $0xffff  }
0xcf: {  	v10 =	vadd.s32 $0x2080, v0;
	v4 =	vld.idx.msk [tilespmem:v4+s2+$0x0], $0xffff  }
0xd0: {  	v11 =	vadd.s32 $0x2100, v0;
	v6 =	vld.idx.msk [tilespmem:v6+s2+$0x0], $0xffff  }
0xd1: {  	v12 =	vadd.s32 $0x2180, v0;
	v7 =	vld.idx.msk [tilespmem:v7+s2+$0x0], $0xffff  }
0xd2: {  	v13 =	vadd.s32 $0x2200, v0;
	v8 =	vld.idx.msk [tilespmem:v8+s2+$0x0], $0xffff  }
0xd3: {  	v14 =	vadd.s32 $0x2280, v0;
	v9 =	vld.idx.msk [tilespmem:v9+s2+$0x0], $0xffff  }
0xd4: {  	v15 =	vadd.s32 $0x2300, v0;
	v10 =	vld.idx.msk [tilespmem:v10+s2+$0x0], $0xffff  }
0xd5: {  	v16 =	vadd.s32 $0x2380, v0;
	v11 =	vld.idx.msk [tilespmem:v11+s2+$0x0], $0xffff  }
0xd6: {  	v12 =	vld.idx.msk [tilespmem:v12+s2+$0x0], $0xffff  }
0xd7: {  	s10 =	sshll.u32 s9, $0x3;
	v13 =	vld.idx.msk [tilespmem:v13+s2+$0x0], $0xffff  }
0xd8: {  	s9 =	sand.u32 $0x78, s9;
	s10 =	sand.u32 $0x1C00, s10;
	v14 =	vld.idx.msk [tilespmem:v14+s2+$0x0], $0xffff  }
0xd9: {  	s9 =	sor.u32 s9, s10;
	v15 =	vld.idx.msk [tilespmem:v15+s2+$0x0], $0xffff  }
0xda: {  	v16 =	vld.idx.msk [tilespmem:v16+s2+$0x0], $0xffff;
	[tilespmem:s9+$0x8800] =	vst v5  }
0xdb: {  	[tilespmem:s9+$0x8880] =	vst v1  }
0xdc: {  	[tilespmem:s9+$0x8900] =	vst v2  }
0xdd: {  	[tilespmem:s9+$0x8980] =	vst v3  }
0xde: {  	[tilespmem:s9+$0x8A00] =	vst v4  }
0xdf: {  	[tilespmem:s9+$0x8A80] =	vst v6  }
0xe0: {  	[tilespmem:s9+$0x8B00] =	vst v7  }
0xe1: {  	[tilespmem:s9+$0x8B80] =	vst v8  }
0xe2: {  	[tilespmem:s9+$0xA800] =	vst v9  }
0xe3: {  	[tilespmem:s9+$0xA880] =	vst v10  }
0xe4: {  	[tilespmem:s9+$0xA900] =	vst v11  }
0xe5: {  	v49 =	vadd.s32 $0x4000, v0;
	[tilespmem:s9+$0xA980] =	vst v12  }
0xe6: {  	v50 =	vadd.s32 $0x4080, v0;
	[tilespmem:s9+$0xAA00] =	vst v13  }
0xe7: {  	v51 =	vadd.s32 $0x4100, v0;
	[tilespmem:s9+$0xAA80] =	vst v14  }
0xe8: {  	v52 =	vadd.s32 $0x4180, v0;
	[tilespmem:s9+$0xAB00] =	vst v15  }
0xe9: {  	v53 =	vadd.s32 $0x4200, v0;
	[tilespmem:s9+$0xAB80] =	vst v16  }
0xea: {  	v54 =	vadd.s32 $0x4280, v0;
	v1 =	vld.idx.msk [tilespmem:v49+s2+$0x0], $0xffff  }
0xeb: {  	v55 =	vadd.s32 $0x4300, v0;
	v2 =	vld.idx.msk [tilespmem:v50+s2+$0x0], $0xffff  }
0xec: {  	v56 =	vadd.s32 $0x4380, v0;
	v3 =	vld.idx.msk [tilespmem:v51+s2+$0x0], $0xffff  }
0xed: {  	v57 =	vadd.s32 $0x6000, v0;
	v4 =	vld.idx.msk [tilespmem:v52+s2+$0x0], $0xffff  }
0xee: {  	v58 =	vadd.s32 $0x6080, v0;
	v5 =	vld.idx.msk [tilespmem:v53+s2+$0x0], $0xffff  }
0xef: {  	v59 =	vadd.s32 $0x6100, v0;
	v6 =	vld.idx.msk [tilespmem:v54+s2+$0x0], $0xffff  }
0xf0: {  	v60 =	vadd.s32 $0x6180, v0;
	v7 =	vld.idx.msk [tilespmem:v55+s2+$0x0], $0xffff  }
0xf1: {  	v61 =	vadd.s32 $0x6200, v0;
	v8 =	vld.idx.msk [tilespmem:v56+s2+$0x0], $0xffff  }
0xf2: {  	v62 =	vadd.s32 $0x6280, v0;
	v9 =	vld.idx.msk [tilespmem:v57+s2+$0x0], $0xffff  }
0xf3: {  	v63 =	vadd.s32 $0x6300, v0;
	v10 =	vld.idx.msk [tilespmem:v58+s2+$0x0], $0xffff  }
0xf4: {  	v0 =	vadd.s32 $0x6380, v0;
	v11 =	vld.idx.msk [tilespmem:v59+s2+$0x0], $0xffff  }
0xf5: {  	v12 =	vld.idx.msk [tilespmem:v60+s2+$0x0], $0xffff  }
0xf6: {  	v13 =	vld.idx.msk [tilespmem:v61+s2+$0x0], $0xffff  }
0xf7: {  	v14 =	vld.idx.msk [tilespmem:v62+s2+$0x0], $0xffff  }
0xf8: {  	v15 =	vld.idx.msk [tilespmem:v63+s2+$0x0], $0xffff  }
0xf9: {  	v0 =	vld.idx.msk [tilespmem:v0+s2+$0x0], $0xffff;
	[tilespmem:s9+$0xC800] =	vst v1  }
0xfa: {  	[tilespmem:s9+$0xC880] =	vst v2  }
0xfb: {  	[tilespmem:s9+$0xC900] =	vst v3  }
0xfc: {  	[tilespmem:s9+$0xC980] =	vst v4  }
0xfd: {  	[tilespmem:s9+$0xCA00] =	vst v5  }
0xfe: {  	[tilespmem:s9+$0xCA80] =	vst v6  }
0xff: {  	[tilespmem:s9+$0xCB00] =	vst v7  }
0x100: {  	[tilespmem:s9+$0xCB80] =	vst v8  }
0x101: {  	[tilespmem:s9+$0xE800] =	vst v9  }
0x102: {  	[tilespmem:s9+$0xE880] =	vst v10  }
0x103: {  	p0 =	sne.s32 s5, $0x3E0;
	[tilespmem:s9+$0xE900] =	vst v11  }
.Ltmp2:
0x104: {  	[tilespmem:s9+$0xE980] =	vst v12;
	(pc) =	sbr.rel @p0 .LBB2_7-.Ltmp2, $4  }
0x105: {  	[tilespmem:s9+$0xEA00] =	vst v13  }
0x106: {  	[tilespmem:s9+$0xEA80] =	vst v14  }
0x107: {  	[tilespmem:s9+$0xEB00] =	vst v15  }
0x108: {  	s5 =	sadd.s32 $0x10, s5;
	[tilespmem:s9+$0xEB80] =	vst v0  }
0x109: {  	s5 =	sshll.u32 s31, $0x14  }
0x10a: {  	s5 =	sadd.s32 s5, s13  }
0x10b: {  	s3 =	sadd.s32 $0x4, s3;
	s5 =	sshrl.u32 s5, $0x3  }
0x10c: {  	s10 =	sshll.u32 s3, $0xA;
	s9 =	sadd.s32 s1, s5;
	s5 =	simm.s32 $0x0  }
0x10d: {  	[hbm4b:s9+s5] =	stream.linear.scatter [tilespmem:s24], [sflag:$0x3], $0x8000, $0x38;
	[tilespmem:$0x18800] =	vst v63  }
0x10e: {  	s3 =	sshll.u32 s3, $0x7;
	s9 =	sand.u32 $0xE000, s10  }
0x10f: {  	s3 =	sand.u32 $0x300, s3;
	s9 =	sadd.s32 s7, s9  }
0x110: {  	_ =	swait.ge [sflag:s25], $0x400;
	s3 =	sor.u32 s3, s9  }
0x111: {  	[sflag:s25] =	ssyncset.done $0x0;
	s3 =	sshrl.u32 s3, $0x3  }
0x112: {  	[sflag:s25] =	ssyncadd.s32 $0xFFFFFC00;
	s3 =	sadd.s32 s4, s3  }
0x113: {  	[tilespmem:s21], [sflag:$0x1] =	stream.strided.gather [hbm4b:s3+s19], $0x400, s20, s19, $0x38;
	[tilespmem:$0x18800] =	vst v63  }
0x114: {  	_ =	swait.ge [sflag:s29], $0x8000  }
0x115: {  	[sflag:s29] =	ssyncset.done $0x0  }
0x116: {  	[sflag:s29] =	ssyncadd.s32 $0xFFFF8000  }
.LBB2_9:
0x117: {  	s3 =	smin.u32 s5, $0x3D8  }
0x118: {  	v0 =	vld [tilespmem:s3+$0x8400];
	_ =	sdelay $0x4  }
0x119: {  	v1 =	vshll.u32 v0, $0x3  }
0x11a: {  	v0 =	vand.u32 $0x7F, v0;
	v1 =	vand.u32 $0xFFFFFC00, v1  }
0x11b: {  	v0 =	vor.u32 v0, v1  }
0x11c: {  	v1 =	vor.u32 $0x80, v0  }
0x11d: {  	v2 =	vor.u32 $0x100, v0  }
0x11e: {  	v3 =	vor.u32 $0x180, v0  }
0x11f: {  	v4 =	vor.u32 $0x200, v0  }
0x120: {  	v6 =	vor.u32 $0x280, v0;
	v5 =	vld.idx.msk [tilespmem:v0+s2+$0x0], $0xffff  }
0x121: {  	v7 =	vor.u32 $0x300, v0;
	v1 =	vld.idx.msk [tilespmem:v1+s2+$0x0], $0xffff  }
0x122: {  	v8 =	vor.u32 $0x380, v0;
	v2 =	vld.idx.msk [tilespmem:v2+s2+$0x0], $0xffff  }
0x123: {  	v9 =	vadd.s32 $0x2000, v0;
	v3 =	vld.idx.msk [tilespmem:v3+s2+$0x0], $0xffff  }
0x124: {  	v10 =	vadd.s32 $0x2080, v0;
	v4 =	vld.idx.msk [tilespmem:v4+s2+$0x0], $0xffff  }
0x125: {  	v11 =	vadd.s32 $0x2100, v0;
	v6 =	vld.idx.msk [tilespmem:v6+s2+$0x0], $0xffff  }
0x126: {  	v12 =	vadd.s32 $0x2180, v0;
	v7 =	vld.idx.msk [tilespmem:v7+s2+$0x0], $0xffff  }
0x127: {  	v13 =	vadd.s32 $0x2200, v0;
	v8 =	vld.idx.msk [tilespmem:v8+s2+$0x0], $0xffff  }
0x128: {  	v14 =	vadd.s32 $0x2280, v0;
	v9 =	vld.idx.msk [tilespmem:v9+s2+$0x0], $0xffff  }
0x129: {  	v15 =	vadd.s32 $0x2300, v0;
	v10 =	vld.idx.msk [tilespmem:v10+s2+$0x0], $0xffff  }
0x12a: {  	v16 =	vadd.s32 $0x2380, v0;
	v11 =	vld.idx.msk [tilespmem:v11+s2+$0x0], $0xffff  }
0x12b: {  	v12 =	vld.idx.msk [tilespmem:v12+s2+$0x0], $0xffff  }
0x12c: {  	s9 =	sshll.u32 s3, $0x3;
	v13 =	vld.idx.msk [tilespmem:v13+s2+$0x0], $0xffff  }
0x12d: {  	s3 =	sand.u32 $0x78, s3;
	s9 =	sand.u32 $0x1C00, s9;
	v14 =	vld.idx.msk [tilespmem:v14+s2+$0x0], $0xffff  }
0x12e: {  	s3 =	sor.u32 s3, s9;
	v15 =	vld.idx.msk [tilespmem:v15+s2+$0x0], $0xffff  }
0x12f: {  	s9 =	sadd.s32 $0x10800, s3;
	v16 =	vld.idx.msk [tilespmem:v16+s2+$0x0], $0xffff;
	[tilespmem:s3+$0x10800] =	vst v5  }
0x130: {  	[tilespmem:s9+$0x80] =	vst v1  }
0x131: {  	[tilespmem:s9+$0x100] =	vst v2  }
0x132: {  	[tilespmem:s9+$0x180] =	vst v3  }
0x133: {  	[tilespmem:s9+$0x200] =	vst v4  }
0x134: {  	[tilespmem:s9+$0x280] =	vst v6  }
0x135: {  	[tilespmem:s9+$0x300] =	vst v7  }
0x136: {  	[tilespmem:s9+$0x380] =	vst v8  }
0x137: {  	[tilespmem:s3+$0x12800] =	vst v9  }
0x138: {  	[tilespmem:s3+$0x12880] =	vst v10  }
0x139: {  	[tilespmem:s3+$0x12900] =	vst v11  }
0x13a: {  	v49 =	vadd.s32 $0x4000, v0;
	[tilespmem:s3+$0x12980] =	vst v12  }
0x13b: {  	v50 =	vadd.s32 $0x4080, v0;
	[tilespmem:s3+$0x12A00] =	vst v13  }
0x13c: {  	v51 =	vadd.s32 $0x4100, v0;
	[tilespmem:s3+$0x12A80] =	vst v14  }
0x13d: {  	v52 =	vadd.s32 $0x4180, v0;
	[tilespmem:s3+$0x12B00] =	vst v15  }
0x13e: {  	v53 =	vadd.s32 $0x4200, v0;
	[tilespmem:s3+$0x12B80] =	vst v16  }
0x13f: {  	v54 =	vadd.s32 $0x4280, v0;
	v1 =	vld.idx.msk [tilespmem:v49+s2+$0x0], $0xffff  }
0x140: {  	v55 =	vadd.s32 $0x4300, v0;
	v2 =	vld.idx.msk [tilespmem:v50+s2+$0x0], $0xffff  }
0x141: {  	v56 =	vadd.s32 $0x4380, v0;
	v3 =	vld.idx.msk [tilespmem:v51+s2+$0x0], $0xffff  }
0x142: {  	v57 =	vadd.s32 $0x6000, v0;
	v4 =	vld.idx.msk [tilespmem:v52+s2+$0x0], $0xffff  }
0x143: {  	v58 =	vadd.s32 $0x6080, v0;
	v5 =	vld.idx.msk [tilespmem:v53+s2+$0x0], $0xffff  }
0x144: {  	v59 =	vadd.s32 $0x6100, v0;
	v6 =	vld.idx.msk [tilespmem:v54+s2+$0x0], $0xffff  }
0x145: {  	v60 =	vadd.s32 $0x6180, v0;
	v7 =	vld.idx.msk [tilespmem:v55+s2+$0x0], $0xffff  }
0x146: {  	v61 =	vadd.s32 $0x6200, v0;
	v8 =	vld.idx.msk [tilespmem:v56+s2+$0x0], $0xffff  }
0x147: {  	v62 =	vadd.s32 $0x6280, v0;
	v9 =	vld.idx.msk [tilespmem:v57+s2+$0x0], $0xffff  }
0x148: {  	v63 =	vadd.s32 $0x6300, v0;
	v10 =	vld.idx.msk [tilespmem:v58+s2+$0x0], $0xffff  }
0x149: {  	v0 =	vadd.s32 $0x6380, v0;
	v11 =	vld.idx.msk [tilespmem:v59+s2+$0x0], $0xffff  }
0x14a: {  	v12 =	vld.idx.msk [tilespmem:v60+s2+$0x0], $0xffff  }
0x14b: {  	v13 =	vld.idx.msk [tilespmem:v61+s2+$0x0], $0xffff  }
0x14c: {  	v14 =	vld.idx.msk [tilespmem:v62+s2+$0x0], $0xffff  }
0x14d: {  	v15 =	vld.idx.msk [tilespmem:v63+s2+$0x0], $0xffff  }
0x14e: {  	v0 =	vld.idx.msk [tilespmem:v0+s2+$0x0], $0xffff;
	[tilespmem:s3+$0x14800] =	vst v1  }
0x14f: {  	[tilespmem:s3+$0x14880] =	vst v2  }
0x150: {  	[tilespmem:s3+$0x14900] =	vst v3  }
0x151: {  	[tilespmem:s3+$0x14980] =	vst v4  }
0x152: {  	[tilespmem:s3+$0x14A00] =	vst v5  }
0x153: {  	[tilespmem:s3+$0x14A80] =	vst v6  }
0x154: {  	[tilespmem:s3+$0x14B00] =	vst v7  }
0x155: {  	[tilespmem:s3+$0x14B80] =	vst v8  }
0x156: {  	[tilespmem:s3+$0x16800] =	vst v9  }
0x157: {  	[tilespmem:s3+$0x16880] =	vst v10  }
0x158: {  	p0 =	sne.s32 s5, $0x3E0;
	[tilespmem:s3+$0x16900] =	vst v11  }
.Ltmp3:
0x159: {  	[tilespmem:s3+$0x16980] =	vst v12;
	(pc) =	sbr.rel @p0 .LBB2_9-.Ltmp3, $4  }
0x15a: {  	[tilespmem:s3+$0x16A00] =	vst v13  }
0x15b: {  	[tilespmem:s3+$0x16A80] =	vst v14  }
0x15c: {  	[tilespmem:s3+$0x16B00] =	vst v15  }
0x15d: {  	s5 =	sadd.s32 $0x10, s5;
	[tilespmem:s3+$0x16B80] =	vst v0  }
0x15e: {  	s31 =	sadd.s32 $0x1, s31  }
0x15f: {  	p0 =	sne.s32 s31, $0xE  }
.Ltmp4:
0x160: {  	s0 =	sshll.u32 s0, $0x13;
	(pc) =	sbr.rel @p0 .LBB2_6-.Ltmp4, $4  }
0x161: {  	s0 =	sadd.s32 s0, s6  }
0x162: {  	s0 =	sshrl.u32 s0, $0x3  }
0x163: {  	s0 =	sadd.s32 s1, s0  }
0x164: {  	[hbm4b:s0+s2] =	stream.linear.scatter [tilespmem:s26], [sflag:$0x4], $0x8000, $0x38;
	[tilespmem:$0x18800] =	vst v63  }
0x165: {  	_ =	swait.ge [sflag:s22], $0x400  }
0x166: {  	[sflag:s22] =	ssyncset.done $0x0  }
0x167: {  	[sflag:s22] =	ssyncadd.s32 $0xFFFFFC00  }
0x168: {  	[tilespmem:s23], [sflag:$0x2] =	stream.strided.gather [hbm4b:s14+s19], $0x400, s20, s19, $0x38;
	[tilespmem:$0x18800] =	vst v63  }
0x169: {  	_ =	swait.ge [sflag:s28], $0x8000  }
0x16a: {  	[sflag:s28] =	ssyncset.done $0x0  }
0x16b: {  	s0 =	simm.s32 $0x0;
	[sflag:s28] =	ssyncadd.s32 $0xFFFF8000  }
.LBB2_12:
0x16c: {  	s3 =	smin.u32 s0, $0x3D8  }
0x16d: {  	v0 =	vld [tilespmem:s3+$0x8000];
	_ =	sdelay $0x4  }
0x16e: {  	v1 =	vshll.u32 v0, $0x3  }
0x16f: {  	v0 =	vand.u32 $0x7F, v0;
	v1 =	vand.u32 $0xFFFFFC00, v1  }
0x170: {  	v0 =	vor.u32 v0, v1  }
0x171: {  	v1 =	vor.u32 $0x80, v0  }
0x172: {  	v2 =	vor.u32 $0x100, v0  }
0x173: {  	v3 =	vor.u32 $0x180, v0  }
0x174: {  	v4 =	vor.u32 $0x200, v0  }
0x175: {  	v6 =	vor.u32 $0x280, v0;
	v5 =	vld.idx.msk [tilespmem:v0+s2+$0x0], $0xffff  }
0x176: {  	v7 =	vor.u32 $0x300, v0;
	v1 =	vld.idx.msk [tilespmem:v1+s2+$0x0], $0xffff  }
0x177: {  	v8 =	vor.u32 $0x380, v0;
	v2 =	vld.idx.msk [tilespmem:v2+s2+$0x0], $0xffff  }
0x178: {  	v9 =	vadd.s32 $0x2000, v0;
	v3 =	vld.idx.msk [tilespmem:v3+s2+$0x0], $0xffff  }
0x179: {  	v10 =	vadd.s32 $0x2080, v0;
	v4 =	vld.idx.msk [tilespmem:v4+s2+$0x0], $0xffff  }
0x17a: {  	v11 =	vadd.s32 $0x2100, v0;
	v6 =	vld.idx.msk [tilespmem:v6+s2+$0x0], $0xffff  }
0x17b: {  	v12 =	vadd.s32 $0x2180, v0;
	v7 =	vld.idx.msk [tilespmem:v7+s2+$0x0], $0xffff  }
0x17c: {  	v13 =	vadd.s32 $0x2200, v0;
	v8 =	vld.idx.msk [tilespmem:v8+s2+$0x0], $0xffff  }
0x17d: {  	v14 =	vadd.s32 $0x2280, v0;
	v9 =	vld.idx.msk [tilespmem:v9+s2+$0x0], $0xffff  }
0x17e: {  	v15 =	vadd.s32 $0x2300, v0;
	v10 =	vld.idx.msk [tilespmem:v10+s2+$0x0], $0xffff  }
0x17f: {  	v16 =	vadd.s32 $0x2380, v0;
	v11 =	vld.idx.msk [tilespmem:v11+s2+$0x0], $0xffff  }
0x180: {  	v12 =	vld.idx.msk [tilespmem:v12+s2+$0x0], $0xffff  }
0x181: {  	s5 =	sshll.u32 s3, $0x3;
	v13 =	vld.idx.msk [tilespmem:v13+s2+$0x0], $0xffff  }
0x182: {  	s3 =	sand.u32 $0x78, s3;
	s5 =	sand.u32 $0x1C00, s5;
	v14 =	vld.idx.msk [tilespmem:v14+s2+$0x0], $0xffff  }
0x183: {  	s3 =	sor.u32 s3, s5;
	v15 =	vld.idx.msk [tilespmem:v15+s2+$0x0], $0xffff  }
0x184: {  	v16 =	vld.idx.msk [tilespmem:v16+s2+$0x0], $0xffff;
	[tilespmem:s3+$0x8800] =	vst v5  }
0x185: {  	[tilespmem:s3+$0x8880] =	vst v1  }
0x186: {  	[tilespmem:s3+$0x8900] =	vst v2  }
0x187: {  	[tilespmem:s3+$0x8980] =	vst v3  }
0x188: {  	[tilespmem:s3+$0x8A00] =	vst v4  }
0x189: {  	[tilespmem:s3+$0x8A80] =	vst v6  }
0x18a: {  	[tilespmem:s3+$0x8B00] =	vst v7  }
0x18b: {  	[tilespmem:s3+$0x8B80] =	vst v8  }
0x18c: {  	[tilespmem:s3+$0xA800] =	vst v9  }
0x18d: {  	[tilespmem:s3+$0xA880] =	vst v10  }
0x18e: {  	[tilespmem:s3+$0xA900] =	vst v11  }
0x18f: {  	v49 =	vadd.s32 $0x4000, v0;
	[tilespmem:s3+$0xA980] =	vst v12  }
0x190: {  	v50 =	vadd.s32 $0x4080, v0;
	[tilespmem:s3+$0xAA00] =	vst v13  }
0x191: {  	v51 =	vadd.s32 $0x4100, v0;
	[tilespmem:s3+$0xAA80] =	vst v14  }
0x192: {  	v52 =	vadd.s32 $0x4180, v0;
	[tilespmem:s3+$0xAB00] =	vst v15  }
0x193: {  	v53 =	vadd.s32 $0x4200, v0;
	[tilespmem:s3+$0xAB80] =	vst v16  }
0x194: {  	v54 =	vadd.s32 $0x4280, v0;
	v1 =	vld.idx.msk [tilespmem:v49+s2+$0x0], $0xffff  }
0x195: {  	v55 =	vadd.s32 $0x4300, v0;
	v2 =	vld.idx.msk [tilespmem:v50+s2+$0x0], $0xffff  }
0x196: {  	v56 =	vadd.s32 $0x4380, v0;
	v3 =	vld.idx.msk [tilespmem:v51+s2+$0x0], $0xffff  }
0x197: {  	v57 =	vadd.s32 $0x6000, v0;
	v4 =	vld.idx.msk [tilespmem:v52+s2+$0x0], $0xffff  }
0x198: {  	v58 =	vadd.s32 $0x6080, v0;
	v5 =	vld.idx.msk [tilespmem:v53+s2+$0x0], $0xffff  }
0x199: {  	v59 =	vadd.s32 $0x6100, v0;
	v6 =	vld.idx.msk [tilespmem:v54+s2+$0x0], $0xffff  }
0x19a: {  	v60 =	vadd.s32 $0x6180, v0;
	v7 =	vld.idx.msk [tilespmem:v55+s2+$0x0], $0xffff  }
0x19b: {  	v61 =	vadd.s32 $0x6200, v0;
	v8 =	vld.idx.msk [tilespmem:v56+s2+$0x0], $0xffff  }
0x19c: {  	v62 =	vadd.s32 $0x6280, v0;
	v9 =	vld.idx.msk [tilespmem:v57+s2+$0x0], $0xffff  }
0x19d: {  	v63 =	vadd.s32 $0x6300, v0;
	v10 =	vld.idx.msk [tilespmem:v58+s2+$0x0], $0xffff  }
0x19e: {  	v0 =	vadd.s32 $0x6380, v0;
	v11 =	vld.idx.msk [tilespmem:v59+s2+$0x0], $0xffff  }
0x19f: {  	v12 =	vld.idx.msk [tilespmem:v60+s2+$0x0], $0xffff  }
0x1a0: {  	v13 =	vld.idx.msk [tilespmem:v61+s2+$0x0], $0xffff  }
0x1a1: {  	v14 =	vld.idx.msk [tilespmem:v62+s2+$0x0], $0xffff  }
0x1a2: {  	v15 =	vld.idx.msk [tilespmem:v63+s2+$0x0], $0xffff  }
0x1a3: {  	v0 =	vld.idx.msk [tilespmem:v0+s2+$0x0], $0xffff;
	[tilespmem:s3+$0xC800] =	vst v1  }
0x1a4: {  	[tilespmem:s3+$0xC880] =	vst v2  }
0x1a5: {  	[tilespmem:s3+$0xC900] =	vst v3  }
0x1a6: {  	[tilespmem:s3+$0xC980] =	vst v4  }
0x1a7: {  	[tilespmem:s3+$0xCA00] =	vst v5  }
0x1a8: {  	[tilespmem:s3+$0xCA80] =	vst v6  }
0x1a9: {  	[tilespmem:s3+$0xCB00] =	vst v7  }
0x1aa: {  	[tilespmem:s3+$0xCB80] =	vst v8  }
0x1ab: {  	[tilespmem:s3+$0xE800] =	vst v9  }
0x1ac: {  	[tilespmem:s3+$0xE880] =	vst v10  }
0x1ad: {  	p0 =	sne.s32 s0, $0x3E0;
	[tilespmem:s3+$0xE900] =	vst v11  }
.Ltmp5:
0x1ae: {  	[tilespmem:s3+$0xE980] =	vst v12;
	(pc) =	sbr.rel @p0 .LBB2_12-.Ltmp5, $4  }
0x1af: {  	[tilespmem:s3+$0xEA00] =	vst v13  }
0x1b0: {  	[tilespmem:s3+$0xEA80] =	vst v14  }
0x1b1: {  	[tilespmem:s3+$0xEB00] =	vst v15  }
0x1b2: {  	s0 =	sadd.s32 $0x10, s0;
	[tilespmem:s3+$0xEB80] =	vst v0  }
0x1b3: {  	s0 =	simm.s32 $0x0  }
0x1b4: {  	[hbm4b:s15+s0] =	stream.linear.scatter [tilespmem:s24], [sflag:$0x3], $0x8000, $0x38;
	[tilespmem:$0x18800] =	vst v63  }
0x1b5: {  	_ =	swait.ge [sflag:s25], $0x400  }
0x1b6: {  	[sflag:s25] =	ssyncset.done $0x0  }
0x1b7: {  	[sflag:s25] =	ssyncadd.s32 $0xFFFFFC00  }
0x1b8: {  	_ =	swait.ge [sflag:s29], $0x8000  }
0x1b9: {  	[sflag:s29] =	ssyncset.done $0x0  }
0x1ba: {  	[sflag:s29] =	ssyncadd.s32 $0xFFFF8000  }
.LBB2_14:
0x1bb: {  	s3 =	smin.u32 s0, $0x3D8  }
0x1bc: {  	v0 =	vld [tilespmem:s3+$0x8400];
	_ =	sdelay $0x4  }
0x1bd: {  	v1 =	vshll.u32 v0, $0x3  }
0x1be: {  	v0 =	vand.u32 $0x7F, v0;
	v1 =	vand.u32 $0xFFFFFC00, v1  }
0x1bf: {  	v0 =	vor.u32 v0, v1  }
0x1c0: {  	v1 =	vor.u32 $0x80, v0  }
0x1c1: {  	v2 =	vor.u32 $0x100, v0  }
0x1c2: {  	v3 =	vor.u32 $0x180, v0  }
0x1c3: {  	v4 =	vor.u32 $0x200, v0  }
0x1c4: {  	v6 =	vor.u32 $0x280, v0;
	v5 =	vld.idx.msk [tilespmem:v0+s2+$0x0], $0xffff  }
0x1c5: {  	v7 =	vor.u32 $0x300, v0;
	v1 =	vld.idx.msk [tilespmem:v1+s2+$0x0], $0xffff  }
0x1c6: {  	v8 =	vor.u32 $0x380, v0;
	v2 =	vld.idx.msk [tilespmem:v2+s2+$0x0], $0xffff  }
0x1c7: {  	v9 =	vadd.s32 $0x2000, v0;
	v3 =	vld.idx.msk [tilespmem:v3+s2+$0x0], $0xffff  }
0x1c8: {  	v10 =	vadd.s32 $0x2080, v0;
	v4 =	vld.idx.msk [tilespmem:v4+s2+$0x0], $0xffff  }
0x1c9: {  	v11 =	vadd.s32 $0x2100, v0;
	v6 =	vld.idx.msk [tilespmem:v6+s2+$0x0], $0xffff  }
0x1ca: {  	v12 =	vadd.s32 $0x2180, v0;
	v7 =	vld.idx.msk [tilespmem:v7+s2+$0x0], $0xffff  }
0x1cb: {  	v13 =	vadd.s32 $0x2200, v0;
	v8 =	vld.idx.msk [tilespmem:v8+s2+$0x0], $0xffff  }
0x1cc: {  	v14 =	vadd.s32 $0x2280, v0;
	v9 =	vld.idx.msk [tilespmem:v9+s2+$0x0], $0xffff  }
0x1cd: {  	v15 =	vadd.s32 $0x2300, v0;
	v10 =	vld.idx.msk [tilespmem:v10+s2+$0x0], $0xffff  }
0x1ce: {  	v16 =	vadd.s32 $0x2380, v0;
	v11 =	vld.idx.msk [tilespmem:v11+s2+$0x0], $0xffff  }
0x1cf: {  	v12 =	vld.idx.msk [tilespmem:v12+s2+$0x0], $0xffff  }
0x1d0: {  	s5 =	sshll.u32 s3, $0x3;
	v13 =	vld.idx.msk [tilespmem:v13+s2+$0x0], $0xffff  }
0x1d1: {  	s3 =	sand.u32 $0x78, s3;
	s5 =	sand.u32 $0x1C00, s5;
	v14 =	vld.idx.msk [tilespmem:v14+s2+$0x0], $0xffff  }
0x1d2: {  	s3 =	sor.u32 s3, s5;
	v15 =	vld.idx.msk [tilespmem:v15+s2+$0x0], $0xffff  }
0x1d3: {  	s5 =	sadd.s32 $0x10800, s3;
	v16 =	vld.idx.msk [tilespmem:v16+s2+$0x0], $0xffff;
	[tilespmem:s3+$0x10800] =	vst v5  }
0x1d4: {  	[tilespmem:s5+$0x80] =	vst v1  }
0x1d5: {  	[tilespmem:s5+$0x100] =	vst v2  }
0x1d6: {  	[tilespmem:s5+$0x180] =	vst v3  }
0x1d7: {  	[tilespmem:s5+$0x200] =	vst v4  }
0x1d8: {  	[tilespmem:s5+$0x280] =	vst v6  }
0x1d9: {  	[tilespmem:s5+$0x300] =	vst v7  }
0x1da: {  	[tilespmem:s5+$0x380] =	vst v8  }
0x1db: {  	[tilespmem:s3+$0x12800] =	vst v9  }
0x1dc: {  	[tilespmem:s3+$0x12880] =	vst v10  }
0x1dd: {  	[tilespmem:s3+$0x12900] =	vst v11  }
0x1de: {  	v49 =	vadd.s32 $0x4000, v0;
	[tilespmem:s3+$0x12980] =	vst v12  }
0x1df: {  	v50 =	vadd.s32 $0x4080, v0;
	[tilespmem:s3+$0x12A00] =	vst v13  }
0x1e0: {  	v51 =	vadd.s32 $0x4100, v0;
	[tilespmem:s3+$0x12A80] =	vst v14  }
0x1e1: {  	v52 =	vadd.s32 $0x4180, v0;
	[tilespmem:s3+$0x12B00] =	vst v15  }
0x1e2: {  	v53 =	vadd.s32 $0x4200, v0;
	[tilespmem:s3+$0x12B80] =	vst v16  }
0x1e3: {  	v54 =	vadd.s32 $0x4280, v0;
	v1 =	vld.idx.msk [tilespmem:v49+s2+$0x0], $0xffff  }
0x1e4: {  	v55 =	vadd.s32 $0x4300, v0;
	v2 =	vld.idx.msk [tilespmem:v50+s2+$0x0], $0xffff  }
0x1e5: {  	v56 =	vadd.s32 $0x4380, v0;
	v3 =	vld.idx.msk [tilespmem:v51+s2+$0x0], $0xffff  }
0x1e6: {  	v57 =	vadd.s32 $0x6000, v0;
	v4 =	vld.idx.msk [tilespmem:v52+s2+$0x0], $0xffff  }
0x1e7: {  	v58 =	vadd.s32 $0x6080, v0;
	v5 =	vld.idx.msk [tilespmem:v53+s2+$0x0], $0xffff  }
0x1e8: {  	v59 =	vadd.s32 $0x6100, v0;
	v6 =	vld.idx.msk [tilespmem:v54+s2+$0x0], $0xffff  }
0x1e9: {  	v60 =	vadd.s32 $0x6180, v0;
	v7 =	vld.idx.msk [tilespmem:v55+s2+$0x0], $0xffff  }
0x1ea: {  	v61 =	vadd.s32 $0x6200, v0;
	v8 =	vld.idx.msk [tilespmem:v56+s2+$0x0], $0xffff  }
0x1eb: {  	v62 =	vadd.s32 $0x6280, v0;
	v9 =	vld.idx.msk [tilespmem:v57+s2+$0x0], $0xffff  }
0x1ec: {  	v63 =	vadd.s32 $0x6300, v0;
	v10 =	vld.idx.msk [tilespmem:v58+s2+$0x0], $0xffff  }
0x1ed: {  	v0 =	vadd.s32 $0x6380, v0;
	v11 =	vld.idx.msk [tilespmem:v59+s2+$0x0], $0xffff  }
0x1ee: {  	v12 =	vld.idx.msk [tilespmem:v60+s2+$0x0], $0xffff  }
0x1ef: {  	v13 =	vld.idx.msk [tilespmem:v61+s2+$0x0], $0xffff  }
0x1f0: {  	v14 =	vld.idx.msk [tilespmem:v62+s2+$0x0], $0xffff  }
0x1f1: {  	v15 =	vld.idx.msk [tilespmem:v63+s2+$0x0], $0xffff  }
0x1f2: {  	v0 =	vld.idx.msk [tilespmem:v0+s2+$0x0], $0xffff;
	[tilespmem:s3+$0x14800] =	vst v1  }
0x1f3: {  	[tilespmem:s3+$0x14880] =	vst v2  }
0x1f4: {  	[tilespmem:s3+$0x14900] =	vst v3  }
0x1f5: {  	[tilespmem:s3+$0x14980] =	vst v4  }
0x1f6: {  	[tilespmem:s3+$0x14A00] =	vst v5  }
0x1f7: {  	[tilespmem:s3+$0x14A80] =	vst v6  }
0x1f8: {  	[tilespmem:s3+$0x14B00] =	vst v7  }
0x1f9: {  	[tilespmem:s3+$0x14B80] =	vst v8  }
0x1fa: {  	[tilespmem:s3+$0x16800] =	vst v9  }
0x1fb: {  	[tilespmem:s3+$0x16880] =	vst v10  }
0x1fc: {  	p0 =	sne.s32 s0, $0x3E0;
	[tilespmem:s3+$0x16900] =	vst v11  }
.Ltmp6:
0x1fd: {  	[tilespmem:s3+$0x16980] =	vst v12;
	(pc) =	sbr.rel @p0 .LBB2_14-.Ltmp6, $4  }
0x1fe: {  	[tilespmem:s3+$0x16A00] =	vst v13  }
0x1ff: {  	[tilespmem:s3+$0x16A80] =	vst v14  }
0x200: {  	[tilespmem:s3+$0x16B00] =	vst v15  }
0x201: {  	s0 =	sadd.s32 $0x10, s0;
	[tilespmem:s3+$0x16B80] =	vst v0  }
0x202: {  	[hbm4b:s16+s2] =	stream.linear.scatter [tilespmem:s26], [sflag:$0x4], $0x8000, $0x38;
	[tilespmem:$0x18800] =	vst v63  }
0x203: {  	s30 =	sadd.s32 $0x1, s30  }
0x204: {  	_ =	swait.ge [sflag:s28], $0x8000;
	p0 =	sne.s32 s30, s17  }
.Ltmp7:
0x205: {  	[sflag:s28] =	ssyncset.done $0x0;
	(pc) =	sbr.rel @p0 .LBB2_1-.Ltmp7, $4  }
0x206: {  	[sflag:s28] =	ssyncadd.s32 $0xFFFF8000  }
0x207: {  	_ =	swait.ge [sflag:s29], $0x8000  }
0x208: {  	[sflag:s29] =	ssyncset.done $0x0  }
0x209: {  	[sflag:s29] =	ssyncadd.s32 $0xFFFF8000  }
0x20a: {  	_ =	sfence.sel $0x180000  }
0x20b: {  	[bflag:$0x0] =	sbarrier.arrive $0xFFFF  }
0x20c: {  	_ =	strace $0x90000047  }
0x20d: {  	s0 =	stileid.u32;
	[bflag:$0x2] =	sbarrier.arrive $0xFFFF  }
0x20e: {  	p0 =	sne.s32 s0, $0x0;
	s0 =	rddreg [dreg:$0x3]  }
0x20f: {  	s0 =	sadd.s32 @!p0 $0x100000, s0  }
0x210: {  	[sflag:s0] =	ssyncadd.tile.s32 @!p0 $0x1;
	_ =	shalt  }
.Lfunc_end2:
_tile_overlayer_lowered:
.L_overlay_start_2:
0x211: {  	(tag) =	ssettag $0x2  }
0x212: {  	s0 =	rddreg [dreg:$0x0];
	s2 =	stileid.u32  }
0x213: {  	s1 =	rddreg [dreg:$0x1];
	p0 =	sne.s32 s2, $0x0  }
0x214: {  	s3 =	rddreg [dreg:$0x2];
	[bflag:$0x3] =	sbarrier.arrive $0xFFFF;
	s2 =	simm.s32 @!p0 $0x1C05  }
0x215: {  	[timem:s3], [sflag:s2] =	dma.local @!p0 [hbm:s0], s1  }
0x216: {  	s0 =	simm.s32 @!p0 $0x5  }
0x217: {  	_ =	swait.ge @!p0 [sflag:s0], s1  }
0x218: {  	s1 =	ssub.s32 @!p0 $0x0, s1;
	[sflag:s0] =	ssyncset.done @!p0 $0x0  }
0x219: {  	[sflag:s0] =	ssyncadd.s32 @!p0 s1  }
0x21a: {  	[bflag:$0x3] =	sbarrier.arrive $0xFFFF  }
0x21b: {  	_ =	shalt  }

</sc_bundles>
